<compile_context>
chip_gen: v7x
topology: tpu7x:2x2x1
jax: 0.10.2.dev20260603
libtpu: 0.0.44.dev20260713+nightly
codegen_flags: <defaults>
</compile_context>

<pallas_src>
import functools

import jax
import jax.numpy as jnp
from jax import lax
from jax.experimental import pallas as pl
from jax.experimental.pallas import tpu as pltpu
from jax.experimental.pallas import tpu_sc as plsc

_LANES = 16
_NW = 32
_CH = 32
_NSLOT = 2


def _sc_body(B, L, D, x_raw, pos_hbm, out_raw, xbuf, pbuf,
             sx0, sx1, sx2, sx3, st0, st1, st2, st3, sp):
    x_hbm = x_raw.reshape(B * L, D)
    out_hbm = out_raw.reshape(B * L, D)
    cid = lax.axis_index("c")
    sid = lax.axis_index("s")
    wid = sid * 2 + cid
    pos_per_w = L // _NW
    n_chunks = pos_per_w // _CH
    pos_lo = wid * pos_per_w

    sem_x = [sx0, sx1, sx2, sx3]
    sem_st = [st0, st1, st2, st3]
    steps = [(c, b) for c in range(n_chunks) for b in range(B)]
    n_steps = len(steps)

    def x_row(c, b):
        return b * L + pos_lo + c * _CH

    descs = {}

    def start_load_x(i):
        c, b = steps[i]
        descs["x", i] = pltpu.async_copy(
            x_hbm.at[pl.ds(x_row(c, b), _CH), :], xbuf.at[i % _NSLOT],
            sem_x[i % _NSLOT])

    def start_load_p(c):
        descs["p", c] = pltpu.async_copy(
            pos_hbm.at[pl.ds(pos_lo + c * _CH, _CH), :], pbuf.at[0], sp)

    def start_store(i):
        c, b = steps[i]
        descs["st", i] = pltpu.async_copy(
            xbuf.at[i % _NSLOT], out_hbm.at[pl.ds(x_row(c, b), _CH), :],
            sem_st[i % _NSLOT])

    start_load_p(0)
    for j in range(min(_NSLOT - 1, n_steps)):
        start_load_x(j)
    for i, (c, b) in enumerate(steps):
        slot = i % _NSLOT
        if b == 0:
            descs["p", c].wait()
        j = i + _NSLOT - 1
        if j < n_steps:
            if j >= _NSLOT:
                descs["st", j - _NSLOT].wait()
            start_load_x(j)
        descs["x", i].wait()

        n_sl = D // _LANES

        def add_slice(t, slot=slot):
            r = t // n_sl
            sl = pl.ds(lax.rem(t, n_sl) * _LANES, _LANES)
            plsc.addupdate(xbuf.at[slot, r, sl], pbuf[0, r, sl])

        plsc.parallel_loop(0, _CH * n_sl, 1, unroll=8)(add_slice)
        if b == B - 1 and c + 1 < n_chunks:
            start_load_p(c + 1)
        start_store(i)
    for i in range(max(0, n_steps - _NSLOT), n_steps):
        descs["st", i].wait()


def kernel(x, pos_table):
    B, L, D = x.shape

    mesh = plsc.VectorSubcoreMesh(core_axis_name="c", subcore_axis_name="s")
    sc = pl.kernel(
        functools.partial(_sc_body, B, L, D),
        out_type=jax.ShapeDtypeStruct((B, L, D), jnp.float32),
        mesh=mesh,
        scratch_types=[
            pltpu.VMEM((_NSLOT, _CH, D), jnp.float32),
            pltpu.VMEM((1, _CH, D), jnp.float32),
            pltpu.SemaphoreType.DMA,
            pltpu.SemaphoreType.DMA,
            pltpu.SemaphoreType.DMA,
            pltpu.SemaphoreType.DMA,
            pltpu.SemaphoreType.DMA,
            pltpu.SemaphoreType.DMA,
            pltpu.SemaphoreType.DMA,
            pltpu.SemaphoreType.DMA,
            pltpu.SemaphoreType.DMA,
        ],
    )
    return sc(x, pos_table)

# --- scband reference (transcript-rebuilt; emitter-appended) ---
"""Pipeline reference for scband-learnable-positional-encoding-25701084299727 (READ-ONLY COPY).

The authoritative reference and input builder live on the scoring server;
editing this copy changes nothing except your own understanding.
"""

import jax, jax.numpy as jnp
import numpy as np

D_MODEL = 1024
MAX_LEN = 8192

def setup_inputs(seed: int = 0) -> dict:
    key = jax.random.key(seed)
    k1, k2 = jax.random.split(key)
    x = jax.random.normal(k1, (4, 4096, D_MODEL), dtype=jnp.float32)
    pos_table = jax.random.normal(k2, (MAX_LEN, D_MODEL), dtype=jnp.float32) * 0.02
    return {"x": x, "pos_table": pos_table}

def reference(x, pos_table):
    B, L, D = x.shape
    positions = jnp.arange(L)
    positions = jnp.broadcast_to(positions[None, :], (B, L))
    pos_emb = jnp.take(pos_table, positions, axis=0)  # [B, L, D]
    out = x + pos_emb
    # dropout is identity in eval mode
    return out

if __name__ == "__main__":
    import jax
    _d = setup_inputs()
    print(jax.jit(kernel)(*tuple(_d.values())))

</pallas_src>

<mosaic_0001>
#map = affine_map<(d0, d1) -> (0, 0, 0)>
#map1 = affine_map<(d0, d1) -> (0, 0)>
module attributes {stable_mosaic.version = 14 : i64} {
  func.func @_sc_body(%arg0: i32, %arg1: i32, %arg2: memref<4x4096x1024xf32, #tpu.memory_space<hbm>>, %arg3: memref<8192x1024xf32, #tpu.memory_space<hbm>>, %arg4: memref<4x4096x1024xf32, #tpu.memory_space<hbm>>, %arg5: memref<2x32x1024xf32, #tpu.memory_space<vmem>>, %arg6: memref<1x32x1024xf32, #tpu.memory_space<vmem>>, %arg7: memref<!tpu.dma_semaphore, #tpu.memory_space<semaphore_mem>>, %arg8: memref<!tpu.dma_semaphore, #tpu.memory_space<semaphore_mem>>, %arg9: memref<!tpu.dma_semaphore, #tpu.memory_space<semaphore_mem>>, %arg10: memref<!tpu.dma_semaphore, #tpu.memory_space<semaphore_mem>>, %arg11: memref<!tpu.dma_semaphore, #tpu.memory_space<semaphore_mem>>, %arg12: memref<!tpu.dma_semaphore, #tpu.memory_space<semaphore_mem>>, %arg13: memref<!tpu.dma_semaphore, #tpu.memory_space<semaphore_mem>>, %arg14: memref<!tpu.dma_semaphore, #tpu.memory_space<semaphore_mem>>, %arg15: memref<!tpu.dma_semaphore, #tpu.memory_space<semaphore_mem>>) attributes {dimension_semantics = [#tpu.dimension_semantics<core_parallel>, #tpu.dimension_semantics<subcore_parallel>], iteration_bounds = array<i64: 2, 16>, scalar_prefetch = 0 : i64, scratch_operands = 11 : i64, tpu.core_type = #tpu.core_type<sc_vector_subcore>, window_params = [{transform_indices = #map}, {transform_indices = #map1}, {transform_indices = #map}]} {
    %mul3A = arith.constant 2 : i32
    %mul3A_0 = arith.muli %arg1, %mul3A : i32
    %add3A = arith.addi %mul3A_0, %arg0 : i32
    %mul3A_1 = arith.constant 128 : i32
    %mul3A_2 = arith.muli %add3A, %mul3A_1 : i32
    %add3A_3 = arith.constant 0 : i32
    %add3A_4 = arith.addi %mul3A_2, %add3A_3 : i32
    %dma_start3A = arith.constant 0 : i32
    %dma_start3A_5 = arith.constant 0 : i32
    %dma_start3A_6 = arith.constant 0 : i32
    %dma_start3A_7 = tpu.memref_slice %arg6[%dma_start3A, %dma_start3A_5, %dma_start3A_6] : memref<1x32x1024xf32, #tpu.memory_space<vmem>> -> memref<1x32x1024xf32, #tpu.memory_space<vmem>>
    %dma_start3A_8 = tpu.memref_squeeze %dma_start3A_7 : memref<1x32x1024xf32, #tpu.memory_space<vmem>> -> memref<32x1024xf32, #tpu.memory_space<vmem>>
    %dma_start3A_9 = arith.constant 0 : i32
    %dma_start3A_10 = tpu.memref_slice %arg3[%add3A_4, %dma_start3A_9] : memref<8192x1024xf32, #tpu.memory_space<hbm>> -> memref<32x1024xf32, #tpu.memory_space<hbm>>
    %dma_start3A_11 = arith.constant 0 : i32
    %dma_start3A_12 = arith.constant 0 : i32
    %dma_start3A_13 = tpu.memref_slice %arg6[%dma_start3A, %dma_start3A_11, %dma_start3A_12] : memref<1x32x1024xf32, #tpu.memory_space<vmem>> -> memref<1x32x1024xf32, #tpu.memory_space<vmem>>
    %dma_start3A_14 = tpu.memref_squeeze %dma_start3A_13 : memref<1x32x1024xf32, #tpu.memory_space<vmem>> -> memref<32x1024xf32, #tpu.memory_space<vmem>>
    %dma_start3A_15 = arith.constant 0 : i32
    %dma_start3A_16 = tpu.memref_slice %arg3[%add3A_4, %dma_start3A_15] : memref<8192x1024xf32, #tpu.memory_space<hbm>> -> memref<32x1024xf32, #tpu.memory_space<hbm>>
    tpu.enqueue_dma source(%dma_start3A_16 : memref<32x1024xf32, #tpu.memory_space<hbm>>) target(%dma_start3A_14 : memref<32x1024xf32, #tpu.memory_space<vmem>>) target_semaphore(%arg15 : memref<!tpu.dma_semaphore, #tpu.memory_space<semaphore_mem>>)
    %add3A_17 = arith.constant 0 : i32
    %add3A_18 = arith.addi %add3A_17, %mul3A_2 : i32
    %add3A_19 = arith.constant 0 : i32
    %add3A_20 = arith.addi %add3A_18, %add3A_19 : i32
    %dma_start3A_21 = arith.constant 0 : i32
    %dma_start3A_22 = arith.constant 0 : i32
    %dma_start3A_23 = arith.constant 0 : i32
    %dma_start3A_24 = tpu.memref_slice %arg5[%dma_start3A_21, %dma_start3A_22, %dma_start3A_23] : memref<2x32x1024xf32, #tpu.memory_space<vmem>> -> memref<1x32x1024xf32, #tpu.memory_space<vmem>>
    %dma_start3A_25 = tpu.memref_squeeze %dma_start3A_24 : memref<1x32x1024xf32, #tpu.memory_space<vmem>> -> memref<32x1024xf32, #tpu.memory_space<vmem>>
    %dma_start3A_26 = tpu.memref_reshape %arg2 : memref<4x4096x1024xf32, #tpu.memory_space<hbm>> -> memref<16384x1024xf32, #tpu.memory_space<hbm>>
    %dma_start3A_27 = arith.constant 0 : i32
    %dma_start3A_28 = tpu.memref_slice %dma_start3A_26[%add3A_20, %dma_start3A_27] : memref<16384x1024xf32, #tpu.memory_space<hbm>> -> memref<32x1024xf32, #tpu.memory_space<hbm>>
    %dma_start3A_29 = arith.constant 0 : i32
    %dma_start3A_30 = arith.constant 0 : i32
    %dma_start3A_31 = tpu.memref_slice %arg5[%dma_start3A_21, %dma_start3A_29, %dma_start3A_30] : memref<2x32x1024xf32, #tpu.memory_space<vmem>> -> memref<1x32x1024xf32, #tpu.memory_space<vmem>>
    %dma_start3A_32 = tpu.memref_squeeze %dma_start3A_31 : memref<1x32x1024xf32, #tpu.memory_space<vmem>> -> memref<32x1024xf32, #tpu.memory_space<vmem>>
    %dma_start3A_33 = tpu.memref_reshape %arg2 : memref<4x4096x1024xf32, #tpu.memory_space<hbm>> -> memref<16384x1024xf32, #tpu.memory_space<hbm>>
    %dma_start3A_34 = arith.constant 0 : i32
    %dma_start3A_35 = tpu.memref_slice %dma_start3A_33[%add3A_20, %dma_start3A_34] : memref<16384x1024xf32, #tpu.memory_space<hbm>> -> memref<32x1024xf32, #tpu.memory_space<hbm>>
    tpu.enqueue_dma source(%dma_start3A_35 : memref<32x1024xf32, #tpu.memory_space<hbm>>) target(%dma_start3A_32 : memref<32x1024xf32, #tpu.memory_space<vmem>>) target_semaphore(%arg7 : memref<!tpu.dma_semaphore, #tpu.memory_space<semaphore_mem>>)
    %dma_wait3A = arith.constant 0 : i32
    %dma_wait3A_36 = arith.constant 0 : i32
    %dma_wait3A_37 = arith.constant 0 : i32
    %dma_wait3A_38 = tpu.memref_slice %arg6[%dma_wait3A, %dma_wait3A_36, %dma_wait3A_37] : memref<1x32x1024xf32, #tpu.memory_space<vmem>> -> memref<1x32x1024xf32, #tpu.memory_space<vmem>>
    %dma_wait3A_39 = tpu.memref_squeeze %dma_wait3A_38 : memref<1x32x1024xf32, #tpu.memory_space<vmem>> -> memref<32x1024xf32, #tpu.memory_space<vmem>>
    %dma_wait3A_40 = arith.constant 0 : i32
    %dma_wait3A_41 = tpu.memref_slice %arg3[%add3A_4, %dma_wait3A_40] : memref<8192x1024xf32, #tpu.memory_space<hbm>> -> memref<32x1024xf32, #tpu.memory_space<hbm>>
    %dma_wait3A_42 = arith.constant 0 : i32
    %dma_wait3A_43 = arith.constant 0 : i32
    %dma_wait3A_44 = tpu.memref_slice %arg6[%dma_wait3A, %dma_wait3A_42, %dma_wait3A_43] : memref<1x32x1024xf32, #tpu.memory_space<vmem>> -> memref<1x32x1024xf32, #tpu.memory_space<vmem>>
    %dma_wait3A_45 = tpu.memref_squeeze %dma_wait3A_44 : memref<1x32x1024xf32, #tpu.memory_space<vmem>> -> memref<32x1024xf32, #tpu.memory_space<vmem>>
    %dma_wait3A_46 = arith.constant 0 : i32
    %dma_wait3A_47 = tpu.memref_slice %arg3[%add3A_4, %dma_wait3A_46] : memref<8192x1024xf32, #tpu.memory_space<hbm>> -> memref<32x1024xf32, #tpu.memory_space<hbm>>
    tpu.wait_dma2 semaphore(%arg15 : memref<!tpu.dma_semaphore, #tpu.memory_space<semaphore_mem>>) src(%dma_wait3A_47 : memref<32x1024xf32, #tpu.memory_space<hbm>>) dst(%dma_wait3A_45 : memref<32x1024xf32, #tpu.memory_space<vmem>>)
    %add3A_48 = arith.constant 4096 : i32
    %add3A_49 = arith.addi %add3A_48, %mul3A_2 : i32
    %add3A_50 = arith.constant 0 : i32
    %add3A_51 = arith.addi %add3A_49, %add3A_50 : i32
    %dma_start3A_52 = arith.constant 1 : i32
    %dma_start3A_53 = arith.constant 0 : i32
    %dma_start3A_54 = arith.constant 0 : i32
    %dma_start3A_55 = tpu.memref_slice %arg5[%dma_start3A_52, %dma_start3A_53, %dma_start3A_54] : memref<2x32x1024xf32, #tpu.memory_space<vmem>> -> memref<1x32x1024xf32, #tpu.memory_space<vmem>>
    %dma_start3A_56 = tpu.memref_squeeze %dma_start3A_55 : memref<1x32x1024xf32, #tpu.memory_space<vmem>> -> memref<32x1024xf32, #tpu.memory_space<vmem>>
    %dma_start3A_57 = tpu.memref_reshape %arg2 : memref<4x4096x1024xf32, #tpu.memory_space<hbm>> -> memref<16384x1024xf32, #tpu.memory_space<hbm>>
    %dma_start3A_58 = arith.constant 0 : i32
    %dma_start3A_59 = tpu.memref_slice %dma_start3A_57[%add3A_51, %dma_start3A_58] : memref<16384x1024xf32, #tpu.memory_space<hbm>> -> memref<32x1024xf32, #tpu.memory_space<hbm>>
    %dma_start3A_60 = arith.constant 0 : i32
    %dma_start3A_61 = arith.constant 0 : i32
    %dma_start3A_62 = tpu.memref_slice %arg5[%dma_start3A_52, %dma_start3A_60, %dma_start3A_61] : memref<2x32x1024xf32, #tpu.memory_space<vmem>> -> memref<1x32x1024xf32, #tpu.memory_space<vmem>>
    %dma_start3A_63 = tpu.memref_squeeze %dma_start3A_62 : memref<1x32x1024xf32, #tpu.memory_space<vmem>> -> memref<32x1024xf32, #tpu.memory_space<vmem>>
    %dma_start3A_64 = tpu.memref_reshape %arg2 : memref<4x4096x1024xf32, #tpu.memory_space<hbm>> -> memref<16384x1024xf32, #tpu.memory_space<hbm>>
    %dma_start3A_65 = arith.constant 0 : i32
    %dma_start3A_66 = tpu.memref_slice %dma_start3A_64[%add3A_51, %dma_start3A_65] : memref<16384x1024xf32, #tpu.memory_space<hbm>> -> memref<32x1024xf32, #tpu.memory_space<hbm>>
    tpu.enqueue_dma source(%dma_start3A_66 : memref<32x1024xf32, #tpu.memory_space<hbm>>) target(%dma_start3A_63 : memref<32x1024xf32, #tpu.memory_space<vmem>>) target_semaphore(%arg8 : memref<!tpu.dma_semaphore, #tpu.memory_space<semaphore_mem>>)
    %dma_wait3A_67 = arith.constant 0 : i32
    %dma_wait3A_68 = arith.constant 0 : i32
    %dma_wait3A_69 = arith.constant 0 : i32
    %dma_wait3A_70 = tpu.memref_slice %arg5[%dma_wait3A_67, %dma_wait3A_68, %dma_wait3A_69] : memref<2x32x1024xf32, #tpu.memory_space<vmem>> -> memref<1x32x1024xf32, #tpu.memory_space<vmem>>
    %dma_wait3A_71 = tpu.memref_squeeze %dma_wait3A_70 : memref<1x32x1024xf32, #tpu.memory_space<vmem>> -> memref<32x1024xf32, #tpu.memory_space<vmem>>
    %dma_wait3A_72 = tpu.memref_reshape %arg2 : memref<4x4096x1024xf32, #tpu.memory_space<hbm>> -> memref<16384x1024xf32, #tpu.memory_space<hbm>>
    %dma_wait3A_73 = arith.constant 0 : i32
    %dma_wait3A_74 = tpu.memref_slice %dma_wait3A_72[%add3A_20, %dma_wait3A_73] : memref<16384x1024xf32, #tpu.memory_space<hbm>> -> memref<32x1024xf32, #tpu.memory_space<hbm>>
    %dma_wait3A_75 = arith.constant 0 : i32
    %dma_wait3A_76 = arith.constant 0 : i32
    %dma_wait3A_77 = tpu.memref_slice %arg5[%dma_wait3A_67, %dma_wait3A_75, %dma_wait3A_76] : memref<2x32x1024xf32, #tpu.memory_space<vmem>> -> memref<1x32x1024xf32, #tpu.memory_space<vmem>>
    %dma_wait3A_78 = tpu.memref_squeeze %dma_wait3A_77 : memref<1x32x1024xf32, #tpu.memory_space<vmem>> -> memref<32x1024xf32, #tpu.memory_space<vmem>>
    %dma_wait3A_79 = tpu.memref_reshape %arg2 : memref<4x4096x1024xf32, #tpu.memory_space<hbm>> -> memref<16384x1024xf32, #tpu.memory_space<hbm>>
    %dma_wait3A_80 = arith.constant 0 : i32
    %dma_wait3A_81 = tpu.memref_slice %dma_wait3A_79[%add3A_20, %dma_wait3A_80] : memref<16384x1024xf32, #tpu.memory_space<hbm>> -> memref<32x1024xf32, #tpu.memory_space<hbm>>
    tpu.wait_dma2 semaphore(%arg7 : memref<!tpu.dma_semaphore, #tpu.memory_space<semaphore_mem>>) src(%dma_wait3A_81 : memref<32x1024xf32, #tpu.memory_space<hbm>>) dst(%dma_wait3A_78 : memref<32x1024xf32, #tpu.memory_space<vmem>>)
    %parallel_loop3A = arith.constant 0 : i32
    %parallel_loop3A_82 = arith.constant 2048 : i32
    %parallel_loop3A_83 = arith.constant 1 : i32
    scf.for %parallel_loop3A_1248 = %parallel_loop3A to %parallel_loop3A_82 step %parallel_loop3A_83  : i32 {
      %parallel_loop3A_1249 = arith.constant 64 : i32
      %parallel_loop3A_1250 = arith.divsi %parallel_loop3A_1248, %parallel_loop3A_1249 : i32
      %parallel_loop3A_1251 = arith.constant 0 : i32
      %parallel_loop3A_1252 = arith.cmpi sgt, %parallel_loop3A_1248, %parallel_loop3A_1251 : i32
      %parallel_loop3A_1253 = arith.extui %parallel_loop3A_1252 : i1 to i32
      %parallel_loop3A_1254 = arith.constant 0 : i32
      %parallel_loop3A_1255 = arith.cmpi slt, %parallel_loop3A_1248, %parallel_loop3A_1254 : i32
      %parallel_loop3A_1256 = arith.extui %parallel_loop3A_1255 : i1 to i32
      %parallel_loop3A_1257 = arith.subi %parallel_loop3A_1253, %parallel_loop3A_1256 : i32
      %parallel_loop3A_1258 = arith.constant 0 : i32
      %parallel_loop3A_1259 = arith.cmpi sgt, %parallel_loop3A_1249, %parallel_loop3A_1258 : i32
      %parallel_loop3A_1260 = arith.extui %parallel_loop3A_1259 : i1 to i32
      %parallel_loop3A_1261 = arith.constant 0 : i32
      %parallel_loop3A_1262 = arith.cmpi slt, %parallel_loop3A_1249, %parallel_loop3A_1261 : i32
      %parallel_loop3A_1263 = arith.extui %parallel_loop3A_1262 : i1 to i32
      %parallel_loop3A_1264 = arith.subi %parallel_loop3A_1260, %parallel_loop3A_1263 : i32
      %parallel_loop3A_1265 = arith.cmpi ne, %parallel_loop3A_1257, %parallel_loop3A_1264 : i32
      %parallel_loop3A_1266 = arith.remsi %parallel_loop3A_1248, %parallel_loop3A_1249 : i32
      %parallel_loop3A_1267 = arith.constant 0 : i32
      %parallel_loop3A_1268 = arith.cmpi ne, %parallel_loop3A_1266, %parallel_loop3A_1267 : i32
      %parallel_loop3A_1269 = arith.andi %parallel_loop3A_1265, %parallel_loop3A_1268 : i1
      %parallel_loop3A_1270 = arith.constant 1 : i32
      %parallel_loop3A_1271 = arith.subi %parallel_loop3A_1250, %parallel_loop3A_1270 : i32
      %parallel_loop3A_1272 = arith.select %parallel_loop3A_1269, %parallel_loop3A_1271, %parallel_loop3A_1250 : i32
      %parallel_loop3A_1273 = arith.constant 64 : i32
      %parallel_loop3A_1274 = arith.remsi %parallel_loop3A_1248, %parallel_loop3A_1273 : i32
      %parallel_loop3A_1275 = arith.constant 16 : i32
      %parallel_loop3A_1276 = arith.muli %parallel_loop3A_1274, %parallel_loop3A_1275 : i32
      %parallel_loop3A_1277 = arith.constant 0 : i32
      %parallel_loop3A_1278 = arith.index_cast %parallel_loop3A_1277 : i32 to index
      %parallel_loop3A_1279 = arith.index_cast %parallel_loop3A_1272 : i32 to index
      %parallel_loop3A_1280 = arith.index_cast %parallel_loop3A_1276 : i32 to index
      %parallel_loop3A_1281 = tpu.vector_load %arg6[%parallel_loop3A_1278, %parallel_loop3A_1279, %parallel_loop3A_1280] {strides = array<i32>} : memref<1x32x1024xf32, #tpu.memory_space<vmem>>, vector<1x1x16xf32>,
      %parallel_loop3A_1282 = vector.shape_cast %parallel_loop3A_1281 : vector<1x1x16xf32> to vector<16xf32>
      %parallel_loop3A_1283 = arith.constant 0 : i32
      %parallel_loop3A_1284 = arith.index_cast %parallel_loop3A_1283 : i32 to index
      %parallel_loop3A_1285 = arith.index_cast %parallel_loop3A_1272 : i32 to index
      %parallel_loop3A_1286 = arith.index_cast %parallel_loop3A_1276 : i32 to index
      %parallel_loop3A_1287 = tpu.vector_load %arg5[%parallel_loop3A_1284, %parallel_loop3A_1285, %parallel_loop3A_1286] {strides = array<i32>} : memref<2x32x1024xf32, #tpu.memory_space<vmem>>, vector<1x1x16xf32>,
      %parallel_loop3A_1288 = vector.shape_cast %parallel_loop3A_1287 : vector<1x1x16xf32> to vector<16xf32>
      %parallel_loop3A_1289 = vector.shape_cast %parallel_loop3A_1282 : vector<16xf32> to vector<1x1x16xf32>
      tpu.vector_store %arg5[%parallel_loop3A_1284, %parallel_loop3A_1285, %parallel_loop3A_1286], %parallel_loop3A_1289 {add = true, strides = array<i32>} : memref<2x32x1024xf32, #tpu.memory_space<vmem>>, vector<1x1x16xf32>,
    } {sc.loop_unroll_factor = 8 : i64, sc.parallel_access}
    %add3A_84 = arith.constant 0 : i32
    %add3A_85 = arith.addi %add3A_84, %mul3A_2 : i32
    %add3A_86 = arith.constant 0 : i32
    %add3A_87 = arith.addi %add3A_85, %add3A_86 : i32
    %dma_start3A_88 = arith.constant 0 : i32
    %dma_start3A_89 = arith.constant 0 : i32
    %dma_start3A_90 = arith.constant 0 : i32
    %dma_start3A_91 = tpu.memref_slice %arg5[%dma_start3A_88, %dma_start3A_89, %dma_start3A_90] : memref<2x32x1024xf32, #tpu.memory_space<vmem>> -> memref<1x32x1024xf32, #tpu.memory_space<vmem>>
    %dma_start3A_92 = tpu.memref_squeeze %dma_start3A_91 : memref<1x32x1024xf32, #tpu.memory_space<vmem>> -> memref<32x1024xf32, #tpu.memory_space<vmem>>
    %dma_start3A_93 = tpu.memref_reshape %arg4 : memref<4x4096x1024xf32, #tpu.memory_space<hbm>> -> memref<16384x1024xf32, #tpu.memory_space<hbm>>
    %dma_start3A_94 = arith.constant 0 : i32
    %dma_start3A_95 = tpu.memref_slice %dma_start3A_93[%add3A_87, %dma_start3A_94] : memref<16384x1024xf32, #tpu.memory_space<hbm>> -> memref<32x1024xf32, #tpu.memory_space<hbm>>
    %dma_start3A_96 = tpu.memref_reshape %arg4 : memref<4x4096x1024xf32, #tpu.memory_space<hbm>> -> memref<16384x1024xf32, #tpu.memory_space<hbm>>
    %dma_start3A_97 = arith.constant 0 : i32
    %dma_start3A_98 = tpu.memref_slice %dma_start3A_96[%add3A_87, %dma_start3A_97] : memref<16384x1024xf32, #tpu.memory_space<hbm>> -> memref<32x1024xf32, #tpu.memory_space<hbm>>
    %dma_start3A_99 = arith.constant 0 : i32
    %dma_start3A_100 = arith.constant 0 : i32
    %dma_start3A_101 = tpu.memref_slice %arg5[%dma_start3A_88, %dma_start3A_99, %dma_start3A_100] : memref<2x32x1024xf32, #tpu.memory_space<vmem>> -> memref<1x32x1024xf32, #tpu.memory_space<vmem>>
    %dma_start3A_102 = tpu.memref_squeeze %dma_start3A_101 : memref<1x32x1024xf32, #tpu.memory_space<vmem>> -> memref<32x1024xf32, #tpu.memory_space<vmem>>
    tpu.enqueue_dma source(%dma_start3A_102 : memref<32x1024xf32, #tpu.memory_space<vmem>>) target(%dma_start3A_98 : memref<32x1024xf32, #tpu.memory_space<hbm>>) target_semaphore(%arg11 : memref<!tpu.dma_semaphore, #tpu.memory_space<semaphore_mem>>)
    %dma_wait3A_103 = arith.constant 0 : i32
    %dma_wait3A_104 = arith.constant 0 : i32
    %dma_wait3A_105 = arith.constant 0 : i32
    %dma_wait3A_106 = tpu.memref_slice %arg5[%dma_wait3A_103, %dma_wait3A_104, %dma_wait3A_105] : memref<2x32x1024xf32, #tpu.memory_space<vmem>> -> memref<1x32x1024xf32, #tpu.memory_space<vmem>>
    %dma_wait3A_107 = tpu.memref_squeeze %dma_wait3A_106 : memref<1x32x1024xf32, #tpu.memory_space<vmem>> -> memref<32x1024xf32, #tpu.memory_space<vmem>>
    %dma_wait3A_108 = tpu.memref_reshape %arg4 : memref<4x4096x1024xf32, #tpu.memory_space<hbm>> -> memref<16384x1024xf32, #tpu.memory_space<hbm>>
    %dma_wait3A_109 = arith.constant 0 : i32
    %dma_wait3A_110 = tpu.memref_slice %dma_wait3A_108[%add3A_87, %dma_wait3A_109] : memref<16384x1024xf32, #tpu.memory_space<hbm>> -> memref<32x1024xf32, #tpu.memory_space<hbm>>
    %dma_wait3A_111 = tpu.memref_reshape %arg4 : memref<4x4096x1024xf32, #tpu.memory_space<hbm>> -> memref<16384x1024xf32, #tpu.memory_space<hbm>>
    %dma_wait3A_112 = arith.constant 0 : i32
    %dma_wait3A_113 = tpu.memref_slice %dma_wait3A_111[%add3A_87, %dma_wait3A_112] : memref<16384x1024xf32, #tpu.memory_space<hbm>> -> memref<32x1024xf32, #tpu.memory_space<hbm>>
    %dma_wait3A_114 = arith.constant 0 : i32
    %dma_wait3A_115 = arith.constant 0 : i32
    %dma_wait3A_116 = tpu.memref_slice %arg5[%dma_wait3A_103, %dma_wait3A_114, %dma_wait3A_115] : memref<2x32x1024xf32, #tpu.memory_space<vmem>> -> memref<1x32x1024xf32, #tpu.memory_space<vmem>>
    %dma_wait3A_117 = tpu.memref_squeeze %dma_wait3A_116 : memref<1x32x1024xf32, #tpu.memory_space<vmem>> -> memref<32x1024xf32, #tpu.memory_space<vmem>>
    tpu.wait_dma2 semaphore(%arg11 : memref<!tpu.dma_semaphore, #tpu.memory_space<semaphore_mem>>) src(%dma_wait3A_117 : memref<32x1024xf32, #tpu.memory_space<vmem>>) dst(%dma_wait3A_113 : memref<32x1024xf32, #tpu.memory_space<hbm>>)
    %add3A_118 = arith.constant 8192 : i32
    %add3A_119 = arith.addi %add3A_118, %mul3A_2 : i32
    %add3A_120 = arith.constant 0 : i32
    %add3A_121 = arith.addi %add3A_119, %add3A_120 : i32
    %dma_start3A_122 = arith.constant 0 : i32
    %dma_start3A_123 = arith.constant 0 : i32
    %dma_start3A_124 = arith.constant 0 : i32
    %dma_start3A_125 = tpu.memref_slice %arg5[%dma_start3A_122, %dma_start3A_123, %dma_start3A_124] : memref<2x32x1024xf32, #tpu.memory_space<vmem>> -> memref<1x32x1024xf32, #tpu.memory_space<vmem>>
    %dma_start3A_126 = tpu.memref_squeeze %dma_start3A_125 : memref<1x32x1024xf32, #tpu.memory_space<vmem>> -> memref<32x1024xf32, #tpu.memory_space<vmem>>
    %dma_start3A_127 = tpu.memref_reshape %arg2 : memref<4x4096x1024xf32, #tpu.memory_space<hbm>> -> memref<16384x1024xf32, #tpu.memory_space<hbm>>
    %dma_start3A_128 = arith.constant 0 : i32
    %dma_start3A_129 = tpu.memref_slice %dma_start3A_127[%add3A_121, %dma_start3A_128] : memref<16384x1024xf32, #tpu.memory_space<hbm>> -> memref<32x1024xf32, #tpu.memory_space<hbm>>
    %dma_start3A_130 = arith.constant 0 : i32
    %dma_start3A_131 = arith.constant 0 : i32
    %dma_start3A_132 = tpu.memref_slice %arg5[%dma_start3A_122, %dma_start3A_130, %dma_start3A_131] : memref<2x32x1024xf32, #tpu.memory_space<vmem>> -> memref<1x32x1024xf32, #tpu.memory_space<vmem>>
    %dma_start3A_133 = tpu.memref_squeeze %dma_start3A_132 : memref<1x32x1024xf32, #tpu.memory_space<vmem>> -> memref<32x1024xf32, #tpu.memory_space<vmem>>
    %dma_start3A_134 = tpu.memref_reshape %arg2 : memref<4x4096x1024xf32, #tpu.memory_space<hbm>> -> memref<16384x1024xf32, #tpu.memory_space<hbm>>
    %dma_start3A_135 = arith.constant 0 : i32
    %dma_start3A_136 = tpu.memref_slice %dma_start3A_134[%add3A_121, %dma_start3A_135] : memref<16384x1024xf32, #tpu.memory_space<hbm>> -> memref<32x1024xf32, #tpu.memory_space<hbm>>
    tpu.enqueue_dma source(%dma_start3A_136 : memref<32x1024xf32, #tpu.memory_space<hbm>>) target(%dma_start3A_133 : memref<32x1024xf32, #tpu.memory_space<vmem>>) target_semaphore(%arg7 : memref<!tpu.dma_semaphore, #tpu.memory_space<semaphore_mem>>)
    %dma_wait3A_137 = arith.constant 1 : i32
    %dma_wait3A_138 = arith.constant 0 : i32
    %dma_wait3A_139 = arith.constant 0 : i32
    %dma_wait3A_140 = tpu.memref_slice %arg5[%dma_wait3A_137, %dma_wait3A_138, %dma_wait3A_139] : memref<2x32x1024xf32, #tpu.memory_space<vmem>> -> memref<1x32x1024xf32, #tpu.memory_space<vmem>>
    %dma_wait3A_141 = tpu.memref_squeeze %dma_wait3A_140 : memref<1x32x1024xf32, #tpu.memory_space<vmem>> -> memref<32x1024xf32, #tpu.memory_space<vmem>>
    %dma_wait3A_142 = tpu.memref_reshape %arg2 : memref<4x4096x1024xf32, #tpu.memory_space<hbm>> -> memref<16384x1024xf32, #tpu.memory_space<hbm>>
    %dma_wait3A_143 = arith.constant 0 : i32
    %dma_wait3A_144 = tpu.memref_slice %dma_wait3A_142[%add3A_51, %dma_wait3A_143] : memref<16384x1024xf32, #tpu.memory_space<hbm>> -> memref<32x1024xf32, #tpu.memory_space<hbm>>
    %dma_wait3A_145 = arith.constant 0 : i32
    %dma_wait3A_146 = arith.constant 0 : i32
    %dma_wait3A_147 = tpu.memref_slice %arg5[%dma_wait3A_137, %dma_wait3A_145, %dma_wait3A_146] : memref<2x32x1024xf32, #tpu.memory_space<vmem>> -> memref<1x32x1024xf32, #tpu.memory_space<vmem>>
    %dma_wait3A_148 = tpu.memref_squeeze %dma_wait3A_147 : memref<1x32x1024xf32, #tpu.memory_space<vmem>> -> memref<32x1024xf32, #tpu.memory_space<vmem>>
    %dma_wait3A_149 = tpu.memref_reshape %arg2 : memref<4x4096x1024xf32, #tpu.memory_space<hbm>> -> memref<16384x1024xf32, #tpu.memory_space<hbm>>
    %dma_wait3A_150 = arith.constant 0 : i32
    %dma_wait3A_151 = tpu.memref_slice %dma_wait3A_149[%add3A_51, %dma_wait3A_150] : memref<16384x1024xf32, #tpu.memory_space<hbm>> -> memref<32x1024xf32, #tpu.memory_space<hbm>>
    tpu.wait_dma2 semaphore(%arg8 : memref<!tpu.dma_semaphore, #tpu.memory_space<semaphore_mem>>) src(%dma_wait3A_151 : memref<32x1024xf32, #tpu.memory_space<hbm>>) dst(%dma_wait3A_148 : memref<32x1024xf32, #tpu.memory_space<vmem>>)
    %parallel_loop3A_152 = arith.constant 0 : i32
    %parallel_loop3A_153 = arith.constant 2048 : i32
    %parallel_loop3A_154 = arith.constant 1 : i32
    scf.for %parallel_loop3A_1248 = %parallel_loop3A_152 to %parallel_loop3A_153 step %parallel_loop3A_154  : i32 {
      %parallel_loop3A_1249 = arith.constant 64 : i32
      %parallel_loop3A_1250 = arith.divsi %parallel_loop3A_1248, %parallel_loop3A_1249 : i32
      %parallel_loop3A_1251 = arith.constant 0 : i32
      %parallel_loop3A_1252 = arith.cmpi sgt, %parallel_loop3A_1248, %parallel_loop3A_1251 : i32
      %parallel_loop3A_1253 = arith.extui %parallel_loop3A_1252 : i1 to i32
      %parallel_loop3A_1254 = arith.constant 0 : i32
      %parallel_loop3A_1255 = arith.cmpi slt, %parallel_loop3A_1248, %parallel_loop3A_1254 : i32
      %parallel_loop3A_1256 = arith.extui %parallel_loop3A_1255 : i1 to i32
      %parallel_loop3A_1257 = arith.subi %parallel_loop3A_1253, %parallel_loop3A_1256 : i32
      %parallel_loop3A_1258 = arith.constant 0 : i32
      %parallel_loop3A_1259 = arith.cmpi sgt, %parallel_loop3A_1249, %parallel_loop3A_1258 : i32
      %parallel_loop3A_1260 = arith.extui %parallel_loop3A_1259 : i1 to i32
      %parallel_loop3A_1261 = arith.constant 0 : i32
      %parallel_loop3A_1262 = arith.cmpi slt, %parallel_loop3A_1249, %parallel_loop3A_1261 : i32
      %parallel_loop3A_1263 = arith.extui %parallel_loop3A_1262 : i1 to i32
      %parallel_loop3A_1264 = arith.subi %parallel_loop3A_1260, %parallel_loop3A_1263 : i32
      %parallel_loop3A_1265 = arith.cmpi ne, %parallel_loop3A_1257, %parallel_loop3A_1264 : i32
      %parallel_loop3A_1266 = arith.remsi %parallel_loop3A_1248, %parallel_loop3A_1249 : i32
      %parallel_loop3A_1267 = arith.constant 0 : i32
      %parallel_loop3A_1268 = arith.cmpi ne, %parallel_loop3A_1266, %parallel_loop3A_1267 : i32
      %parallel_loop3A_1269 = arith.andi %parallel_loop3A_1265, %parallel_loop3A_1268 : i1
      %parallel_loop3A_1270 = arith.constant 1 : i32
      %parallel_loop3A_1271 = arith.subi %parallel_loop3A_1250, %parallel_loop3A_1270 : i32
      %parallel_loop3A_1272 = arith.select %parallel_loop3A_1269, %parallel_loop3A_1271, %parallel_loop3A_1250 : i32
      %parallel_loop3A_1273 = arith.constant 64 : i32
      %parallel_loop3A_1274 = arith.remsi %parallel_loop3A_1248, %parallel_loop3A_1273 : i32
      %parallel_loop3A_1275 = arith.constant 16 : i32
      %parallel_loop3A_1276 = arith.muli %parallel_loop3A_1274, %parallel_loop3A_1275 : i32
      %parallel_loop3A_1277 = arith.constant 0 : i32
      %parallel_loop3A_1278 = arith.index_cast %parallel_loop3A_1277 : i32 to index
      %parallel_loop3A_1279 = arith.index_cast %parallel_loop3A_1272 : i32 to index
      %parallel_loop3A_1280 = arith.index_cast %parallel_loop3A_1276 : i32 to index
      %parallel_loop3A_1281 = tpu.vector_load %arg6[%parallel_loop3A_1278, %parallel_loop3A_1279, %parallel_loop3A_1280] {strides = array<i32>} : memref<1x32x1024xf32, #tpu.memory_space<vmem>>, vector<1x1x16xf32>,
      %parallel_loop3A_1282 = vector.shape_cast %parallel_loop3A_1281 : vector<1x1x16xf32> to vector<16xf32>
      %parallel_loop3A_1283 = arith.constant 1 : i32
      %parallel_loop3A_1284 = arith.index_cast %parallel_loop3A_1283 : i32 to index
      %parallel_loop3A_1285 = arith.index_cast %parallel_loop3A_1272 : i32 to index
      %parallel_loop3A_1286 = arith.index_cast %parallel_loop3A_1276 : i32 to index
      %parallel_loop3A_1287 = tpu.vector_load %arg5[%parallel_loop3A_1284, %parallel_loop3A_1285, %parallel_loop3A_1286] {strides = array<i32>} : memref<2x32x1024xf32, #tpu.memory_space<vmem>>, vector<1x1x16xf32>,
      %parallel_loop3A_1288 = vector.shape_cast %parallel_loop3A_1287 : vector<1x1x16xf32> to vector<16xf32>
      %parallel_loop3A_1289 = vector.shape_cast %parallel_loop3A_1282 : vector<16xf32> to vector<1x1x16xf32>
      tpu.vector_store %arg5[%parallel_loop3A_1284, %parallel_loop3A_1285, %parallel_loop3A_1286], %parallel_loop3A_1289 {add = true, strides = array<i32>} : memref<2x32x1024xf32, #tpu.memory_space<vmem>>, vector<1x1x16xf32>,
    } {sc.loop_unroll_factor = 8 : i64, sc.parallel_access}
    %add3A_155 = arith.constant 4096 : i32
    %add3A_156 = arith.addi %add3A_155, %mul3A_2 : i32
    %add3A_157 = arith.constant 0 : i32
    %add3A_158 = arith.addi %add3A_156, %add3A_157 : i32
    %dma_start3A_159 = arith.constant 1 : i32
    %dma_start3A_160 = arith.constant 0 : i32
    %dma_start3A_161 = arith.constant 0 : i32
    %dma_start3A_162 = tpu.memref_slice %arg5[%dma_start3A_159, %dma_start3A_160, %dma_start3A_161] : memref<2x32x1024xf32, #tpu.memory_space<vmem>> -> memref<1x32x1024xf32, #tpu.memory_space<vmem>>
    %dma_start3A_163 = tpu.memref_squeeze %dma_start3A_162 : memref<1x32x1024xf32, #tpu.memory_space<vmem>> -> memref<32x1024xf32, #tpu.memory_space<vmem>>
    %dma_start3A_164 = tpu.memref_reshape %arg4 : memref<4x4096x1024xf32, #tpu.memory_space<hbm>> -> memref<16384x1024xf32, #tpu.memory_space<hbm>>
    %dma_start3A_165 = arith.constant 0 : i32
    %dma_start3A_166 = tpu.memref_slice %dma_start3A_164[%add3A_158, %dma_start3A_165] : memref<16384x1024xf32, #tpu.memory_space<hbm>> -> memref<32x1024xf32, #tpu.memory_space<hbm>>
    %dma_start3A_167 = tpu.memref_reshape %arg4 : memref<4x4096x1024xf32, #tpu.memory_space<hbm>> -> memref<16384x1024xf32, #tpu.memory_space<hbm>>
    %dma_start3A_168 = arith.constant 0 : i32
    %dma_start3A_169 = tpu.memref_slice %dma_start3A_167[%add3A_158, %dma_start3A_168] : memref<16384x1024xf32, #tpu.memory_space<hbm>> -> memref<32x1024xf32, #tpu.memory_space<hbm>>
    %dma_start3A_170 = arith.constant 0 : i32
    %dma_start3A_171 = arith.constant 0 : i32
    %dma_start3A_172 = tpu.memref_slice %arg5[%dma_start3A_159, %dma_start3A_170, %dma_start3A_171] : memref<2x32x1024xf32, #tpu.memory_space<vmem>> -> memref<1x32x1024xf32, #tpu.memory_space<vmem>>
    %dma_start3A_173 = tpu.memref_squeeze %dma_start3A_172 : memref<1x32x1024xf32, #tpu.memory_space<vmem>> -> memref<32x1024xf32, #tpu.memory_space<vmem>>
    tpu.enqueue_dma source(%dma_start3A_173 : memref<32x1024xf32, #tpu.memory_space<vmem>>) target(%dma_start3A_169 : memref<32x1024xf32, #tpu.memory_space<hbm>>) target_semaphore(%arg12 : memref<!tpu.dma_semaphore, #tpu.memory_space<semaphore_mem>>)
    %dma_wait3A_174 = arith.constant 1 : i32
    %dma_wait3A_175 = arith.constant 0 : i32
    %dma_wait3A_176 = arith.constant 0 : i32
    %dma_wait3A_177 = tpu.memref_slice %arg5[%dma_wait3A_174, %dma_wait3A_175, %dma_wait3A_176] : memref<2x32x1024xf32, #tpu.memory_space<vmem>> -> memref<1x32x1024xf32, #tpu.memory_space<vmem>>
    %dma_wait3A_178 = tpu.memref_squeeze %dma_wait3A_177 : memref<1x32x1024xf32, #tpu.memory_space<vmem>> -> memref<32x1024xf32, #tpu.memory_space<vmem>>
    %dma_wait3A_179 = tpu.memref_reshape %arg4 : memref<4x4096x1024xf32, #tpu.memory_space<hbm>> -> memref<16384x1024xf32, #tpu.memory_space<hbm>>
    %dma_wait3A_180 = arith.constant 0 : i32
    %dma_wait3A_181 = tpu.memref_slice %dma_wait3A_179[%add3A_158, %dma_wait3A_180] : memref<16384x1024xf32, #tpu.memory_space<hbm>> -> memref<32x1024xf32, #tpu.memory_space<hbm>>
    %dma_wait3A_182 = tpu.memref_reshape %arg4 : memref<4x4096x1024xf32, #tpu.memory_space<hbm>> -> memref<16384x1024xf32, #tpu.memory_space<hbm>>
    %dma_wait3A_183 = arith.constant 0 : i32
    %dma_wait3A_184 = tpu.memref_slice %dma_wait3A_182[%add3A_158, %dma_wait3A_183] : memref<16384x1024xf32, #tpu.memory_space<hbm>> -> memref<32x1024xf32, #tpu.memory_space<hbm>>
    %dma_wait3A_185 = arith.constant 0 : i32
    %dma_wait3A_186 = arith.constant 0 : i32
    %dma_wait3A_187 = tpu.memref_slice %arg5[%dma_wait3A_174, %dma_wait3A_185, %dma_wait3A_186] : memref<2x32x1024xf32, #tpu.memory_space<vmem>> -> memref<1x32x1024xf32, #tpu.memory_space<vmem>>
    %dma_wait3A_188 = tpu.memref_squeeze %dma_wait3A_187 : memref<1x32x1024xf32, #tpu.memory_space<vmem>> -> memref<32x1024xf32, #tpu.memory_space<vmem>>
    tpu.wait_dma2 semaphore(%arg12 : memref<!tpu.dma_semaphore, #tpu.memory_space<semaphore_mem>>) src(%dma_wait3A_188 : memref<32x1024xf32, #tpu.memory_space<vmem>>) dst(%dma_wait3A_184 : memref<32x1024xf32, #tpu.memory_space<hbm>>)
    %add3A_189 = arith.constant 12288 : i32
    %add3A_190 = arith.addi %add3A_189, %mul3A_2 : i32
    %add3A_191 = arith.constant 0 : i32
    %add3A_192 = arith.addi %add3A_190, %add3A_191 : i32
    %dma_start3A_193 = arith.constant 1 : i32
    %dma_start3A_194 = arith.constant 0 : i32
    %dma_start3A_195 = arith.constant 0 : i32
    %dma_start3A_196 = tpu.memref_slice %arg5[%dma_start3A_193, %dma_start3A_194, %dma_start3A_195] : memref<2x32x1024xf32, #tpu.memory_space<vmem>> -> memref<1x32x1024xf32, #tpu.memory_space<vmem>>
    %dma_start3A_197 = tpu.memref_squeeze %dma_start3A_196 : memref<1x32x1024xf32, #tpu.memory_space<vmem>> -> memref<32x1024xf32, #tpu.memory_space<vmem>>
    %dma_start3A_198 = tpu.memref_reshape %arg2 : memref<4x4096x1024xf32, #tpu.memory_space<hbm>> -> memref<16384x1024xf32, #tpu.memory_space<hbm>>
    %dma_start3A_199 = arith.constant 0 : i32
    %dma_start3A_200 = tpu.memref_slice %dma_start3A_198[%add3A_192, %dma_start3A_199] : memref<16384x1024xf32, #tpu.memory_space<hbm>> -> memref<32x1024xf32, #tpu.memory_space<hbm>>
    %dma_start3A_201 = arith.constant 0 : i32
    %dma_start3A_202 = arith.constant 0 : i32
    %dma_start3A_203 = tpu.memref_slice %arg5[%dma_start3A_193, %dma_start3A_201, %dma_start3A_202] : memref<2x32x1024xf32, #tpu.memory_space<vmem>> -> memref<1x32x1024xf32, #tpu.memory_space<vmem>>
    %dma_start3A_204 = tpu.memref_squeeze %dma_start3A_203 : memref<1x32x1024xf32, #tpu.memory_space<vmem>> -> memref<32x1024xf32, #tpu.memory_space<vmem>>
    %dma_start3A_205 = tpu.memref_reshape %arg2 : memref<4x4096x1024xf32, #tpu.memory_space<hbm>> -> memref<16384x1024xf32, #tpu.memory_space<hbm>>
    %dma_start3A_206 = arith.constant 0 : i32
    %dma_start3A_207 = tpu.memref_slice %dma_start3A_205[%add3A_192, %dma_start3A_206] : memref<16384x1024xf32, #tpu.memory_space<hbm>> -> memref<32x1024xf32, #tpu.memory_space<hbm>>
    tpu.enqueue_dma source(%dma_start3A_207 : memref<32x1024xf32, #tpu.memory_space<hbm>>) target(%dma_start3A_204 : memref<32x1024xf32, #tpu.memory_space<vmem>>) target_semaphore(%arg8 : memref<!tpu.dma_semaphore, #tpu.memory_space<semaphore_mem>>)
    %dma_wait3A_208 = arith.constant 0 : i32
    %dma_wait3A_209 = arith.constant 0 : i32
    %dma_wait3A_210 = arith.constant 0 : i32
    %dma_wait3A_211 = tpu.memref_slice %arg5[%dma_wait3A_208, %dma_wait3A_209, %dma_wait3A_210] : memref<2x32x1024xf32, #tpu.memory_space<vmem>> -> memref<1x32x1024xf32, #tpu.memory_space<vmem>>
    %dma_wait3A_212 = tpu.memref_squeeze %dma_wait3A_211 : memref<1x32x1024xf32, #tpu.memory_space<vmem>> -> memref<32x1024xf32, #tpu.memory_space<vmem>>
    %dma_wait3A_213 = tpu.memref_reshape %arg2 : memref<4x4096x1024xf32, #tpu.memory_space<hbm>> -> memref<16384x1024xf32, #tpu.memory_space<hbm>>
    %dma_wait3A_214 = arith.constant 0 : i32
    %dma_wait3A_215 = tpu.memref_slice %dma_wait3A_213[%add3A_121, %dma_wait3A_214] : memref<16384x1024xf32, #tpu.memory_space<hbm>> -> memref<32x1024xf32, #tpu.memory_space<hbm>>
    %dma_wait3A_216 = arith.constant 0 : i32
    %dma_wait3A_217 = arith.constant 0 : i32
    %dma_wait3A_218 = tpu.memref_slice %arg5[%dma_wait3A_208, %dma_wait3A_216, %dma_wait3A_217] : memref<2x32x1024xf32, #tpu.memory_space<vmem>> -> memref<1x32x1024xf32, #tpu.memory_space<vmem>>
    %dma_wait3A_219 = tpu.memref_squeeze %dma_wait3A_218 : memref<1x32x1024xf32, #tpu.memory_space<vmem>> -> memref<32x1024xf32, #tpu.memory_space<vmem>>
    %dma_wait3A_220 = tpu.memref_reshape %arg2 : memref<4x4096x1024xf32, #tpu.memory_space<hbm>> -> memref<16384x1024xf32, #tpu.memory_space<hbm>>
    %dma_wait3A_221 = arith.constant 0 : i32
    %dma_wait3A_222 = tpu.memref_slice %dma_wait3A_220[%add3A_121, %dma_wait3A_221] : memref<16384x1024xf32, #tpu.memory_space<hbm>> -> memref<32x1024xf32, #tpu.memory_space<hbm>>
    tpu.wait_dma2 semaphore(%arg7 : memref<!tpu.dma_semaphore, #tpu.memory_space<semaphore_mem>>) src(%dma_wait3A_222 : memref<32x1024xf32, #tpu.memory_space<hbm>>) dst(%dma_wait3A_219 : memref<32x1024xf32, #tpu.memory_space<vmem>>)
    %parallel_loop3A_223 = arith.constant 0 : i32
    %parallel_loop3A_224 = arith.constant 2048 : i32
    %parallel_loop3A_225 = arith.constant 1 : i32
    scf.for %parallel_loop3A_1248 = %parallel_loop3A_223 to %parallel_loop3A_224 step %parallel_loop3A_225  : i32 {
      %parallel_loop3A_1249 = arith.constant 64 : i32
      %parallel_loop3A_1250 = arith.divsi %parallel_loop3A_1248, %parallel_loop3A_1249 : i32
      %parallel_loop3A_1251 = arith.constant 0 : i32
      %parallel_loop3A_1252 = arith.cmpi sgt, %parallel_loop3A_1248, %parallel_loop3A_1251 : i32
      %parallel_loop3A_1253 = arith.extui %parallel_loop3A_1252 : i1 to i32
      %parallel_loop3A_1254 = arith.constant 0 : i32
      %parallel_loop3A_1255 = arith.cmpi slt, %parallel_loop3A_1248, %parallel_loop3A_1254 : i32
      %parallel_loop3A_1256 = arith.extui %parallel_loop3A_1255 : i1 to i32
      %parallel_loop3A_1257 = arith.subi %parallel_loop3A_1253, %parallel_loop3A_1256 : i32
      %parallel_loop3A_1258 = arith.constant 0 : i32
      %parallel_loop3A_1259 = arith.cmpi sgt, %parallel_loop3A_1249, %parallel_loop3A_1258 : i32
      %parallel_loop3A_1260 = arith.extui %parallel_loop3A_1259 : i1 to i32
      %parallel_loop3A_1261 = arith.constant 0 : i32
      %parallel_loop3A_1262 = arith.cmpi slt, %parallel_loop3A_1249, %parallel_loop3A_1261 : i32
      %parallel_loop3A_1263 = arith.extui %parallel_loop3A_1262 : i1 to i32
      %parallel_loop3A_1264 = arith.subi %parallel_loop3A_1260, %parallel_loop3A_1263 : i32
      %parallel_loop3A_1265 = arith.cmpi ne, %parallel_loop3A_1257, %parallel_loop3A_1264 : i32
      %parallel_loop3A_1266 = arith.remsi %parallel_loop3A_1248, %parallel_loop3A_1249 : i32
      %parallel_loop3A_1267 = arith.constant 0 : i32
      %parallel_loop3A_1268 = arith.cmpi ne, %parallel_loop3A_1266, %parallel_loop3A_1267 : i32
      %parallel_loop3A_1269 = arith.andi %parallel_loop3A_1265, %parallel_loop3A_1268 : i1
      %parallel_loop3A_1270 = arith.constant 1 : i32
      %parallel_loop3A_1271 = arith.subi %parallel_loop3A_1250, %parallel_loop3A_1270 : i32
      %parallel_loop3A_1272 = arith.select %parallel_loop3A_1269, %parallel_loop3A_1271, %parallel_loop3A_1250 : i32
      %parallel_loop3A_1273 = arith.constant 64 : i32
      %parallel_loop3A_1274 = arith.remsi %parallel_loop3A_1248, %parallel_loop3A_1273 : i32
      %parallel_loop3A_1275 = arith.constant 16 : i32
      %parallel_loop3A_1276 = arith.muli %parallel_loop3A_1274, %parallel_loop3A_1275 : i32
      %parallel_loop3A_1277 = arith.constant 0 : i32
      %parallel_loop3A_1278 = arith.index_cast %parallel_loop3A_1277 : i32 to index
      %parallel_loop3A_1279 = arith.index_cast %parallel_loop3A_1272 : i32 to index
      %parallel_loop3A_1280 = arith.index_cast %parallel_loop3A_1276 : i32 to index
      %parallel_loop3A_1281 = tpu.vector_load %arg6[%parallel_loop3A_1278, %parallel_loop3A_1279, %parallel_loop3A_1280] {strides = array<i32>} : memref<1x32x1024xf32, #tpu.memory_space<vmem>>, vector<1x1x16xf32>,
      %parallel_loop3A_1282 = vector.shape_cast %parallel_loop3A_1281 : vector<1x1x16xf32> to vector<16xf32>
      %parallel_loop3A_1283 = arith.constant 0 : i32
      %parallel_loop3A_1284 = arith.index_cast %parallel_loop3A_1283 : i32 to index
      %parallel_loop3A_1285 = arith.index_cast %parallel_loop3A_1272 : i32 to index
      %parallel_loop3A_1286 = arith.index_cast %parallel_loop3A_1276 : i32 to index
      %parallel_loop3A_1287 = tpu.vector_load %arg5[%parallel_loop3A_1284, %parallel_loop3A_1285, %parallel_loop3A_1286] {strides = array<i32>} : memref<2x32x1024xf32, #tpu.memory_space<vmem>>, vector<1x1x16xf32>,
      %parallel_loop3A_1288 = vector.shape_cast %parallel_loop3A_1287 : vector<1x1x16xf32> to vector<16xf32>
      %parallel_loop3A_1289 = vector.shape_cast %parallel_loop3A_1282 : vector<16xf32> to vector<1x1x16xf32>
      tpu.vector_store %arg5[%parallel_loop3A_1284, %parallel_loop3A_1285, %parallel_loop3A_1286], %parallel_loop3A_1289 {add = true, strides = array<i32>} : memref<2x32x1024xf32, #tpu.memory_space<vmem>>, vector<1x1x16xf32>,
    } {sc.loop_unroll_factor = 8 : i64, sc.parallel_access}
    %add3A_226 = arith.constant 8192 : i32
    %add3A_227 = arith.addi %add3A_226, %mul3A_2 : i32
    %add3A_228 = arith.constant 0 : i32
    %add3A_229 = arith.addi %add3A_227, %add3A_228 : i32
    %dma_start3A_230 = arith.constant 0 : i32
    %dma_start3A_231 = arith.constant 0 : i32
    %dma_start3A_232 = arith.constant 0 : i32
    %dma_start3A_233 = tpu.memref_slice %arg5[%dma_start3A_230, %dma_start3A_231, %dma_start3A_232] : memref<2x32x1024xf32, #tpu.memory_space<vmem>> -> memref<1x32x1024xf32, #tpu.memory_space<vmem>>
    %dma_start3A_234 = tpu.memref_squeeze %dma_start3A_233 : memref<1x32x1024xf32, #tpu.memory_space<vmem>> -> memref<32x1024xf32, #tpu.memory_space<vmem>>
    %dma_start3A_235 = tpu.memref_reshape %arg4 : memref<4x4096x1024xf32, #tpu.memory_space<hbm>> -> memref<16384x1024xf32, #tpu.memory_space<hbm>>
    %dma_start3A_236 = arith.constant 0 : i32
    %dma_start3A_237 = tpu.memref_slice %dma_start3A_235[%add3A_229, %dma_start3A_236] : memref<16384x1024xf32, #tpu.memory_space<hbm>> -> memref<32x1024xf32, #tpu.memory_space<hbm>>
    %dma_start3A_238 = tpu.memref_reshape %arg4 : memref<4x4096x1024xf32, #tpu.memory_space<hbm>> -> memref<16384x1024xf32, #tpu.memory_space<hbm>>
    %dma_start3A_239 = arith.constant 0 : i32
    %dma_start3A_240 = tpu.memref_slice %dma_start3A_238[%add3A_229, %dma_start3A_239] : memref<16384x1024xf32, #tpu.memory_space<hbm>> -> memref<32x1024xf32, #tpu.memory_space<hbm>>
    %dma_start3A_241 = arith.constant 0 : i32
    %dma_start3A_242 = arith.constant 0 : i32
    %dma_start3A_243 = tpu.memref_slice %arg5[%dma_start3A_230, %dma_start3A_241, %dma_start3A_242] : memref<2x32x1024xf32, #tpu.memory_space<vmem>> -> memref<1x32x1024xf32, #tpu.memory_space<vmem>>
    %dma_start3A_244 = tpu.memref_squeeze %dma_start3A_243 : memref<1x32x1024xf32, #tpu.memory_space<vmem>> -> memref<32x1024xf32, #tpu.memory_space<vmem>>
    tpu.enqueue_dma source(%dma_start3A_244 : memref<32x1024xf32, #tpu.memory_space<vmem>>) target(%dma_start3A_240 : memref<32x1024xf32, #tpu.memory_space<hbm>>) target_semaphore(%arg11 : memref<!tpu.dma_semaphore, #tpu.memory_space<semaphore_mem>>)
    %dma_wait3A_245 = arith.constant 0 : i32
    %dma_wait3A_246 = arith.constant 0 : i32
    %dma_wait3A_247 = arith.constant 0 : i32
    %dma_wait3A_248 = tpu.memref_slice %arg5[%dma_wait3A_245, %dma_wait3A_246, %dma_wait3A_247] : memref<2x32x1024xf32, #tpu.memory_space<vmem>> -> memref<1x32x1024xf32, #tpu.memory_space<vmem>>
    %dma_wait3A_249 = tpu.memref_squeeze %dma_wait3A_248 : memref<1x32x1024xf32, #tpu.memory_space<vmem>> -> memref<32x1024xf32, #tpu.memory_space<vmem>>
    %dma_wait3A_250 = tpu.memref_reshape %arg4 : memref<4x4096x1024xf32, #tpu.memory_space<hbm>> -> memref<16384x1024xf32, #tpu.memory_space<hbm>>
    %dma_wait3A_251 = arith.constant 0 : i32
    %dma_wait3A_252 = tpu.memref_slice %dma_wait3A_250[%add3A_229, %dma_wait3A_251] : memref<16384x1024xf32, #tpu.memory_space<hbm>> -> memref<32x1024xf32, #tpu.memory_space<hbm>>
    %dma_wait3A_253 = tpu.memref_reshape %arg4 : memref<4x4096x1024xf32, #tpu.memory_space<hbm>> -> memref<16384x1024xf32, #tpu.memory_space<hbm>>
    %dma_wait3A_254 = arith.constant 0 : i32
    %dma_wait3A_255 = tpu.memref_slice %dma_wait3A_253[%add3A_229, %dma_wait3A_254] : memref<16384x1024xf32, #tpu.memory_space<hbm>> -> memref<32x1024xf32, #tpu.memory_space<hbm>>
    %dma_wait3A_256 = arith.constant 0 : i32
    %dma_wait3A_257 = arith.constant 0 : i32
    %dma_wait3A_258 = tpu.memref_slice %arg5[%dma_wait3A_245, %dma_wait3A_256, %dma_wait3A_257] : memref<2x32x1024xf32, #tpu.memory_space<vmem>> -> memref<1x32x1024xf32, #tpu.memory_space<vmem>>
    %dma_wait3A_259 = tpu.memref_squeeze %dma_wait3A_258 : memref<1x32x1024xf32, #tpu.memory_space<vmem>> -> memref<32x1024xf32, #tpu.memory_space<vmem>>
    tpu.wait_dma2 semaphore(%arg11 : memref<!tpu.dma_semaphore, #tpu.memory_space<semaphore_mem>>) src(%dma_wait3A_259 : memref<32x1024xf32, #tpu.memory_space<vmem>>) dst(%dma_wait3A_255 : memref<32x1024xf32, #tpu.memory_space<hbm>>)
    %add3A_260 = arith.constant 0 : i32
    %add3A_261 = arith.addi %add3A_260, %mul3A_2 : i32
    %add3A_262 = arith.constant 32 : i32
    %add3A_263 = arith.addi %add3A_261, %add3A_262 : i32
    %dma_start3A_264 = arith.constant 0 : i32
    %dma_start3A_265 = arith.constant 0 : i32
    %dma_start3A_266 = arith.constant 0 : i32
    %dma_start3A_267 = tpu.memref_slice %arg5[%dma_start3A_264, %dma_start3A_265, %dma_start3A_266] : memref<2x32x1024xf32, #tpu.memory_space<vmem>> -> memref<1x32x1024xf32, #tpu.memory_space<vmem>>
    %dma_start3A_268 = tpu.memref_squeeze %dma_start3A_267 : memref<1x32x1024xf32, #tpu.memory_space<vmem>> -> memref<32x1024xf32, #tpu.memory_space<vmem>>
    %dma_start3A_269 = tpu.memref_reshape %arg2 : memref<4x4096x1024xf32, #tpu.memory_space<hbm>> -> memref<16384x1024xf32, #tpu.memory_space<hbm>>
    %dma_start3A_270 = arith.constant 0 : i32
    %dma_start3A_271 = tpu.memref_slice %dma_start3A_269[%add3A_263, %dma_start3A_270] : memref<16384x1024xf32, #tpu.memory_space<hbm>> -> memref<32x1024xf32, #tpu.memory_space<hbm>>
    %dma_start3A_272 = arith.constant 0 : i32
    %dma_start3A_273 = arith.constant 0 : i32
    %dma_start3A_274 = tpu.memref_slice %arg5[%dma_start3A_264, %dma_start3A_272, %dma_start3A_273] : memref<2x32x1024xf32, #tpu.memory_space<vmem>> -> memref<1x32x1024xf32, #tpu.memory_space<vmem>>
    %dma_start3A_275 = tpu.memref_squeeze %dma_start3A_274 : memref<1x32x1024xf32, #tpu.memory_space<vmem>> -> memref<32x1024xf32, #tpu.memory_space<vmem>>
    %dma_start3A_276 = tpu.memref_reshape %arg2 : memref<4x4096x1024xf32, #tpu.memory_space<hbm>> -> memref<16384x1024xf32, #tpu.memory_space<hbm>>
    %dma_start3A_277 = arith.constant 0 : i32
    %dma_start3A_278 = tpu.memref_slice %dma_start3A_276[%add3A_263, %dma_start3A_277] : memref<16384x1024xf32, #tpu.memory_space<hbm>> -> memref<32x1024xf32, #tpu.memory_space<hbm>>
    tpu.enqueue_dma source(%dma_start3A_278 : memref<32x1024xf32, #tpu.memory_space<hbm>>) target(%dma_start3A_275 : memref<32x1024xf32, #tpu.memory_space<vmem>>) target_semaphore(%arg7 : memref<!tpu.dma_semaphore, #tpu.memory_space<semaphore_mem>>)
    %dma_wait3A_279 = arith.constant 1 : i32
    %dma_wait3A_280 = arith.constant 0 : i32
    %dma_wait3A_281 = arith.constant 0 : i32
    %dma_wait3A_282 = tpu.memref_slice %arg5[%dma_wait3A_279, %dma_wait3A_280, %dma_wait3A_281] : memref<2x32x1024xf32, #tpu.memory_space<vmem>> -> memref<1x32x1024xf32, #tpu.memory_space<vmem>>
    %dma_wait3A_283 = tpu.memref_squeeze %dma_wait3A_282 : memref<1x32x1024xf32, #tpu.memory_space<vmem>> -> memref<32x1024xf32, #tpu.memory_space<vmem>>
    %dma_wait3A_284 = tpu.memref_reshape %arg2 : memref<4x4096x1024xf32, #tpu.memory_space<hbm>> -> memref<16384x1024xf32, #tpu.memory_space<hbm>>
    %dma_wait3A_285 = arith.constant 0 : i32
    %dma_wait3A_286 = tpu.memref_slice %dma_wait3A_284[%add3A_192, %dma_wait3A_285] : memref<16384x1024xf32, #tpu.memory_space<hbm>> -> memref<32x1024xf32, #tpu.memory_space<hbm>>
    %dma_wait3A_287 = arith.constant 0 : i32
    %dma_wait3A_288 = arith.constant 0 : i32
    %dma_wait3A_289 = tpu.memref_slice %arg5[%dma_wait3A_279, %dma_wait3A_287, %dma_wait3A_288] : memref<2x32x1024xf32, #tpu.memory_space<vmem>> -> memref<1x32x1024xf32, #tpu.memory_space<vmem>>
    %dma_wait3A_290 = tpu.memref_squeeze %dma_wait3A_289 : memref<1x32x1024xf32, #tpu.memory_space<vmem>> -> memref<32x1024xf32, #tpu.memory_space<vmem>>
    %dma_wait3A_291 = tpu.memref_reshape %arg2 : memref<4x4096x1024xf32, #tpu.memory_space<hbm>> -> memref<16384x1024xf32, #tpu.memory_space<hbm>>
    %dma_wait3A_292 = arith.constant 0 : i32
    %dma_wait3A_293 = tpu.memref_slice %dma_wait3A_291[%add3A_192, %dma_wait3A_292] : memref<16384x1024xf32, #tpu.memory_space<hbm>> -> memref<32x1024xf32, #tpu.memory_space<hbm>>
    tpu.wait_dma2 semaphore(%arg8 : memref<!tpu.dma_semaphore, #tpu.memory_space<semaphore_mem>>) src(%dma_wait3A_293 : memref<32x1024xf32, #tpu.memory_space<hbm>>) dst(%dma_wait3A_290 : memref<32x1024xf32, #tpu.memory_space<vmem>>)
    %parallel_loop3A_294 = arith.constant 0 : i32
    %parallel_loop3A_295 = arith.constant 2048 : i32
    %parallel_loop3A_296 = arith.constant 1 : i32
    scf.for %parallel_loop3A_1248 = %parallel_loop3A_294 to %parallel_loop3A_295 step %parallel_loop3A_296  : i32 {
      %parallel_loop3A_1249 = arith.constant 64 : i32
      %parallel_loop3A_1250 = arith.divsi %parallel_loop3A_1248, %parallel_loop3A_1249 : i32
      %parallel_loop3A_1251 = arith.constant 0 : i32
      %parallel_loop3A_1252 = arith.cmpi sgt, %parallel_loop3A_1248, %parallel_loop3A_1251 : i32
      %parallel_loop3A_1253 = arith.extui %parallel_loop3A_1252 : i1 to i32
      %parallel_loop3A_1254 = arith.constant 0 : i32
      %parallel_loop3A_1255 = arith.cmpi slt, %parallel_loop3A_1248, %parallel_loop3A_1254 : i32
      %parallel_loop3A_1256 = arith.extui %parallel_loop3A_1255 : i1 to i32
      %parallel_loop3A_1257 = arith.subi %parallel_loop3A_1253, %parallel_loop3A_1256 : i32
      %parallel_loop3A_1258 = arith.constant 0 : i32
      %parallel_loop3A_1259 = arith.cmpi sgt, %parallel_loop3A_1249, %parallel_loop3A_1258 : i32
      %parallel_loop3A_1260 = arith.extui %parallel_loop3A_1259 : i1 to i32
      %parallel_loop3A_1261 = arith.constant 0 : i32
      %parallel_loop3A_1262 = arith.cmpi slt, %parallel_loop3A_1249, %parallel_loop3A_1261 : i32
      %parallel_loop3A_1263 = arith.extui %parallel_loop3A_1262 : i1 to i32
      %parallel_loop3A_1264 = arith.subi %parallel_loop3A_1260, %parallel_loop3A_1263 : i32
      %parallel_loop3A_1265 = arith.cmpi ne, %parallel_loop3A_1257, %parallel_loop3A_1264 : i32
      %parallel_loop3A_1266 = arith.remsi %parallel_loop3A_1248, %parallel_loop3A_1249 : i32
      %parallel_loop3A_1267 = arith.constant 0 : i32
      %parallel_loop3A_1268 = arith.cmpi ne, %parallel_loop3A_1266, %parallel_loop3A_1267 : i32
      %parallel_loop3A_1269 = arith.andi %parallel_loop3A_1265, %parallel_loop3A_1268 : i1
      %parallel_loop3A_1270 = arith.constant 1 : i32
      %parallel_loop3A_1271 = arith.subi %parallel_loop3A_1250, %parallel_loop3A_1270 : i32
      %parallel_loop3A_1272 = arith.select %parallel_loop3A_1269, %parallel_loop3A_1271, %parallel_loop3A_1250 : i32
      %parallel_loop3A_1273 = arith.constant 64 : i32
      %parallel_loop3A_1274 = arith.remsi %parallel_loop3A_1248, %parallel_loop3A_1273 : i32
      %parallel_loop3A_1275 = arith.constant 16 : i32
      %parallel_loop3A_1276 = arith.muli %parallel_loop3A_1274, %parallel_loop3A_1275 : i32
      %parallel_loop3A_1277 = arith.constant 0 : i32
      %parallel_loop3A_1278 = arith.index_cast %parallel_loop3A_1277 : i32 to index
      %parallel_loop3A_1279 = arith.index_cast %parallel_loop3A_1272 : i32 to index
      %parallel_loop3A_1280 = arith.index_cast %parallel_loop3A_1276 : i32 to index
      %parallel_loop3A_1281 = tpu.vector_load %arg6[%parallel_loop3A_1278, %parallel_loop3A_1279, %parallel_loop3A_1280] {strides = array<i32>} : memref<1x32x1024xf32, #tpu.memory_space<vmem>>, vector<1x1x16xf32>,
      %parallel_loop3A_1282 = vector.shape_cast %parallel_loop3A_1281 : vector<1x1x16xf32> to vector<16xf32>
      %parallel_loop3A_1283 = arith.constant 1 : i32
      %parallel_loop3A_1284 = arith.index_cast %parallel_loop3A_1283 : i32 to index
      %parallel_loop3A_1285 = arith.index_cast %parallel_loop3A_1272 : i32 to index
      %parallel_loop3A_1286 = arith.index_cast %parallel_loop3A_1276 : i32 to index
      %parallel_loop3A_1287 = tpu.vector_load %arg5[%parallel_loop3A_1284, %parallel_loop3A_1285, %parallel_loop3A_1286] {strides = array<i32>} : memref<2x32x1024xf32, #tpu.memory_space<vmem>>, vector<1x1x16xf32>,
      %parallel_loop3A_1288 = vector.shape_cast %parallel_loop3A_1287 : vector<1x1x16xf32> to vector<16xf32>
      %parallel_loop3A_1289 = vector.shape_cast %parallel_loop3A_1282 : vector<16xf32> to vector<1x1x16xf32>
      tpu.vector_store %arg5[%parallel_loop3A_1284, %parallel_loop3A_1285, %parallel_loop3A_1286], %parallel_loop3A_1289 {add = true, strides = array<i32>} : memref<2x32x1024xf32, #tpu.memory_space<vmem>>, vector<1x1x16xf32>,
    } {sc.loop_unroll_factor = 8 : i64, sc.parallel_access}
    %add3A_297 = arith.constant 32 : i32
    %add3A_298 = arith.addi %mul3A_2, %add3A_297 : i32
    %dma_start3A_299 = arith.constant 0 : i32
    %dma_start3A_300 = arith.constant 0 : i32
    %dma_start3A_301 = arith.constant 0 : i32
    %dma_start3A_302 = tpu.memref_slice %arg6[%dma_start3A_299, %dma_start3A_300, %dma_start3A_301] : memref<1x32x1024xf32, #tpu.memory_space<vmem>> -> memref<1x32x1024xf32, #tpu.memory_space<vmem>>
    %dma_start3A_303 = tpu.memref_squeeze %dma_start3A_302 : memref<1x32x1024xf32, #tpu.memory_space<vmem>> -> memref<32x1024xf32, #tpu.memory_space<vmem>>
    %dma_start3A_304 = arith.constant 0 : i32
    %dma_start3A_305 = tpu.memref_slice %arg3[%add3A_298, %dma_start3A_304] : memref<8192x1024xf32, #tpu.memory_space<hbm>> -> memref<32x1024xf32, #tpu.memory_space<hbm>>
    %dma_start3A_306 = arith.constant 0 : i32
    %dma_start3A_307 = arith.constant 0 : i32
    %dma_start3A_308 = tpu.memref_slice %arg6[%dma_start3A_299, %dma_start3A_306, %dma_start3A_307] : memref<1x32x1024xf32, #tpu.memory_space<vmem>> -> memref<1x32x1024xf32, #tpu.memory_space<vmem>>
    %dma_start3A_309 = tpu.memref_squeeze %dma_start3A_308 : memref<1x32x1024xf32, #tpu.memory_space<vmem>> -> memref<32x1024xf32, #tpu.memory_space<vmem>>
    %dma_start3A_310 = arith.constant 0 : i32
    %dma_start3A_311 = tpu.memref_slice %arg3[%add3A_298, %dma_start3A_310] : memref<8192x1024xf32, #tpu.memory_space<hbm>> -> memref<32x1024xf32, #tpu.memory_space<hbm>>
    tpu.enqueue_dma source(%dma_start3A_311 : memref<32x1024xf32, #tpu.memory_space<hbm>>) target(%dma_start3A_309 : memref<32x1024xf32, #tpu.memory_space<vmem>>) target_semaphore(%arg15 : memref<!tpu.dma_semaphore, #tpu.memory_space<semaphore_mem>>)
    %add3A_312 = arith.constant 12288 : i32
    %add3A_313 = arith.addi %add3A_312, %mul3A_2 : i32
    %add3A_314 = arith.constant 0 : i32
    %add3A_315 = arith.addi %add3A_313, %add3A_314 : i32
    %dma_start3A_316 = arith.constant 1 : i32
    %dma_start3A_317 = arith.constant 0 : i32
    %dma_start3A_318 = arith.constant 0 : i32
    %dma_start3A_319 = tpu.memref_slice %arg5[%dma_start3A_316, %dma_start3A_317, %dma_start3A_318] : memref<2x32x1024xf32, #tpu.memory_space<vmem>> -> memref<1x32x1024xf32, #tpu.memory_space<vmem>>
    %dma_start3A_320 = tpu.memref_squeeze %dma_start3A_319 : memref<1x32x1024xf32, #tpu.memory_space<vmem>> -> memref<32x1024xf32, #tpu.memory_space<vmem>>
    %dma_start3A_321 = tpu.memref_reshape %arg4 : memref<4x4096x1024xf32, #tpu.memory_space<hbm>> -> memref<16384x1024xf32, #tpu.memory_space<hbm>>
    %dma_start3A_322 = arith.constant 0 : i32
    %dma_start3A_323 = tpu.memref_slice %dma_start3A_321[%add3A_315, %dma_start3A_322] : memref<16384x1024xf32, #tpu.memory_space<hbm>> -> memref<32x1024xf32, #tpu.memory_space<hbm>>
    %dma_start3A_324 = tpu.memref_reshape %arg4 : memref<4x4096x1024xf32, #tpu.memory_space<hbm>> -> memref<16384x1024xf32, #tpu.memory_space<hbm>>
    %dma_start3A_325 = arith.constant 0 : i32
    %dma_start3A_326 = tpu.memref_slice %dma_start3A_324[%add3A_315, %dma_start3A_325] : memref<16384x1024xf32, #tpu.memory_space<hbm>> -> memref<32x1024xf32, #tpu.memory_space<hbm>>
    %dma_start3A_327 = arith.constant 0 : i32
    %dma_start3A_328 = arith.constant 0 : i32
    %dma_start3A_329 = tpu.memref_slice %arg5[%dma_start3A_316, %dma_start3A_327, %dma_start3A_328] : memref<2x32x1024xf32, #tpu.memory_space<vmem>> -> memref<1x32x1024xf32, #tpu.memory_space<vmem>>
    %dma_start3A_330 = tpu.memref_squeeze %dma_start3A_329 : memref<1x32x1024xf32, #tpu.memory_space<vmem>> -> memref<32x1024xf32, #tpu.memory_space<vmem>>
    tpu.enqueue_dma source(%dma_start3A_330 : memref<32x1024xf32, #tpu.memory_space<vmem>>) target(%dma_start3A_326 : memref<32x1024xf32, #tpu.memory_space<hbm>>) target_semaphore(%arg12 : memref<!tpu.dma_semaphore, #tpu.memory_space<semaphore_mem>>)
    %dma_wait3A_331 = arith.constant 0 : i32
    %dma_wait3A_332 = arith.constant 0 : i32
    %dma_wait3A_333 = arith.constant 0 : i32
    %dma_wait3A_334 = tpu.memref_slice %arg6[%dma_wait3A_331, %dma_wait3A_332, %dma_wait3A_333] : memref<1x32x1024xf32, #tpu.memory_space<vmem>> -> memref<1x32x1024xf32, #tpu.memory_space<vmem>>
    %dma_wait3A_335 = tpu.memref_squeeze %dma_wait3A_334 : memref<1x32x1024xf32, #tpu.memory_space<vmem>> -> memref<32x1024xf32, #tpu.memory_space<vmem>>
    %dma_wait3A_336 = arith.constant 0 : i32
    %dma_wait3A_337 = tpu.memref_slice %arg3[%add3A_298, %dma_wait3A_336] : memref<8192x1024xf32, #tpu.memory_space<hbm>> -> memref<32x1024xf32, #tpu.memory_space<hbm>>
    %dma_wait3A_338 = arith.constant 0 : i32
    %dma_wait3A_339 = arith.constant 0 : i32
    %dma_wait3A_340 = tpu.memref_slice %arg6[%dma_wait3A_331, %dma_wait3A_338, %dma_wait3A_339] : memref<1x32x1024xf32, #tpu.memory_space<vmem>> -> memref<1x32x1024xf32, #tpu.memory_space<vmem>>
    %dma_wait3A_341 = tpu.memref_squeeze %dma_wait3A_340 : memref<1x32x1024xf32, #tpu.memory_space<vmem>> -> memref<32x1024xf32, #tpu.memory_space<vmem>>
    %dma_wait3A_342 = arith.constant 0 : i32
    %dma_wait3A_343 = tpu.memref_slice %arg3[%add3A_298, %dma_wait3A_342] : memref<8192x1024xf32, #tpu.memory_space<hbm>> -> memref<32x1024xf32, #tpu.memory_space<hbm>>
    tpu.wait_dma2 semaphore(%arg15 : memref<!tpu.dma_semaphore, #tpu.memory_space<semaphore_mem>>) src(%dma_wait3A_343 : memref<32x1024xf32, #tpu.memory_space<hbm>>) dst(%dma_wait3A_341 : memref<32x1024xf32, #tpu.memory_space<vmem>>)
    %dma_wait3A_344 = arith.constant 1 : i32
    %dma_wait3A_345 = arith.constant 0 : i32
    %dma_wait3A_346 = arith.constant 0 : i32
    %dma_wait3A_347 = tpu.memref_slice %arg5[%dma_wait3A_344, %dma_wait3A_345, %dma_wait3A_346] : memref<2x32x1024xf32, #tpu.memory_space<vmem>> -> memref<1x32x1024xf32, #tpu.memory_space<vmem>>
    %dma_wait3A_348 = tpu.memref_squeeze %dma_wait3A_347 : memref<1x32x1024xf32, #tpu.memory_space<vmem>> -> memref<32x1024xf32, #tpu.memory_space<vmem>>
    %dma_wait3A_349 = tpu.memref_reshape %arg4 : memref<4x4096x1024xf32, #tpu.memory_space<hbm>> -> memref<16384x1024xf32, #tpu.memory_space<hbm>>
    %dma_wait3A_350 = arith.constant 0 : i32
    %dma_wait3A_351 = tpu.memref_slice %dma_wait3A_349[%add3A_315, %dma_wait3A_350] : memref<16384x1024xf32, #tpu.memory_space<hbm>> -> memref<32x1024xf32, #tpu.memory_space<hbm>>
    %dma_wait3A_352 = tpu.memref_reshape %arg4 : memref<4x4096x1024xf32, #tpu.memory_space<hbm>> -> memref<16384x1024xf32, #tpu.memory_space<hbm>>
    %dma_wait3A_353 = arith.constant 0 : i32
    %dma_wait3A_354 = tpu.memref_slice %dma_wait3A_352[%add3A_315, %dma_wait3A_353] : memref<16384x1024xf32, #tpu.memory_space<hbm>> -> memref<32x1024xf32, #tpu.memory_space<hbm>>
    %dma_wait3A_355 = arith.constant 0 : i32
    %dma_wait3A_356 = arith.constant 0 : i32
    %dma_wait3A_357 = tpu.memref_slice %arg5[%dma_wait3A_344, %dma_wait3A_355, %dma_wait3A_356] : memref<2x32x1024xf32, #tpu.memory_space<vmem>> -> memref<1x32x1024xf32, #tpu.memory_space<vmem>>
    %dma_wait3A_358 = tpu.memref_squeeze %dma_wait3A_357 : memref<1x32x1024xf32, #tpu.memory_space<vmem>> -> memref<32x1024xf32, #tpu.memory_space<vmem>>
    tpu.wait_dma2 semaphore(%arg12 : memref<!tpu.dma_semaphore, #tpu.memory_space<semaphore_mem>>) src(%dma_wait3A_358 : memref<32x1024xf32, #tpu.memory_space<vmem>>) dst(%dma_wait3A_354 : memref<32x1024xf32, #tpu.memory_space<hbm>>)
    %add3A_359 = arith.constant 4096 : i32
    %add3A_360 = arith.addi %add3A_359, %mul3A_2 : i32
    %add3A_361 = arith.constant 32 : i32
    %add3A_362 = arith.addi %add3A_360, %add3A_361 : i32
    %dma_start3A_363 = arith.constant 1 : i32
    %dma_start3A_364 = arith.constant 0 : i32
    %dma_start3A_365 = arith.constant 0 : i32
    %dma_start3A_366 = tpu.memref_slice %arg5[%dma_start3A_363, %dma_start3A_364, %dma_start3A_365] : memref<2x32x1024xf32, #tpu.memory_space<vmem>> -> memref<1x32x1024xf32, #tpu.memory_space<vmem>>
    %dma_start3A_367 = tpu.memref_squeeze %dma_start3A_366 : memref<1x32x1024xf32, #tpu.memory_space<vmem>> -> memref<32x1024xf32, #tpu.memory_space<vmem>>
    %dma_start3A_368 = tpu.memref_reshape %arg2 : memref<4x4096x1024xf32, #tpu.memory_space<hbm>> -> memref<16384x1024xf32, #tpu.memory_space<hbm>>
    %dma_start3A_369 = arith.constant 0 : i32
    %dma_start3A_370 = tpu.memref_slice %dma_start3A_368[%add3A_362, %dma_start3A_369] : memref<16384x1024xf32, #tpu.memory_space<hbm>> -> memref<32x1024xf32, #tpu.memory_space<hbm>>
    %dma_start3A_371 = arith.constant 0 : i32
    %dma_start3A_372 = arith.constant 0 : i32
    %dma_start3A_373 = tpu.memref_slice %arg5[%dma_start3A_363, %dma_start3A_371, %dma_start3A_372] : memref<2x32x1024xf32, #tpu.memory_space<vmem>> -> memref<1x32x1024xf32, #tpu.memory_space<vmem>>
    %dma_start3A_374 = tpu.memref_squeeze %dma_start3A_373 : memref<1x32x1024xf32, #tpu.memory_space<vmem>> -> memref<32x1024xf32, #tpu.memory_space<vmem>>
    %dma_start3A_375 = tpu.memref_reshape %arg2 : memref<4x4096x1024xf32, #tpu.memory_space<hbm>> -> memref<16384x1024xf32, #tpu.memory_space<hbm>>
    %dma_start3A_376 = arith.constant 0 : i32
    %dma_start3A_377 = tpu.memref_slice %dma_start3A_375[%add3A_362, %dma_start3A_376] : memref<16384x1024xf32, #tpu.memory_space<hbm>> -> memref<32x1024xf32, #tpu.memory_space<hbm>>
    tpu.enqueue_dma source(%dma_start3A_377 : memref<32x1024xf32, #tpu.memory_space<hbm>>) target(%dma_start3A_374 : memref<32x1024xf32, #tpu.memory_space<vmem>>) target_semaphore(%arg8 : memref<!tpu.dma_semaphore, #tpu.memory_space<semaphore_mem>>)
    %dma_wait3A_378 = arith.constant 0 : i32
    %dma_wait3A_379 = arith.constant 0 : i32
    %dma_wait3A_380 = arith.constant 0 : i32
    %dma_wait3A_381 = tpu.memref_slice %arg5[%dma_wait3A_378, %dma_wait3A_379, %dma_wait3A_380] : memref<2x32x1024xf32, #tpu.memory_space<vmem>> -> memref<1x32x1024xf32, #tpu.memory_space<vmem>>
    %dma_wait3A_382 = tpu.memref_squeeze %dma_wait3A_381 : memref<1x32x1024xf32, #tpu.memory_space<vmem>> -> memref<32x1024xf32, #tpu.memory_space<vmem>>
    %dma_wait3A_383 = tpu.memref_reshape %arg2 : memref<4x4096x1024xf32, #tpu.memory_space<hbm>> -> memref<16384x1024xf32, #tpu.memory_space<hbm>>
    %dma_wait3A_384 = arith.constant 0 : i32
    %dma_wait3A_385 = tpu.memref_slice %dma_wait3A_383[%add3A_263, %dma_wait3A_384] : memref<16384x1024xf32, #tpu.memory_space<hbm>> -> memref<32x1024xf32, #tpu.memory_space<hbm>>
    %dma_wait3A_386 = arith.constant 0 : i32
    %dma_wait3A_387 = arith.constant 0 : i32
    %dma_wait3A_388 = tpu.memref_slice %arg5[%dma_wait3A_378, %dma_wait3A_386, %dma_wait3A_387] : memref<2x32x1024xf32, #tpu.memory_space<vmem>> -> memref<1x32x1024xf32, #tpu.memory_space<vmem>>
    %dma_wait3A_389 = tpu.memref_squeeze %dma_wait3A_388 : memref<1x32x1024xf32, #tpu.memory_space<vmem>> -> memref<32x1024xf32, #tpu.memory_space<vmem>>
    %dma_wait3A_390 = tpu.memref_reshape %arg2 : memref<4x4096x1024xf32, #tpu.memory_space<hbm>> -> memref<16384x1024xf32, #tpu.memory_space<hbm>>
    %dma_wait3A_391 = arith.constant 0 : i32
    %dma_wait3A_392 = tpu.memref_slice %dma_wait3A_390[%add3A_263, %dma_wait3A_391] : memref<16384x1024xf32, #tpu.memory_space<hbm>> -> memref<32x1024xf32, #tpu.memory_space<hbm>>
    tpu.wait_dma2 semaphore(%arg7 : memref<!tpu.dma_semaphore, #tpu.memory_space<semaphore_mem>>) src(%dma_wait3A_392 : memref<32x1024xf32, #tpu.memory_space<hbm>>) dst(%dma_wait3A_389 : memref<32x1024xf32, #tpu.memory_space<vmem>>)
    %parallel_loop3A_393 = arith.constant 0 : i32
    %parallel_loop3A_394 = arith.constant 2048 : i32
    %parallel_loop3A_395 = arith.constant 1 : i32
    scf.for %parallel_loop3A_1248 = %parallel_loop3A_393 to %parallel_loop3A_394 step %parallel_loop3A_395  : i32 {
      %parallel_loop3A_1249 = arith.constant 64 : i32
      %parallel_loop3A_1250 = arith.divsi %parallel_loop3A_1248, %parallel_loop3A_1249 : i32
      %parallel_loop3A_1251 = arith.constant 0 : i32
      %parallel_loop3A_1252 = arith.cmpi sgt, %parallel_loop3A_1248, %parallel_loop3A_1251 : i32
      %parallel_loop3A_1253 = arith.extui %parallel_loop3A_1252 : i1 to i32
      %parallel_loop3A_1254 = arith.constant 0 : i32
      %parallel_loop3A_1255 = arith.cmpi slt, %parallel_loop3A_1248, %parallel_loop3A_1254 : i32
      %parallel_loop3A_1256 = arith.extui %parallel_loop3A_1255 : i1 to i32
      %parallel_loop3A_1257 = arith.subi %parallel_loop3A_1253, %parallel_loop3A_1256 : i32
      %parallel_loop3A_1258 = arith.constant 0 : i32
      %parallel_loop3A_1259 = arith.cmpi sgt, %parallel_loop3A_1249, %parallel_loop3A_1258 : i32
      %parallel_loop3A_1260 = arith.extui %parallel_loop3A_1259 : i1 to i32
      %parallel_loop3A_1261 = arith.constant 0 : i32
      %parallel_loop3A_1262 = arith.cmpi slt, %parallel_loop3A_1249, %parallel_loop3A_1261 : i32
      %parallel_loop3A_1263 = arith.extui %parallel_loop3A_1262 : i1 to i32
      %parallel_loop3A_1264 = arith.subi %parallel_loop3A_1260, %parallel_loop3A_1263 : i32
      %parallel_loop3A_1265 = arith.cmpi ne, %parallel_loop3A_1257, %parallel_loop3A_1264 : i32
      %parallel_loop3A_1266 = arith.remsi %parallel_loop3A_1248, %parallel_loop3A_1249 : i32
      %parallel_loop3A_1267 = arith.constant 0 : i32
      %parallel_loop3A_1268 = arith.cmpi ne, %parallel_loop3A_1266, %parallel_loop3A_1267 : i32
      %parallel_loop3A_1269 = arith.andi %parallel_loop3A_1265, %parallel_loop3A_1268 : i1
      %parallel_loop3A_1270 = arith.constant 1 : i32
      %parallel_loop3A_1271 = arith.subi %parallel_loop3A_1250, %parallel_loop3A_1270 : i32
      %parallel_loop3A_1272 = arith.select %parallel_loop3A_1269, %parallel_loop3A_1271, %parallel_loop3A_1250 : i32
      %parallel_loop3A_1273 = arith.constant 64 : i32
      %parallel_loop3A_1274 = arith.remsi %parallel_loop3A_1248, %parallel_loop3A_1273 : i32
      %parallel_loop3A_1275 = arith.constant 16 : i32
      %parallel_loop3A_1276 = arith.muli %parallel_loop3A_1274, %parallel_loop3A_1275 : i32
      %parallel_loop3A_1277 = arith.constant 0 : i32
      %parallel_loop3A_1278 = arith.index_cast %parallel_loop3A_1277 : i32 to index
      %parallel_loop3A_1279 = arith.index_cast %parallel_loop3A_1272 : i32 to index
      %parallel_loop3A_1280 = arith.index_cast %parallel_loop3A_1276 : i32 to index
      %parallel_loop3A_1281 = tpu.vector_load %arg6[%parallel_loop3A_1278, %parallel_loop3A_1279, %parallel_loop3A_1280] {strides = array<i32>} : memref<1x32x1024xf32, #tpu.memory_space<vmem>>, vector<1x1x16xf32>,
      %parallel_loop3A_1282 = vector.shape_cast %parallel_loop3A_1281 : vector<1x1x16xf32> to vector<16xf32>
      %parallel_loop3A_1283 = arith.constant 0 : i32
      %parallel_loop3A_1284 = arith.index_cast %parallel_loop3A_1283 : i32 to index
      %parallel_loop3A_1285 = arith.index_cast %parallel_loop3A_1272 : i32 to index
      %parallel_loop3A_1286 = arith.index_cast %parallel_loop3A_1276 : i32 to index
      %parallel_loop3A_1287 = tpu.vector_load %arg5[%parallel_loop3A_1284, %parallel_loop3A_1285, %parallel_loop3A_1286] {strides = array<i32>} : memref<2x32x1024xf32, #tpu.memory_space<vmem>>, vector<1x1x16xf32>,
      %parallel_loop3A_1288 = vector.shape_cast %parallel_loop3A_1287 : vector<1x1x16xf32> to vector<16xf32>
      %parallel_loop3A_1289 = vector.shape_cast %parallel_loop3A_1282 : vector<16xf32> to vector<1x1x16xf32>
      tpu.vector_store %arg5[%parallel_loop3A_1284, %parallel_loop3A_1285, %parallel_loop3A_1286], %parallel_loop3A_1289 {add = true, strides = array<i32>} : memref<2x32x1024xf32, #tpu.memory_space<vmem>>, vector<1x1x16xf32>,
    } {sc.loop_unroll_factor = 8 : i64, sc.parallel_access}
    %add3A_396 = arith.constant 0 : i32
    %add3A_397 = arith.addi %add3A_396, %mul3A_2 : i32
    %add3A_398 = arith.constant 32 : i32
    %add3A_399 = arith.addi %add3A_397, %add3A_398 : i32
    %dma_start3A_400 = arith.constant 0 : i32
    %dma_start3A_401 = arith.constant 0 : i32
    %dma_start3A_402 = arith.constant 0 : i32
    %dma_start3A_403 = tpu.memref_slice %arg5[%dma_start3A_400, %dma_start3A_401, %dma_start3A_402] : memref<2x32x1024xf32, #tpu.memory_space<vmem>> -> memref<1x32x1024xf32, #tpu.memory_space<vmem>>
    %dma_start3A_404 = tpu.memref_squeeze %dma_start3A_403 : memref<1x32x1024xf32, #tpu.memory_space<vmem>> -> memref<32x1024xf32, #tpu.memory_space<vmem>>
    %dma_start3A_405 = tpu.memref_reshape %arg4 : memref<4x4096x1024xf32, #tpu.memory_space<hbm>> -> memref<16384x1024xf32, #tpu.memory_space<hbm>>
    %dma_start3A_406 = arith.constant 0 : i32
    %dma_start3A_407 = tpu.memref_slice %dma_start3A_405[%add3A_399, %dma_start3A_406] : memref<16384x1024xf32, #tpu.memory_space<hbm>> -> memref<32x1024xf32, #tpu.memory_space<hbm>>
    %dma_start3A_408 = tpu.memref_reshape %arg4 : memref<4x4096x1024xf32, #tpu.memory_space<hbm>> -> memref<16384x1024xf32, #tpu.memory_space<hbm>>
    %dma_start3A_409 = arith.constant 0 : i32
    %dma_start3A_410 = tpu.memref_slice %dma_start3A_408[%add3A_399, %dma_start3A_409] : memref<16384x1024xf32, #tpu.memory_space<hbm>> -> memref<32x1024xf32, #tpu.memory_space<hbm>>
    %dma_start3A_411 = arith.constant 0 : i32
    %dma_start3A_412 = arith.constant 0 : i32
    %dma_start3A_413 = tpu.memref_slice %arg5[%dma_start3A_400, %dma_start3A_411, %dma_start3A_412] : memref<2x32x1024xf32, #tpu.memory_space<vmem>> -> memref<1x32x1024xf32, #tpu.memory_space<vmem>>
    %dma_start3A_414 = tpu.memref_squeeze %dma_start3A_413 : memref<1x32x1024xf32, #tpu.memory_space<vmem>> -> memref<32x1024xf32, #tpu.memory_space<vmem>>
    tpu.enqueue_dma source(%dma_start3A_414 : memref<32x1024xf32, #tpu.memory_space<vmem>>) target(%dma_start3A_410 : memref<32x1024xf32, #tpu.memory_space<hbm>>) target_semaphore(%arg11 : memref<!tpu.dma_semaphore, #tpu.memory_space<semaphore_mem>>)
    %dma_wait3A_415 = arith.constant 0 : i32
    %dma_wait3A_416 = arith.constant 0 : i32
    %dma_wait3A_417 = arith.constant 0 : i32
    %dma_wait3A_418 = tpu.memref_slice %arg5[%dma_wait3A_415, %dma_wait3A_416, %dma_wait3A_417] : memref<2x32x1024xf32, #tpu.memory_space<vmem>> -> memref<1x32x1024xf32, #tpu.memory_space<vmem>>
    %dma_wait3A_419 = tpu.memref_squeeze %dma_wait3A_418 : memref<1x32x1024xf32, #tpu.memory_space<vmem>> -> memref<32x1024xf32, #tpu.memory_space<vmem>>
    %dma_wait3A_420 = tpu.memref_reshape %arg4 : memref<4x4096x1024xf32, #tpu.memory_space<hbm>> -> memref<16384x1024xf32, #tpu.memory_space<hbm>>
    %dma_wait3A_421 = arith.constant 0 : i32
    %dma_wait3A_422 = tpu.memref_slice %dma_wait3A_420[%add3A_399, %dma_wait3A_421] : memref<16384x1024xf32, #tpu.memory_space<hbm>> -> memref<32x1024xf32, #tpu.memory_space<hbm>>
    %dma_wait3A_423 = tpu.memref_reshape %arg4 : memref<4x4096x1024xf32, #tpu.memory_space<hbm>> -> memref<16384x1024xf32, #tpu.memory_space<hbm>>
    %dma_wait3A_424 = arith.constant 0 : i32
    %dma_wait3A_425 = tpu.memref_slice %dma_wait3A_423[%add3A_399, %dma_wait3A_424] : memref<16384x1024xf32, #tpu.memory_space<hbm>> -> memref<32x1024xf32, #tpu.memory_space<hbm>>
    %dma_wait3A_426 = arith.constant 0 : i32
    %dma_wait3A_427 = arith.constant 0 : i32
    %dma_wait3A_428 = tpu.memref_slice %arg5[%dma_wait3A_415, %dma_wait3A_426, %dma_wait3A_427] : memref<2x32x1024xf32, #tpu.memory_space<vmem>> -> memref<1x32x1024xf32, #tpu.memory_space<vmem>>
    %dma_wait3A_429 = tpu.memref_squeeze %dma_wait3A_428 : memref<1x32x1024xf32, #tpu.memory_space<vmem>> -> memref<32x1024xf32, #tpu.memory_space<vmem>>
    tpu.wait_dma2 semaphore(%arg11 : memref<!tpu.dma_semaphore, #tpu.memory_space<semaphore_mem>>) src(%dma_wait3A_429 : memref<32x1024xf32, #tpu.memory_space<vmem>>) dst(%dma_wait3A_425 : memref<32x1024xf32, #tpu.memory_space<hbm>>)
    %add3A_430 = arith.constant 8192 : i32
    %add3A_431 = arith.addi %add3A_430, %mul3A_2 : i32
    %add3A_432 = arith.constant 32 : i32
    %add3A_433 = arith.addi %add3A_431, %add3A_432 : i32
    %dma_start3A_434 = arith.constant 0 : i32
    %dma_start3A_435 = arith.constant 0 : i32
    %dma_start3A_436 = arith.constant 0 : i32
    %dma_start3A_437 = tpu.memref_slice %arg5[%dma_start3A_434, %dma_start3A_435, %dma_start3A_436] : memref<2x32x1024xf32, #tpu.memory_space<vmem>> -> memref<1x32x1024xf32, #tpu.memory_space<vmem>>
    %dma_start3A_438 = tpu.memref_squeeze %dma_start3A_437 : memref<1x32x1024xf32, #tpu.memory_space<vmem>> -> memref<32x1024xf32, #tpu.memory_space<vmem>>
    %dma_start3A_439 = tpu.memref_reshape %arg2 : memref<4x4096x1024xf32, #tpu.memory_space<hbm>> -> memref<16384x1024xf32, #tpu.memory_space<hbm>>
    %dma_start3A_440 = arith.constant 0 : i32
    %dma_start3A_441 = tpu.memref_slice %dma_start3A_439[%add3A_433, %dma_start3A_440] : memref<16384x1024xf32, #tpu.memory_space<hbm>> -> memref<32x1024xf32, #tpu.memory_space<hbm>>
    %dma_start3A_442 = arith.constant 0 : i32
    %dma_start3A_443 = arith.constant 0 : i32
    %dma_start3A_444 = tpu.memref_slice %arg5[%dma_start3A_434, %dma_start3A_442, %dma_start3A_443] : memref<2x32x1024xf32, #tpu.memory_space<vmem>> -> memref<1x32x1024xf32, #tpu.memory_space<vmem>>
    %dma_start3A_445 = tpu.memref_squeeze %dma_start3A_444 : memref<1x32x1024xf32, #tpu.memory_space<vmem>> -> memref<32x1024xf32, #tpu.memory_space<vmem>>
    %dma_start3A_446 = tpu.memref_reshape %arg2 : memref<4x4096x1024xf32, #tpu.memory_space<hbm>> -> memref<16384x1024xf32, #tpu.memory_space<hbm>>
    %dma_start3A_447 = arith.constant 0 : i32
    %dma_start3A_448 = tpu.memref_slice %dma_start3A_446[%add3A_433, %dma_start3A_447] : memref<16384x1024xf32, #tpu.memory_space<hbm>> -> memref<32x1024xf32, #tpu.memory_space<hbm>>
    tpu.enqueue_dma source(%dma_start3A_448 : memref<32x1024xf32, #tpu.memory_space<hbm>>) target(%dma_start3A_445 : memref<32x1024xf32, #tpu.memory_space<vmem>>) target_semaphore(%arg7 : memref<!tpu.dma_semaphore, #tpu.memory_space<semaphore_mem>>)
    %dma_wait3A_449 = arith.constant 1 : i32
    %dma_wait3A_450 = arith.constant 0 : i32
    %dma_wait3A_451 = arith.constant 0 : i32
    %dma_wait3A_452 = tpu.memref_slice %arg5[%dma_wait3A_449, %dma_wait3A_450, %dma_wait3A_451] : memref<2x32x1024xf32, #tpu.memory_space<vmem>> -> memref<1x32x1024xf32, #tpu.memory_space<vmem>>
    %dma_wait3A_453 = tpu.memref_squeeze %dma_wait3A_452 : memref<1x32x1024xf32, #tpu.memory_space<vmem>> -> memref<32x1024xf32, #tpu.memory_space<vmem>>
    %dma_wait3A_454 = tpu.memref_reshape %arg2 : memref<4x4096x1024xf32, #tpu.memory_space<hbm>> -> memref<16384x1024xf32, #tpu.memory_space<hbm>>
    %dma_wait3A_455 = arith.constant 0 : i32
    %dma_wait3A_456 = tpu.memref_slice %dma_wait3A_454[%add3A_362, %dma_wait3A_455] : memref<16384x1024xf32, #tpu.memory_space<hbm>> -> memref<32x1024xf32, #tpu.memory_space<hbm>>
    %dma_wait3A_457 = arith.constant 0 : i32
    %dma_wait3A_458 = arith.constant 0 : i32
    %dma_wait3A_459 = tpu.memref_slice %arg5[%dma_wait3A_449, %dma_wait3A_457, %dma_wait3A_458] : memref<2x32x1024xf32, #tpu.memory_space<vmem>> -> memref<1x32x1024xf32, #tpu.memory_space<vmem>>
    %dma_wait3A_460 = tpu.memref_squeeze %dma_wait3A_459 : memref<1x32x1024xf32, #tpu.memory_space<vmem>> -> memref<32x1024xf32, #tpu.memory_space<vmem>>
    %dma_wait3A_461 = tpu.memref_reshape %arg2 : memref<4x4096x1024xf32, #tpu.memory_space<hbm>> -> memref<16384x1024xf32, #tpu.memory_space<hbm>>
    %dma_wait3A_462 = arith.constant 0 : i32
    %dma_wait3A_463 = tpu.memref_slice %dma_wait3A_461[%add3A_362, %dma_wait3A_462] : memref<16384x1024xf32, #tpu.memory_space<hbm>> -> memref<32x1024xf32, #tpu.memory_space<hbm>>
    tpu.wait_dma2 semaphore(%arg8 : memref<!tpu.dma_semaphore, #tpu.memory_space<semaphore_mem>>) src(%dma_wait3A_463 : memref<32x1024xf32, #tpu.memory_space<hbm>>) dst(%dma_wait3A_460 : memref<32x1024xf32, #tpu.memory_space<vmem>>)
    %parallel_loop3A_464 = arith.constant 0 : i32
    %parallel_loop3A_465 = arith.constant 2048 : i32
    %parallel_loop3A_466 = arith.constant 1 : i32
    scf.for %parallel_loop3A_1248 = %parallel_loop3A_464 to %parallel_loop3A_465 step %parallel_loop3A_466  : i32 {
      %parallel_loop3A_1249 = arith.constant 64 : i32
      %parallel_loop3A_1250 = arith.divsi %parallel_loop3A_1248, %parallel_loop3A_1249 : i32
      %parallel_loop3A_1251 = arith.constant 0 : i32
      %parallel_loop3A_1252 = arith.cmpi sgt, %parallel_loop3A_1248, %parallel_loop3A_1251 : i32
      %parallel_loop3A_1253 = arith.extui %parallel_loop3A_1252 : i1 to i32
      %parallel_loop3A_1254 = arith.constant 0 : i32
      %parallel_loop3A_1255 = arith.cmpi slt, %parallel_loop3A_1248, %parallel_loop3A_1254 : i32
      %parallel_loop3A_1256 = arith.extui %parallel_loop3A_1255 : i1 to i32
      %parallel_loop3A_1257 = arith.subi %parallel_loop3A_1253, %parallel_loop3A_1256 : i32
      %parallel_loop3A_1258 = arith.constant 0 : i32
      %parallel_loop3A_1259 = arith.cmpi sgt, %parallel_loop3A_1249, %parallel_loop3A_1258 : i32
      %parallel_loop3A_1260 = arith.extui %parallel_loop3A_1259 : i1 to i32
      %parallel_loop3A_1261 = arith.constant 0 : i32
      %parallel_loop3A_1262 = arith.cmpi slt, %parallel_loop3A_1249, %parallel_loop3A_1261 : i32
      %parallel_loop3A_1263 = arith.extui %parallel_loop3A_1262 : i1 to i32
      %parallel_loop3A_1264 = arith.subi %parallel_loop3A_1260, %parallel_loop3A_1263 : i32
      %parallel_loop3A_1265 = arith.cmpi ne, %parallel_loop3A_1257, %parallel_loop3A_1264 : i32
      %parallel_loop3A_1266 = arith.remsi %parallel_loop3A_1248, %parallel_loop3A_1249 : i32
      %parallel_loop3A_1267 = arith.constant 0 : i32
      %parallel_loop3A_1268 = arith.cmpi ne, %parallel_loop3A_1266, %parallel_loop3A_1267 : i32
      %parallel_loop3A_1269 = arith.andi %parallel_loop3A_1265, %parallel_loop3A_1268 : i1
      %parallel_loop3A_1270 = arith.constant 1 : i32
      %parallel_loop3A_1271 = arith.subi %parallel_loop3A_1250, %parallel_loop3A_1270 : i32
      %parallel_loop3A_1272 = arith.select %parallel_loop3A_1269, %parallel_loop3A_1271, %parallel_loop3A_1250 : i32
      %parallel_loop3A_1273 = arith.constant 64 : i32
      %parallel_loop3A_1274 = arith.remsi %parallel_loop3A_1248, %parallel_loop3A_1273 : i32
      %parallel_loop3A_1275 = arith.constant 16 : i32
      %parallel_loop3A_1276 = arith.muli %parallel_loop3A_1274, %parallel_loop3A_1275 : i32
      %parallel_loop3A_1277 = arith.constant 0 : i32
      %parallel_loop3A_1278 = arith.index_cast %parallel_loop3A_1277 : i32 to index
      %parallel_loop3A_1279 = arith.index_cast %parallel_loop3A_1272 : i32 to index
      %parallel_loop3A_1280 = arith.index_cast %parallel_loop3A_1276 : i32 to index
      %parallel_loop3A_1281 = tpu.vector_load %arg6[%parallel_loop3A_1278, %parallel_loop3A_1279, %parallel_loop3A_1280] {strides = array<i32>} : memref<1x32x1024xf32, #tpu.memory_space<vmem>>, vector<1x1x16xf32>,
      %parallel_loop3A_1282 = vector.shape_cast %parallel_loop3A_1281 : vector<1x1x16xf32> to vector<16xf32>
      %parallel_loop3A_1283 = arith.constant 1 : i32
      %parallel_loop3A_1284 = arith.index_cast %parallel_loop3A_1283 : i32 to index
      %parallel_loop3A_1285 = arith.index_cast %parallel_loop3A_1272 : i32 to index
      %parallel_loop3A_1286 = arith.index_cast %parallel_loop3A_1276 : i32 to index
      %parallel_loop3A_1287 = tpu.vector_load %arg5[%parallel_loop3A_1284, %parallel_loop3A_1285, %parallel_loop3A_1286] {strides = array<i32>} : memref<2x32x1024xf32, #tpu.memory_space<vmem>>, vector<1x1x16xf32>,
      %parallel_loop3A_1288 = vector.shape_cast %parallel_loop3A_1287 : vector<1x1x16xf32> to vector<16xf32>
      %parallel_loop3A_1289 = vector.shape_cast %parallel_loop3A_1282 : vector<16xf32> to vector<1x1x16xf32>
      tpu.vector_store %arg5[%parallel_loop3A_1284, %parallel_loop3A_1285, %parallel_loop3A_1286], %parallel_loop3A_1289 {add = true, strides = array<i32>} : memref<2x32x1024xf32, #tpu.memory_space<vmem>>, vector<1x1x16xf32>,
    } {sc.loop_unroll_factor = 8 : i64, sc.parallel_access}
    %add3A_467 = arith.constant 4096 : i32
    %add3A_468 = arith.addi %add3A_467, %mul3A_2 : i32
    %add3A_469 = arith.constant 32 : i32
    %add3A_470 = arith.addi %add3A_468, %add3A_469 : i32
    %dma_start3A_471 = arith.constant 1 : i32
    %dma_start3A_472 = arith.constant 0 : i32
    %dma_start3A_473 = arith.constant 0 : i32
    %dma_start3A_474 = tpu.memref_slice %arg5[%dma_start3A_471, %dma_start3A_472, %dma_start3A_473] : memref<2x32x1024xf32, #tpu.memory_space<vmem>> -> memref<1x32x1024xf32, #tpu.memory_space<vmem>>
    %dma_start3A_475 = tpu.memref_squeeze %dma_start3A_474 : memref<1x32x1024xf32, #tpu.memory_space<vmem>> -> memref<32x1024xf32, #tpu.memory_space<vmem>>
    %dma_start3A_476 = tpu.memref_reshape %arg4 : memref<4x4096x1024xf32, #tpu.memory_space<hbm>> -> memref<16384x1024xf32, #tpu.memory_space<hbm>>
    %dma_start3A_477 = arith.constant 0 : i32
    %dma_start3A_478 = tpu.memref_slice %dma_start3A_476[%add3A_470, %dma_start3A_477] : memref<16384x1024xf32, #tpu.memory_space<hbm>> -> memref<32x1024xf32, #tpu.memory_space<hbm>>
    %dma_start3A_479 = tpu.memref_reshape %arg4 : memref<4x4096x1024xf32, #tpu.memory_space<hbm>> -> memref<16384x1024xf32, #tpu.memory_space<hbm>>
    %dma_start3A_480 = arith.constant 0 : i32
    %dma_start3A_481 = tpu.memref_slice %dma_start3A_479[%add3A_470, %dma_start3A_480] : memref<16384x1024xf32, #tpu.memory_space<hbm>> -> memref<32x1024xf32, #tpu.memory_space<hbm>>
    %dma_start3A_482 = arith.constant 0 : i32
    %dma_start3A_483 = arith.constant 0 : i32
    %dma_start3A_484 = tpu.memref_slice %arg5[%dma_start3A_471, %dma_start3A_482, %dma_start3A_483] : memref<2x32x1024xf32, #tpu.memory_space<vmem>> -> memref<1x32x1024xf32, #tpu.memory_space<vmem>>
    %dma_start3A_485 = tpu.memref_squeeze %dma_start3A_484 : memref<1x32x1024xf32, #tpu.memory_space<vmem>> -> memref<32x1024xf32, #tpu.memory_space<vmem>>
    tpu.enqueue_dma source(%dma_start3A_485 : memref<32x1024xf32, #tpu.memory_space<vmem>>) target(%dma_start3A_481 : memref<32x1024xf32, #tpu.memory_space<hbm>>) target_semaphore(%arg12 : memref<!tpu.dma_semaphore, #tpu.memory_space<semaphore_mem>>)
    %dma_wait3A_486 = arith.constant 1 : i32
    %dma_wait3A_487 = arith.constant 0 : i32
    %dma_wait3A_488 = arith.constant 0 : i32
    %dma_wait3A_489 = tpu.memref_slice %arg5[%dma_wait3A_486, %dma_wait3A_487, %dma_wait3A_488] : memref<2x32x1024xf32, #tpu.memory_space<vmem>> -> memref<1x32x1024xf32, #tpu.memory_space<vmem>>
    %dma_wait3A_490 = tpu.memref_squeeze %dma_wait3A_489 : memref<1x32x1024xf32, #tpu.memory_space<vmem>> -> memref<32x1024xf32, #tpu.memory_space<vmem>>
    %dma_wait3A_491 = tpu.memref_reshape %arg4 : memref<4x4096x1024xf32, #tpu.memory_space<hbm>> -> memref<16384x1024xf32, #tpu.memory_space<hbm>>
    %dma_wait3A_492 = arith.constant 0 : i32
    %dma_wait3A_493 = tpu.memref_slice %dma_wait3A_491[%add3A_470, %dma_wait3A_492] : memref<16384x1024xf32, #tpu.memory_space<hbm>> -> memref<32x1024xf32, #tpu.memory_space<hbm>>
    %dma_wait3A_494 = tpu.memref_reshape %arg4 : memref<4x4096x1024xf32, #tpu.memory_space<hbm>> -> memref<16384x1024xf32, #tpu.memory_space<hbm>>
    %dma_wait3A_495 = arith.constant 0 : i32
    %dma_wait3A_496 = tpu.memref_slice %dma_wait3A_494[%add3A_470, %dma_wait3A_495] : memref<16384x1024xf32, #tpu.memory_space<hbm>> -> memref<32x1024xf32, #tpu.memory_space<hbm>>
    %dma_wait3A_497 = arith.constant 0 : i32
    %dma_wait3A_498 = arith.constant 0 : i32
    %dma_wait3A_499 = tpu.memref_slice %arg5[%dma_wait3A_486, %dma_wait3A_497, %dma_wait3A_498] : memref<2x32x1024xf32, #tpu.memory_space<vmem>> -> memref<1x32x1024xf32, #tpu.memory_space<vmem>>
    %dma_wait3A_500 = tpu.memref_squeeze %dma_wait3A_499 : memref<1x32x1024xf32, #tpu.memory_space<vmem>> -> memref<32x1024xf32, #tpu.memory_space<vmem>>
    tpu.wait_dma2 semaphore(%arg12 : memref<!tpu.dma_semaphore, #tpu.memory_space<semaphore_mem>>) src(%dma_wait3A_500 : memref<32x1024xf32, #tpu.memory_space<vmem>>) dst(%dma_wait3A_496 : memref<32x1024xf32, #tpu.memory_space<hbm>>)
    %add3A_501 = arith.constant 12288 : i32
    %add3A_502 = arith.addi %add3A_501, %mul3A_2 : i32
    %add3A_503 = arith.constant 32 : i32
    %add3A_504 = arith.addi %add3A_502, %add3A_503 : i32
    %dma_start3A_505 = arith.constant 1 : i32
    %dma_start3A_506 = arith.constant 0 : i32
    %dma_start3A_507 = arith.constant 0 : i32
    %dma_start3A_508 = tpu.memref_slice %arg5[%dma_start3A_505, %dma_start3A_506, %dma_start3A_507] : memref<2x32x1024xf32, #tpu.memory_space<vmem>> -> memref<1x32x1024xf32, #tpu.memory_space<vmem>>
    %dma_start3A_509 = tpu.memref_squeeze %dma_start3A_508 : memref<1x32x1024xf32, #tpu.memory_space<vmem>> -> memref<32x1024xf32, #tpu.memory_space<vmem>>
    %dma_start3A_510 = tpu.memref_reshape %arg2 : memref<4x4096x1024xf32, #tpu.memory_space<hbm>> -> memref<16384x1024xf32, #tpu.memory_space<hbm>>
    %dma_start3A_511 = arith.constant 0 : i32
    %dma_start3A_512 = tpu.memref_slice %dma_start3A_510[%add3A_504, %dma_start3A_511] : memref<16384x1024xf32, #tpu.memory_space<hbm>> -> memref<32x1024xf32, #tpu.memory_space<hbm>>
    %dma_start3A_513 = arith.constant 0 : i32
    %dma_start3A_514 = arith.constant 0 : i32
    %dma_start3A_515 = tpu.memref_slice %arg5[%dma_start3A_505, %dma_start3A_513, %dma_start3A_514] : memref<2x32x1024xf32, #tpu.memory_space<vmem>> -> memref<1x32x1024xf32, #tpu.memory_space<vmem>>
    %dma_start3A_516 = tpu.memref_squeeze %dma_start3A_515 : memref<1x32x1024xf32, #tpu.memory_space<vmem>> -> memref<32x1024xf32, #tpu.memory_space<vmem>>
    %dma_start3A_517 = tpu.memref_reshape %arg2 : memref<4x4096x1024xf32, #tpu.memory_space<hbm>> -> memref<16384x1024xf32, #tpu.memory_space<hbm>>
    %dma_start3A_518 = arith.constant 0 : i32
    %dma_start3A_519 = tpu.memref_slice %dma_start3A_517[%add3A_504, %dma_start3A_518] : memref<16384x1024xf32, #tpu.memory_space<hbm>> -> memref<32x1024xf32, #tpu.memory_space<hbm>>
    tpu.enqueue_dma source(%dma_start3A_519 : memref<32x1024xf32, #tpu.memory_space<hbm>>) target(%dma_start3A_516 : memref<32x1024xf32, #tpu.memory_space<vmem>>) target_semaphore(%arg8 : memref<!tpu.dma_semaphore, #tpu.memory_space<semaphore_mem>>)
    %dma_wait3A_520 = arith.constant 0 : i32
    %dma_wait3A_521 = arith.constant 0 : i32
    %dma_wait3A_522 = arith.constant 0 : i32
    %dma_wait3A_523 = tpu.memref_slice %arg5[%dma_wait3A_520, %dma_wait3A_521, %dma_wait3A_522] : memref<2x32x1024xf32, #tpu.memory_space<vmem>> -> memref<1x32x1024xf32, #tpu.memory_space<vmem>>
    %dma_wait3A_524 = tpu.memref_squeeze %dma_wait3A_523 : memref<1x32x1024xf32, #tpu.memory_space<vmem>> -> memref<32x1024xf32, #tpu.memory_space<vmem>>
    %dma_wait3A_525 = tpu.memref_reshape %arg2 : memref<4x4096x1024xf32, #tpu.memory_space<hbm>> -> memref<16384x1024xf32, #tpu.memory_space<hbm>>
    %dma_wait3A_526 = arith.constant 0 : i32
    %dma_wait3A_527 = tpu.memref_slice %dma_wait3A_525[%add3A_433, %dma_wait3A_526] : memref<16384x1024xf32, #tpu.memory_space<hbm>> -> memref<32x1024xf32, #tpu.memory_space<hbm>>
    %dma_wait3A_528 = arith.constant 0 : i32
    %dma_wait3A_529 = arith.constant 0 : i32
    %dma_wait3A_530 = tpu.memref_slice %arg5[%dma_wait3A_520, %dma_wait3A_528, %dma_wait3A_529] : memref<2x32x1024xf32, #tpu.memory_space<vmem>> -> memref<1x32x1024xf32, #tpu.memory_space<vmem>>
    %dma_wait3A_531 = tpu.memref_squeeze %dma_wait3A_530 : memref<1x32x1024xf32, #tpu.memory_space<vmem>> -> memref<32x1024xf32, #tpu.memory_space<vmem>>
    %dma_wait3A_532 = tpu.memref_reshape %arg2 : memref<4x4096x1024xf32, #tpu.memory_space<hbm>> -> memref<16384x1024xf32, #tpu.memory_space<hbm>>
    %dma_wait3A_533 = arith.constant 0 : i32
    %dma_wait3A_534 = tpu.memref_slice %dma_wait3A_532[%add3A_433, %dma_wait3A_533] : memref<16384x1024xf32, #tpu.memory_space<hbm>> -> memref<32x1024xf32, #tpu.memory_space<hbm>>
    tpu.wait_dma2 semaphore(%arg7 : memref<!tpu.dma_semaphore, #tpu.memory_space<semaphore_mem>>) src(%dma_wait3A_534 : memref<32x1024xf32, #tpu.memory_space<hbm>>) dst(%dma_wait3A_531 : memref<32x1024xf32, #tpu.memory_space<vmem>>)
    %parallel_loop3A_535 = arith.constant 0 : i32
    %parallel_loop3A_536 = arith.constant 2048 : i32
    %parallel_loop3A_537 = arith.constant 1 : i32
    scf.for %parallel_loop3A_1248 = %parallel_loop3A_535 to %parallel_loop3A_536 step %parallel_loop3A_537  : i32 {
      %parallel_loop3A_1249 = arith.constant 64 : i32
      %parallel_loop3A_1250 = arith.divsi %parallel_loop3A_1248, %parallel_loop3A_1249 : i32
      %parallel_loop3A_1251 = arith.constant 0 : i32
      %parallel_loop3A_1252 = arith.cmpi sgt, %parallel_loop3A_1248, %parallel_loop3A_1251 : i32
      %parallel_loop3A_1253 = arith.extui %parallel_loop3A_1252 : i1 to i32
      %parallel_loop3A_1254 = arith.constant 0 : i32
      %parallel_loop3A_1255 = arith.cmpi slt, %parallel_loop3A_1248, %parallel_loop3A_1254 : i32
      %parallel_loop3A_1256 = arith.extui %parallel_loop3A_1255 : i1 to i32
      %parallel_loop3A_1257 = arith.subi %parallel_loop3A_1253, %parallel_loop3A_1256 : i32
      %parallel_loop3A_1258 = arith.constant 0 : i32
      %parallel_loop3A_1259 = arith.cmpi sgt, %parallel_loop3A_1249, %parallel_loop3A_1258 : i32
      %parallel_loop3A_1260 = arith.extui %parallel_loop3A_1259 : i1 to i32
      %parallel_loop3A_1261 = arith.constant 0 : i32
      %parallel_loop3A_1262 = arith.cmpi slt, %parallel_loop3A_1249, %parallel_loop3A_1261 : i32
      %parallel_loop3A_1263 = arith.extui %parallel_loop3A_1262 : i1 to i32
      %parallel_loop3A_1264 = arith.subi %parallel_loop3A_1260, %parallel_loop3A_1263 : i32
      %parallel_loop3A_1265 = arith.cmpi ne, %parallel_loop3A_1257, %parallel_loop3A_1264 : i32
      %parallel_loop3A_1266 = arith.remsi %parallel_loop3A_1248, %parallel_loop3A_1249 : i32
      %parallel_loop3A_1267 = arith.constant 0 : i32
      %parallel_loop3A_1268 = arith.cmpi ne, %parallel_loop3A_1266, %parallel_loop3A_1267 : i32
      %parallel_loop3A_1269 = arith.andi %parallel_loop3A_1265, %parallel_loop3A_1268 : i1
      %parallel_loop3A_1270 = arith.constant 1 : i32
      %parallel_loop3A_1271 = arith.subi %parallel_loop3A_1250, %parallel_loop3A_1270 : i32
      %parallel_loop3A_1272 = arith.select %parallel_loop3A_1269, %parallel_loop3A_1271, %parallel_loop3A_1250 : i32
      %parallel_loop3A_1273 = arith.constant 64 : i32
      %parallel_loop3A_1274 = arith.remsi %parallel_loop3A_1248, %parallel_loop3A_1273 : i32
      %parallel_loop3A_1275 = arith.constant 16 : i32
      %parallel_loop3A_1276 = arith.muli %parallel_loop3A_1274, %parallel_loop3A_1275 : i32
      %parallel_loop3A_1277 = arith.constant 0 : i32
      %parallel_loop3A_1278 = arith.index_cast %parallel_loop3A_1277 : i32 to index
      %parallel_loop3A_1279 = arith.index_cast %parallel_loop3A_1272 : i32 to index
      %parallel_loop3A_1280 = arith.index_cast %parallel_loop3A_1276 : i32 to index
      %parallel_loop3A_1281 = tpu.vector_load %arg6[%parallel_loop3A_1278, %parallel_loop3A_1279, %parallel_loop3A_1280] {strides = array<i32>} : memref<1x32x1024xf32, #tpu.memory_space<vmem>>, vector<1x1x16xf32>,
      %parallel_loop3A_1282 = vector.shape_cast %parallel_loop3A_1281 : vector<1x1x16xf32> to vector<16xf32>
      %parallel_loop3A_1283 = arith.constant 0 : i32
      %parallel_loop3A_1284 = arith.index_cast %parallel_loop3A_1283 : i32 to index
      %parallel_loop3A_1285 = arith.index_cast %parallel_loop3A_1272 : i32 to index
      %parallel_loop3A_1286 = arith.index_cast %parallel_loop3A_1276 : i32 to index
      %parallel_loop3A_1287 = tpu.vector_load %arg5[%parallel_loop3A_1284, %parallel_loop3A_1285, %parallel_loop3A_1286] {strides = array<i32>} : memref<2x32x1024xf32, #tpu.memory_space<vmem>>, vector<1x1x16xf32>,
      %parallel_loop3A_1288 = vector.shape_cast %parallel_loop3A_1287 : vector<1x1x16xf32> to vector<16xf32>
      %parallel_loop3A_1289 = vector.shape_cast %parallel_loop3A_1282 : vector<16xf32> to vector<1x1x16xf32>
      tpu.vector_store %arg5[%parallel_loop3A_1284, %parallel_loop3A_1285, %parallel_loop3A_1286], %parallel_loop3A_1289 {add = true, strides = array<i32>} : memref<2x32x1024xf32, #tpu.memory_space<vmem>>, vector<1x1x16xf32>,
    } {sc.loop_unroll_factor = 8 : i64, sc.parallel_access}
    %add3A_538 = arith.constant 8192 : i32
    %add3A_539 = arith.addi %add3A_538, %mul3A_2 : i32
    %add3A_540 = arith.constant 32 : i32
    %add3A_541 = arith.addi %add3A_539, %add3A_540 : i32
    %dma_start3A_542 = arith.constant 0 : i32
    %dma_start3A_543 = arith.constant 0 : i32
    %dma_start3A_544 = arith.constant 0 : i32
    %dma_start3A_545 = tpu.memref_slice %arg5[%dma_start3A_542, %dma_start3A_543, %dma_start3A_544] : memref<2x32x1024xf32, #tpu.memory_space<vmem>> -> memref<1x32x1024xf32, #tpu.memory_space<vmem>>
    %dma_start3A_546 = tpu.memref_squeeze %dma_start3A_545 : memref<1x32x1024xf32, #tpu.memory_space<vmem>> -> memref<32x1024xf32, #tpu.memory_space<vmem>>
    %dma_start3A_547 = tpu.memref_reshape %arg4 : memref<4x4096x1024xf32, #tpu.memory_space<hbm>> -> memref<16384x1024xf32, #tpu.memory_space<hbm>>
    %dma_start3A_548 = arith.constant 0 : i32
    %dma_start3A_549 = tpu.memref_slice %dma_start3A_547[%add3A_541, %dma_start3A_548] : memref<16384x1024xf32, #tpu.memory_space<hbm>> -> memref<32x1024xf32, #tpu.memory_space<hbm>>
    %dma_start3A_550 = tpu.memref_reshape %arg4 : memref<4x4096x1024xf32, #tpu.memory_space<hbm>> -> memref<16384x1024xf32, #tpu.memory_space<hbm>>
    %dma_start3A_551 = arith.constant 0 : i32
    %dma_start3A_552 = tpu.memref_slice %dma_start3A_550[%add3A_541, %dma_start3A_551] : memref<16384x1024xf32, #tpu.memory_space<hbm>> -> memref<32x1024xf32, #tpu.memory_space<hbm>>
    %dma_start3A_553 = arith.constant 0 : i32
    %dma_start3A_554 = arith.constant 0 : i32
    %dma_start3A_555 = tpu.memref_slice %arg5[%dma_start3A_542, %dma_start3A_553, %dma_start3A_554] : memref<2x32x1024xf32, #tpu.memory_space<vmem>> -> memref<1x32x1024xf32, #tpu.memory_space<vmem>>
    %dma_start3A_556 = tpu.memref_squeeze %dma_start3A_555 : memref<1x32x1024xf32, #tpu.memory_space<vmem>> -> memref<32x1024xf32, #tpu.memory_space<vmem>>
    tpu.enqueue_dma source(%dma_start3A_556 : memref<32x1024xf32, #tpu.memory_space<vmem>>) target(%dma_start3A_552 : memref<32x1024xf32, #tpu.memory_space<hbm>>) target_semaphore(%arg11 : memref<!tpu.dma_semaphore, #tpu.memory_space<semaphore_mem>>)
    %dma_wait3A_557 = arith.constant 0 : i32
    %dma_wait3A_558 = arith.constant 0 : i32
    %dma_wait3A_559 = arith.constant 0 : i32
    %dma_wait3A_560 = tpu.memref_slice %arg5[%dma_wait3A_557, %dma_wait3A_558, %dma_wait3A_559] : memref<2x32x1024xf32, #tpu.memory_space<vmem>> -> memref<1x32x1024xf32, #tpu.memory_space<vmem>>
    %dma_wait3A_561 = tpu.memref_squeeze %dma_wait3A_560 : memref<1x32x1024xf32, #tpu.memory_space<vmem>> -> memref<32x1024xf32, #tpu.memory_space<vmem>>
    %dma_wait3A_562 = tpu.memref_reshape %arg4 : memref<4x4096x1024xf32, #tpu.memory_space<hbm>> -> memref<16384x1024xf32, #tpu.memory_space<hbm>>
    %dma_wait3A_563 = arith.constant 0 : i32
    %dma_wait3A_564 = tpu.memref_slice %dma_wait3A_562[%add3A_541, %dma_wait3A_563] : memref<16384x1024xf32, #tpu.memory_space<hbm>> -> memref<32x1024xf32, #tpu.memory_space<hbm>>
    %dma_wait3A_565 = tpu.memref_reshape %arg4 : memref<4x4096x1024xf32, #tpu.memory_space<hbm>> -> memref<16384x1024xf32, #tpu.memory_space<hbm>>
    %dma_wait3A_566 = arith.constant 0 : i32
    %dma_wait3A_567 = tpu.memref_slice %dma_wait3A_565[%add3A_541, %dma_wait3A_566] : memref<16384x1024xf32, #tpu.memory_space<hbm>> -> memref<32x1024xf32, #tpu.memory_space<hbm>>
    %dma_wait3A_568 = arith.constant 0 : i32
    %dma_wait3A_569 = arith.constant 0 : i32
    %dma_wait3A_570 = tpu.memref_slice %arg5[%dma_wait3A_557, %dma_wait3A_568, %dma_wait3A_569] : memref<2x32x1024xf32, #tpu.memory_space<vmem>> -> memref<1x32x1024xf32, #tpu.memory_space<vmem>>
    %dma_wait3A_571 = tpu.memref_squeeze %dma_wait3A_570 : memref<1x32x1024xf32, #tpu.memory_space<vmem>> -> memref<32x1024xf32, #tpu.memory_space<vmem>>
    tpu.wait_dma2 semaphore(%arg11 : memref<!tpu.dma_semaphore, #tpu.memory_space<semaphore_mem>>) src(%dma_wait3A_571 : memref<32x1024xf32, #tpu.memory_space<vmem>>) dst(%dma_wait3A_567 : memref<32x1024xf32, #tpu.memory_space<hbm>>)
    %add3A_572 = arith.constant 0 : i32
    %add3A_573 = arith.addi %add3A_572, %mul3A_2 : i32
    %add3A_574 = arith.constant 64 : i32
    %add3A_575 = arith.addi %add3A_573, %add3A_574 : i32
    %dma_start3A_576 = arith.constant 0 : i32
    %dma_start3A_577 = arith.constant 0 : i32
    %dma_start3A_578 = arith.constant 0 : i32
    %dma_start3A_579 = tpu.memref_slice %arg5[%dma_start3A_576, %dma_start3A_577, %dma_start3A_578] : memref<2x32x1024xf32, #tpu.memory_space<vmem>> -> memref<1x32x1024xf32, #tpu.memory_space<vmem>>
    %dma_start3A_580 = tpu.memref_squeeze %dma_start3A_579 : memref<1x32x1024xf32, #tpu.memory_space<vmem>> -> memref<32x1024xf32, #tpu.memory_space<vmem>>
    %dma_start3A_581 = tpu.memref_reshape %arg2 : memref<4x4096x1024xf32, #tpu.memory_space<hbm>> -> memref<16384x1024xf32, #tpu.memory_space<hbm>>
    %dma_start3A_582 = arith.constant 0 : i32
    %dma_start3A_583 = tpu.memref_slice %dma_start3A_581[%add3A_575, %dma_start3A_582] : memref<16384x1024xf32, #tpu.memory_space<hbm>> -> memref<32x1024xf32, #tpu.memory_space<hbm>>
    %dma_start3A_584 = arith.constant 0 : i32
    %dma_start3A_585 = arith.constant 0 : i32
    %dma_start3A_586 = tpu.memref_slice %arg5[%dma_start3A_576, %dma_start3A_584, %dma_start3A_585] : memref<2x32x1024xf32, #tpu.memory_space<vmem>> -> memref<1x32x1024xf32, #tpu.memory_space<vmem>>
    %dma_start3A_587 = tpu.memref_squeeze %dma_start3A_586 : memref<1x32x1024xf32, #tpu.memory_space<vmem>> -> memref<32x1024xf32, #tpu.memory_space<vmem>>
    %dma_start3A_588 = tpu.memref_reshape %arg2 : memref<4x4096x1024xf32, #tpu.memory_space<hbm>> -> memref<16384x1024xf32, #tpu.memory_space<hbm>>
    %dma_start3A_589 = arith.constant 0 : i32
    %dma_start3A_590 = tpu.memref_slice %dma_start3A_588[%add3A_575, %dma_start3A_589] : memref<16384x1024xf32, #tpu.memory_space<hbm>> -> memref<32x1024xf32, #tpu.memory_space<hbm>>
    tpu.enqueue_dma source(%dma_start3A_590 : memref<32x1024xf32, #tpu.memory_space<hbm>>) target(%dma_start3A_587 : memref<32x1024xf32, #tpu.memory_space<vmem>>) target_semaphore(%arg7 : memref<!tpu.dma_semaphore, #tpu.memory_space<semaphore_mem>>)
    %dma_wait3A_591 = arith.constant 1 : i32
    %dma_wait3A_592 = arith.constant 0 : i32
    %dma_wait3A_593 = arith.constant 0 : i32
    %dma_wait3A_594 = tpu.memref_slice %arg5[%dma_wait3A_591, %dma_wait3A_592, %dma_wait3A_593] : memref<2x32x1024xf32, #tpu.memory_space<vmem>> -> memref<1x32x1024xf32, #tpu.memory_space<vmem>>
    %dma_wait3A_595 = tpu.memref_squeeze %dma_wait3A_594 : memref<1x32x1024xf32, #tpu.memory_space<vmem>> -> memref<32x1024xf32, #tpu.memory_space<vmem>>
    %dma_wait3A_596 = tpu.memref_reshape %arg2 : memref<4x4096x1024xf32, #tpu.memory_space<hbm>> -> memref<16384x1024xf32, #tpu.memory_space<hbm>>
    %dma_wait3A_597 = arith.constant 0 : i32
    %dma_wait3A_598 = tpu.memref_slice %dma_wait3A_596[%add3A_504, %dma_wait3A_597] : memref<16384x1024xf32, #tpu.memory_space<hbm>> -> memref<32x1024xf32, #tpu.memory_space<hbm>>
    %dma_wait3A_599 = arith.constant 0 : i32
    %dma_wait3A_600 = arith.constant 0 : i32
    %dma_wait3A_601 = tpu.memref_slice %arg5[%dma_wait3A_591, %dma_wait3A_599, %dma_wait3A_600] : memref<2x32x1024xf32, #tpu.memory_space<vmem>> -> memref<1x32x1024xf32, #tpu.memory_space<vmem>>
    %dma_wait3A_602 = tpu.memref_squeeze %dma_wait3A_601 : memref<1x32x1024xf32, #tpu.memory_space<vmem>> -> memref<32x1024xf32, #tpu.memory_space<vmem>>
    %dma_wait3A_603 = tpu.memref_reshape %arg2 : memref<4x4096x1024xf32, #tpu.memory_space<hbm>> -> memref<16384x1024xf32, #tpu.memory_space<hbm>>
    %dma_wait3A_604 = arith.constant 0 : i32
    %dma_wait3A_605 = tpu.memref_slice %dma_wait3A_603[%add3A_504, %dma_wait3A_604] : memref<16384x1024xf32, #tpu.memory_space<hbm>> -> memref<32x1024xf32, #tpu.memory_space<hbm>>
    tpu.wait_dma2 semaphore(%arg8 : memref<!tpu.dma_semaphore, #tpu.memory_space<semaphore_mem>>) src(%dma_wait3A_605 : memref<32x1024xf32, #tpu.memory_space<hbm>>) dst(%dma_wait3A_602 : memref<32x1024xf32, #tpu.memory_space<vmem>>)
    %parallel_loop3A_606 = arith.constant 0 : i32
    %parallel_loop3A_607 = arith.constant 2048 : i32
    %parallel_loop3A_608 = arith.constant 1 : i32
    scf.for %parallel_loop3A_1248 = %parallel_loop3A_606 to %parallel_loop3A_607 step %parallel_loop3A_608  : i32 {
      %parallel_loop3A_1249 = arith.constant 64 : i32
      %parallel_loop3A_1250 = arith.divsi %parallel_loop3A_1248, %parallel_loop3A_1249 : i32
      %parallel_loop3A_1251 = arith.constant 0 : i32
      %parallel_loop3A_1252 = arith.cmpi sgt, %parallel_loop3A_1248, %parallel_loop3A_1251 : i32
      %parallel_loop3A_1253 = arith.extui %parallel_loop3A_1252 : i1 to i32
      %parallel_loop3A_1254 = arith.constant 0 : i32
      %parallel_loop3A_1255 = arith.cmpi slt, %parallel_loop3A_1248, %parallel_loop3A_1254 : i32
      %parallel_loop3A_1256 = arith.extui %parallel_loop3A_1255 : i1 to i32
      %parallel_loop3A_1257 = arith.subi %parallel_loop3A_1253, %parallel_loop3A_1256 : i32
      %parallel_loop3A_1258 = arith.constant 0 : i32
      %parallel_loop3A_1259 = arith.cmpi sgt, %parallel_loop3A_1249, %parallel_loop3A_1258 : i32
      %parallel_loop3A_1260 = arith.extui %parallel_loop3A_1259 : i1 to i32
      %parallel_loop3A_1261 = arith.constant 0 : i32
      %parallel_loop3A_1262 = arith.cmpi slt, %parallel_loop3A_1249, %parallel_loop3A_1261 : i32
      %parallel_loop3A_1263 = arith.extui %parallel_loop3A_1262 : i1 to i32
      %parallel_loop3A_1264 = arith.subi %parallel_loop3A_1260, %parallel_loop3A_1263 : i32
      %parallel_loop3A_1265 = arith.cmpi ne, %parallel_loop3A_1257, %parallel_loop3A_1264 : i32
      %parallel_loop3A_1266 = arith.remsi %parallel_loop3A_1248, %parallel_loop3A_1249 : i32
      %parallel_loop3A_1267 = arith.constant 0 : i32
      %parallel_loop3A_1268 = arith.cmpi ne, %parallel_loop3A_1266, %parallel_loop3A_1267 : i32
      %parallel_loop3A_1269 = arith.andi %parallel_loop3A_1265, %parallel_loop3A_1268 : i1
      %parallel_loop3A_1270 = arith.constant 1 : i32
      %parallel_loop3A_1271 = arith.subi %parallel_loop3A_1250, %parallel_loop3A_1270 : i32
      %parallel_loop3A_1272 = arith.select %parallel_loop3A_1269, %parallel_loop3A_1271, %parallel_loop3A_1250 : i32
      %parallel_loop3A_1273 = arith.constant 64 : i32
      %parallel_loop3A_1274 = arith.remsi %parallel_loop3A_1248, %parallel_loop3A_1273 : i32
      %parallel_loop3A_1275 = arith.constant 16 : i32
      %parallel_loop3A_1276 = arith.muli %parallel_loop3A_1274, %parallel_loop3A_1275 : i32
      %parallel_loop3A_1277 = arith.constant 0 : i32
      %parallel_loop3A_1278 = arith.index_cast %parallel_loop3A_1277 : i32 to index
      %parallel_loop3A_1279 = arith.index_cast %parallel_loop3A_1272 : i32 to index
      %parallel_loop3A_1280 = arith.index_cast %parallel_loop3A_1276 : i32 to index
      %parallel_loop3A_1281 = tpu.vector_load %arg6[%parallel_loop3A_1278, %parallel_loop3A_1279, %parallel_loop3A_1280] {strides = array<i32>} : memref<1x32x1024xf32, #tpu.memory_space<vmem>>, vector<1x1x16xf32>,
      %parallel_loop3A_1282 = vector.shape_cast %parallel_loop3A_1281 : vector<1x1x16xf32> to vector<16xf32>
      %parallel_loop3A_1283 = arith.constant 1 : i32
      %parallel_loop3A_1284 = arith.index_cast %parallel_loop3A_1283 : i32 to index
      %parallel_loop3A_1285 = arith.index_cast %parallel_loop3A_1272 : i32 to index
      %parallel_loop3A_1286 = arith.index_cast %parallel_loop3A_1276 : i32 to index
      %parallel_loop3A_1287 = tpu.vector_load %arg5[%parallel_loop3A_1284, %parallel_loop3A_1285, %parallel_loop3A_1286] {strides = array<i32>} : memref<2x32x1024xf32, #tpu.memory_space<vmem>>, vector<1x1x16xf32>,
      %parallel_loop3A_1288 = vector.shape_cast %parallel_loop3A_1287 : vector<1x1x16xf32> to vector<16xf32>
      %parallel_loop3A_1289 = vector.shape_cast %parallel_loop3A_1282 : vector<16xf32> to vector<1x1x16xf32>
      tpu.vector_store %arg5[%parallel_loop3A_1284, %parallel_loop3A_1285, %parallel_loop3A_1286], %parallel_loop3A_1289 {add = true, strides = array<i32>} : memref<2x32x1024xf32, #tpu.memory_space<vmem>>, vector<1x1x16xf32>,
    } {sc.loop_unroll_factor = 8 : i64, sc.parallel_access}
    %add3A_609 = arith.constant 64 : i32
    %add3A_610 = arith.addi %mul3A_2, %add3A_609 : i32
    %dma_start3A_611 = arith.constant 0 : i32
    %dma_start3A_612 = arith.constant 0 : i32
    %dma_start3A_613 = arith.constant 0 : i32
    %dma_start3A_614 = tpu.memref_slice %arg6[%dma_start3A_611, %dma_start3A_612, %dma_start3A_613] : memref<1x32x1024xf32, #tpu.memory_space<vmem>> -> memref<1x32x1024xf32, #tpu.memory_space<vmem>>
    %dma_start3A_615 = tpu.memref_squeeze %dma_start3A_614 : memref<1x32x1024xf32, #tpu.memory_space<vmem>> -> memref<32x1024xf32, #tpu.memory_space<vmem>>
    %dma_start3A_616 = arith.constant 0 : i32
    %dma_start3A_617 = tpu.memref_slice %arg3[%add3A_610, %dma_start3A_616] : memref<8192x1024xf32, #tpu.memory_space<hbm>> -> memref<32x1024xf32, #tpu.memory_space<hbm>>
    %dma_start3A_618 = arith.constant 0 : i32
    %dma_start3A_619 = arith.constant 0 : i32
    %dma_start3A_620 = tpu.memref_slice %arg6[%dma_start3A_611, %dma_start3A_618, %dma_start3A_619] : memref<1x32x1024xf32, #tpu.memory_space<vmem>> -> memref<1x32x1024xf32, #tpu.memory_space<vmem>>
    %dma_start3A_621 = tpu.memref_squeeze %dma_start3A_620 : memref<1x32x1024xf32, #tpu.memory_space<vmem>> -> memref<32x1024xf32, #tpu.memory_space<vmem>>
    %dma_start3A_622 = arith.constant 0 : i32
    %dma_start3A_623 = tpu.memref_slice %arg3[%add3A_610, %dma_start3A_622] : memref<8192x1024xf32, #tpu.memory_space<hbm>> -> memref<32x1024xf32, #tpu.memory_space<hbm>>
    tpu.enqueue_dma source(%dma_start3A_623 : memref<32x1024xf32, #tpu.memory_space<hbm>>) target(%dma_start3A_621 : memref<32x1024xf32, #tpu.memory_space<vmem>>) target_semaphore(%arg15 : memref<!tpu.dma_semaphore, #tpu.memory_space<semaphore_mem>>)
    %add3A_624 = arith.constant 12288 : i32
    %add3A_625 = arith.addi %add3A_624, %mul3A_2 : i32
    %add3A_626 = arith.constant 32 : i32
    %add3A_627 = arith.addi %add3A_625, %add3A_626 : i32
    %dma_start3A_628 = arith.constant 1 : i32
    %dma_start3A_629 = arith.constant 0 : i32
    %dma_start3A_630 = arith.constant 0 : i32
    %dma_start3A_631 = tpu.memref_slice %arg5[%dma_start3A_628, %dma_start3A_629, %dma_start3A_630] : memref<2x32x1024xf32, #tpu.memory_space<vmem>> -> memref<1x32x1024xf32, #tpu.memory_space<vmem>>
    %dma_start3A_632 = tpu.memref_squeeze %dma_start3A_631 : memref<1x32x1024xf32, #tpu.memory_space<vmem>> -> memref<32x1024xf32, #tpu.memory_space<vmem>>
    %dma_start3A_633 = tpu.memref_reshape %arg4 : memref<4x4096x1024xf32, #tpu.memory_space<hbm>> -> memref<16384x1024xf32, #tpu.memory_space<hbm>>
    %dma_start3A_634 = arith.constant 0 : i32
    %dma_start3A_635 = tpu.memref_slice %dma_start3A_633[%add3A_627, %dma_start3A_634] : memref<16384x1024xf32, #tpu.memory_space<hbm>> -> memref<32x1024xf32, #tpu.memory_space<hbm>>
    %dma_start3A_636 = tpu.memref_reshape %arg4 : memref<4x4096x1024xf32, #tpu.memory_space<hbm>> -> memref<16384x1024xf32, #tpu.memory_space<hbm>>
    %dma_start3A_637 = arith.constant 0 : i32
    %dma_start3A_638 = tpu.memref_slice %dma_start3A_636[%add3A_627, %dma_start3A_637] : memref<16384x1024xf32, #tpu.memory_space<hbm>> -> memref<32x1024xf32, #tpu.memory_space<hbm>>
    %dma_start3A_639 = arith.constant 0 : i32
    %dma_start3A_640 = arith.constant 0 : i32
    %dma_start3A_641 = tpu.memref_slice %arg5[%dma_start3A_628, %dma_start3A_639, %dma_start3A_640] : memref<2x32x1024xf32, #tpu.memory_space<vmem>> -> memref<1x32x1024xf32, #tpu.memory_space<vmem>>
    %dma_start3A_642 = tpu.memref_squeeze %dma_start3A_641 : memref<1x32x1024xf32, #tpu.memory_space<vmem>> -> memref<32x1024xf32, #tpu.memory_space<vmem>>
    tpu.enqueue_dma source(%dma_start3A_642 : memref<32x1024xf32, #tpu.memory_space<vmem>>) target(%dma_start3A_638 : memref<32x1024xf32, #tpu.memory_space<hbm>>) target_semaphore(%arg12 : memref<!tpu.dma_semaphore, #tpu.memory_space<semaphore_mem>>)
    %dma_wait3A_643 = arith.constant 0 : i32
    %dma_wait3A_644 = arith.constant 0 : i32
    %dma_wait3A_645 = arith.constant 0 : i32
    %dma_wait3A_646 = tpu.memref_slice %arg6[%dma_wait3A_643, %dma_wait3A_644, %dma_wait3A_645] : memref<1x32x1024xf32, #tpu.memory_space<vmem>> -> memref<1x32x1024xf32, #tpu.memory_space<vmem>>
    %dma_wait3A_647 = tpu.memref_squeeze %dma_wait3A_646 : memref<1x32x1024xf32, #tpu.memory_space<vmem>> -> memref<32x1024xf32, #tpu.memory_space<vmem>>
    %dma_wait3A_648 = arith.constant 0 : i32
    %dma_wait3A_649 = tpu.memref_slice %arg3[%add3A_610, %dma_wait3A_648] : memref<8192x1024xf32, #tpu.memory_space<hbm>> -> memref<32x1024xf32, #tpu.memory_space<hbm>>
    %dma_wait3A_650 = arith.constant 0 : i32
    %dma_wait3A_651 = arith.constant 0 : i32
    %dma_wait3A_652 = tpu.memref_slice %arg6[%dma_wait3A_643, %dma_wait3A_650, %dma_wait3A_651] : memref<1x32x1024xf32, #tpu.memory_space<vmem>> -> memref<1x32x1024xf32, #tpu.memory_space<vmem>>
    %dma_wait3A_653 = tpu.memref_squeeze %dma_wait3A_652 : memref<1x32x1024xf32, #tpu.memory_space<vmem>> -> memref<32x1024xf32, #tpu.memory_space<vmem>>
    %dma_wait3A_654 = arith.constant 0 : i32
    %dma_wait3A_655 = tpu.memref_slice %arg3[%add3A_610, %dma_wait3A_654] : memref<8192x1024xf32, #tpu.memory_space<hbm>> -> memref<32x1024xf32, #tpu.memory_space<hbm>>
    tpu.wait_dma2 semaphore(%arg15 : memref<!tpu.dma_semaphore, #tpu.memory_space<semaphore_mem>>) src(%dma_wait3A_655 : memref<32x1024xf32, #tpu.memory_space<hbm>>) dst(%dma_wait3A_653 : memref<32x1024xf32, #tpu.memory_space<vmem>>)
    %dma_wait3A_656 = arith.constant 1 : i32
    %dma_wait3A_657 = arith.constant 0 : i32
    %dma_wait3A_658 = arith.constant 0 : i32
    %dma_wait3A_659 = tpu.memref_slice %arg5[%dma_wait3A_656, %dma_wait3A_657, %dma_wait3A_658] : memref<2x32x1024xf32, #tpu.memory_space<vmem>> -> memref<1x32x1024xf32, #tpu.memory_space<vmem>>
    %dma_wait3A_660 = tpu.memref_squeeze %dma_wait3A_659 : memref<1x32x1024xf32, #tpu.memory_space<vmem>> -> memref<32x1024xf32, #tpu.memory_space<vmem>>
    %dma_wait3A_661 = tpu.memref_reshape %arg4 : memref<4x4096x1024xf32, #tpu.memory_space<hbm>> -> memref<16384x1024xf32, #tpu.memory_space<hbm>>
    %dma_wait3A_662 = arith.constant 0 : i32
    %dma_wait3A_663 = tpu.memref_slice %dma_wait3A_661[%add3A_627, %dma_wait3A_662] : memref<16384x1024xf32, #tpu.memory_space<hbm>> -> memref<32x1024xf32, #tpu.memory_space<hbm>>
    %dma_wait3A_664 = tpu.memref_reshape %arg4 : memref<4x4096x1024xf32, #tpu.memory_space<hbm>> -> memref<16384x1024xf32, #tpu.memory_space<hbm>>
    %dma_wait3A_665 = arith.constant 0 : i32
    %dma_wait3A_666 = tpu.memref_slice %dma_wait3A_664[%add3A_627, %dma_wait3A_665] : memref<16384x1024xf32, #tpu.memory_space<hbm>> -> memref<32x1024xf32, #tpu.memory_space<hbm>>
    %dma_wait3A_667 = arith.constant 0 : i32
    %dma_wait3A_668 = arith.constant 0 : i32
    %dma_wait3A_669 = tpu.memref_slice %arg5[%dma_wait3A_656, %dma_wait3A_667, %dma_wait3A_668] : memref<2x32x1024xf32, #tpu.memory_space<vmem>> -> memref<1x32x1024xf32, #tpu.memory_space<vmem>>
    %dma_wait3A_670 = tpu.memref_squeeze %dma_wait3A_669 : memref<1x32x1024xf32, #tpu.memory_space<vmem>> -> memref<32x1024xf32, #tpu.memory_space<vmem>>
    tpu.wait_dma2 semaphore(%arg12 : memref<!tpu.dma_semaphore, #tpu.memory_space<semaphore_mem>>) src(%dma_wait3A_670 : memref<32x1024xf32, #tpu.memory_space<vmem>>) dst(%dma_wait3A_666 : memref<32x1024xf32, #tpu.memory_space<hbm>>)
    %add3A_671 = arith.constant 4096 : i32
    %add3A_672 = arith.addi %add3A_671, %mul3A_2 : i32
    %add3A_673 = arith.constant 64 : i32
    %add3A_674 = arith.addi %add3A_672, %add3A_673 : i32
    %dma_start3A_675 = arith.constant 1 : i32
    %dma_start3A_676 = arith.constant 0 : i32
    %dma_start3A_677 = arith.constant 0 : i32
    %dma_start3A_678 = tpu.memref_slice %arg5[%dma_start3A_675, %dma_start3A_676, %dma_start3A_677] : memref<2x32x1024xf32, #tpu.memory_space<vmem>> -> memref<1x32x1024xf32, #tpu.memory_space<vmem>>
    %dma_start3A_679 = tpu.memref_squeeze %dma_start3A_678 : memref<1x32x1024xf32, #tpu.memory_space<vmem>> -> memref<32x1024xf32, #tpu.memory_space<vmem>>
    %dma_start3A_680 = tpu.memref_reshape %arg2 : memref<4x4096x1024xf32, #tpu.memory_space<hbm>> -> memref<16384x1024xf32, #tpu.memory_space<hbm>>
    %dma_start3A_681 = arith.constant 0 : i32
    %dma_start3A_682 = tpu.memref_slice %dma_start3A_680[%add3A_674, %dma_start3A_681] : memref<16384x1024xf32, #tpu.memory_space<hbm>> -> memref<32x1024xf32, #tpu.memory_space<hbm>>
    %dma_start3A_683 = arith.constant 0 : i32
    %dma_start3A_684 = arith.constant 0 : i32
    %dma_start3A_685 = tpu.memref_slice %arg5[%dma_start3A_675, %dma_start3A_683, %dma_start3A_684] : memref<2x32x1024xf32, #tpu.memory_space<vmem>> -> memref<1x32x1024xf32, #tpu.memory_space<vmem>>
    %dma_start3A_686 = tpu.memref_squeeze %dma_start3A_685 : memref<1x32x1024xf32, #tpu.memory_space<vmem>> -> memref<32x1024xf32, #tpu.memory_space<vmem>>
    %dma_start3A_687 = tpu.memref_reshape %arg2 : memref<4x4096x1024xf32, #tpu.memory_space<hbm>> -> memref<16384x1024xf32, #tpu.memory_space<hbm>>
    %dma_start3A_688 = arith.constant 0 : i32
    %dma_start3A_689 = tpu.memref_slice %dma_start3A_687[%add3A_674, %dma_start3A_688] : memref<16384x1024xf32, #tpu.memory_space<hbm>> -> memref<32x1024xf32, #tpu.memory_space<hbm>>
    tpu.enqueue_dma source(%dma_start3A_689 : memref<32x1024xf32, #tpu.memory_space<hbm>>) target(%dma_start3A_686 : memref<32x1024xf32, #tpu.memory_space<vmem>>) target_semaphore(%arg8 : memref<!tpu.dma_semaphore, #tpu.memory_space<semaphore_mem>>)
    %dma_wait3A_690 = arith.constant 0 : i32
    %dma_wait3A_691 = arith.constant 0 : i32
    %dma_wait3A_692 = arith.constant 0 : i32
    %dma_wait3A_693 = tpu.memref_slice %arg5[%dma_wait3A_690, %dma_wait3A_691, %dma_wait3A_692] : memref<2x32x1024xf32, #tpu.memory_space<vmem>> -> memref<1x32x1024xf32, #tpu.memory_space<vmem>>
    %dma_wait3A_694 = tpu.memref_squeeze %dma_wait3A_693 : memref<1x32x1024xf32, #tpu.memory_space<vmem>> -> memref<32x1024xf32, #tpu.memory_space<vmem>>
    %dma_wait3A_695 = tpu.memref_reshape %arg2 : memref<4x4096x1024xf32, #tpu.memory_space<hbm>> -> memref<16384x1024xf32, #tpu.memory_space<hbm>>
    %dma_wait3A_696 = arith.constant 0 : i32
    %dma_wait3A_697 = tpu.memref_slice %dma_wait3A_695[%add3A_575, %dma_wait3A_696] : memref<16384x1024xf32, #tpu.memory_space<hbm>> -> memref<32x1024xf32, #tpu.memory_space<hbm>>
    %dma_wait3A_698 = arith.constant 0 : i32
    %dma_wait3A_699 = arith.constant 0 : i32
    %dma_wait3A_700 = tpu.memref_slice %arg5[%dma_wait3A_690, %dma_wait3A_698, %dma_wait3A_699] : memref<2x32x1024xf32, #tpu.memory_space<vmem>> -> memref<1x32x1024xf32, #tpu.memory_space<vmem>>
    %dma_wait3A_701 = tpu.memref_squeeze %dma_wait3A_700 : memref<1x32x1024xf32, #tpu.memory_space<vmem>> -> memref<32x1024xf32, #tpu.memory_space<vmem>>
    %dma_wait3A_702 = tpu.memref_reshape %arg2 : memref<4x4096x1024xf32, #tpu.memory_space<hbm>> -> memref<16384x1024xf32, #tpu.memory_space<hbm>>
    %dma_wait3A_703 = arith.constant 0 : i32
    %dma_wait3A_704 = tpu.memref_slice %dma_wait3A_702[%add3A_575, %dma_wait3A_703] : memref<16384x1024xf32, #tpu.memory_space<hbm>> -> memref<32x1024xf32, #tpu.memory_space<hbm>>
    tpu.wait_dma2 semaphore(%arg7 : memref<!tpu.dma_semaphore, #tpu.memory_space<semaphore_mem>>) src(%dma_wait3A_704 : memref<32x1024xf32, #tpu.memory_space<hbm>>) dst(%dma_wait3A_701 : memref<32x1024xf32, #tpu.memory_space<vmem>>)
    %parallel_loop3A_705 = arith.constant 0 : i32
    %parallel_loop3A_706 = arith.constant 2048 : i32
    %parallel_loop3A_707 = arith.constant 1 : i32
    scf.for %parallel_loop3A_1248 = %parallel_loop3A_705 to %parallel_loop3A_706 step %parallel_loop3A_707  : i32 {
      %parallel_loop3A_1249 = arith.constant 64 : i32
      %parallel_loop3A_1250 = arith.divsi %parallel_loop3A_1248, %parallel_loop3A_1249 : i32
      %parallel_loop3A_1251 = arith.constant 0 : i32
      %parallel_loop3A_1252 = arith.cmpi sgt, %parallel_loop3A_1248, %parallel_loop3A_1251 : i32
      %parallel_loop3A_1253 = arith.extui %parallel_loop3A_1252 : i1 to i32
      %parallel_loop3A_1254 = arith.constant 0 : i32
      %parallel_loop3A_1255 = arith.cmpi slt, %parallel_loop3A_1248, %parallel_loop3A_1254 : i32
      %parallel_loop3A_1256 = arith.extui %parallel_loop3A_1255 : i1 to i32
      %parallel_loop3A_1257 = arith.subi %parallel_loop3A_1253, %parallel_loop3A_1256 : i32
      %parallel_loop3A_1258 = arith.constant 0 : i32
      %parallel_loop3A_1259 = arith.cmpi sgt, %parallel_loop3A_1249, %parallel_loop3A_1258 : i32
      %parallel_loop3A_1260 = arith.extui %parallel_loop3A_1259 : i1 to i32
      %parallel_loop3A_1261 = arith.constant 0 : i32
      %parallel_loop3A_1262 = arith.cmpi slt, %parallel_loop3A_1249, %parallel_loop3A_1261 : i32
      %parallel_loop3A_1263 = arith.extui %parallel_loop3A_1262 : i1 to i32
      %parallel_loop3A_1264 = arith.subi %parallel_loop3A_1260, %parallel_loop3A_1263 : i32
      %parallel_loop3A_1265 = arith.cmpi ne, %parallel_loop3A_1257, %parallel_loop3A_1264 : i32
      %parallel_loop3A_1266 = arith.remsi %parallel_loop3A_1248, %parallel_loop3A_1249 : i32
      %parallel_loop3A_1267 = arith.constant 0 : i32
      %parallel_loop3A_1268 = arith.cmpi ne, %parallel_loop3A_1266, %parallel_loop3A_1267 : i32
      %parallel_loop3A_1269 = arith.andi %parallel_loop3A_1265, %parallel_loop3A_1268 : i1
      %parallel_loop3A_1270 = arith.constant 1 : i32
      %parallel_loop3A_1271 = arith.subi %parallel_loop3A_1250, %parallel_loop3A_1270 : i32
      %parallel_loop3A_1272 = arith.select %parallel_loop3A_1269, %parallel_loop3A_1271, %parallel_loop3A_1250 : i32
      %parallel_loop3A_1273 = arith.constant 64 : i32
      %parallel_loop3A_1274 = arith.remsi %parallel_loop3A_1248, %parallel_loop3A_1273 : i32
      %parallel_loop3A_1275 = arith.constant 16 : i32
      %parallel_loop3A_1276 = arith.muli %parallel_loop3A_1274, %parallel_loop3A_1275 : i32
      %parallel_loop3A_1277 = arith.constant 0 : i32
      %parallel_loop3A_1278 = arith.index_cast %parallel_loop3A_1277 : i32 to index
      %parallel_loop3A_1279 = arith.index_cast %parallel_loop3A_1272 : i32 to index
      %parallel_loop3A_1280 = arith.index_cast %parallel_loop3A_1276 : i32 to index
      %parallel_loop3A_1281 = tpu.vector_load %arg6[%parallel_loop3A_1278, %parallel_loop3A_1279, %parallel_loop3A_1280] {strides = array<i32>} : memref<1x32x1024xf32, #tpu.memory_space<vmem>>, vector<1x1x16xf32>,
      %parallel_loop3A_1282 = vector.shape_cast %parallel_loop3A_1281 : vector<1x1x16xf32> to vector<16xf32>
      %parallel_loop3A_1283 = arith.constant 0 : i32
      %parallel_loop3A_1284 = arith.index_cast %parallel_loop3A_1283 : i32 to index
      %parallel_loop3A_1285 = arith.index_cast %parallel_loop3A_1272 : i32 to index
      %parallel_loop3A_1286 = arith.index_cast %parallel_loop3A_1276 : i32 to index
      %parallel_loop3A_1287 = tpu.vector_load %arg5[%parallel_loop3A_1284, %parallel_loop3A_1285, %parallel_loop3A_1286] {strides = array<i32>} : memref<2x32x1024xf32, #tpu.memory_space<vmem>>, vector<1x1x16xf32>,
      %parallel_loop3A_1288 = vector.shape_cast %parallel_loop3A_1287 : vector<1x1x16xf32> to vector<16xf32>
      %parallel_loop3A_1289 = vector.shape_cast %parallel_loop3A_1282 : vector<16xf32> to vector<1x1x16xf32>
      tpu.vector_store %arg5[%parallel_loop3A_1284, %parallel_loop3A_1285, %parallel_loop3A_1286], %parallel_loop3A_1289 {add = true, strides = array<i32>} : memref<2x32x1024xf32, #tpu.memory_space<vmem>>, vector<1x1x16xf32>,
    } {sc.loop_unroll_factor = 8 : i64, sc.parallel_access}
    %add3A_708 = arith.constant 0 : i32
    %add3A_709 = arith.addi %add3A_708, %mul3A_2 : i32
    %add3A_710 = arith.constant 64 : i32
    %add3A_711 = arith.addi %add3A_709, %add3A_710 : i32
    %dma_start3A_712 = arith.constant 0 : i32
    %dma_start3A_713 = arith.constant 0 : i32
    %dma_start3A_714 = arith.constant 0 : i32
    %dma_start3A_715 = tpu.memref_slice %arg5[%dma_start3A_712, %dma_start3A_713, %dma_start3A_714] : memref<2x32x1024xf32, #tpu.memory_space<vmem>> -> memref<1x32x1024xf32, #tpu.memory_space<vmem>>
    %dma_start3A_716 = tpu.memref_squeeze %dma_start3A_715 : memref<1x32x1024xf32, #tpu.memory_space<vmem>> -> memref<32x1024xf32, #tpu.memory_space<vmem>>
    %dma_start3A_717 = tpu.memref_reshape %arg4 : memref<4x4096x1024xf32, #tpu.memory_space<hbm>> -> memref<16384x1024xf32, #tpu.memory_space<hbm>>
    %dma_start3A_718 = arith.constant 0 : i32
    %dma_start3A_719 = tpu.memref_slice %dma_start3A_717[%add3A_711, %dma_start3A_718] : memref<16384x1024xf32, #tpu.memory_space<hbm>> -> memref<32x1024xf32, #tpu.memory_space<hbm>>
    %dma_start3A_720 = tpu.memref_reshape %arg4 : memref<4x4096x1024xf32, #tpu.memory_space<hbm>> -> memref<16384x1024xf32, #tpu.memory_space<hbm>>
    %dma_start3A_721 = arith.constant 0 : i32
    %dma_start3A_722 = tpu.memref_slice %dma_start3A_720[%add3A_711, %dma_start3A_721] : memref<16384x1024xf32, #tpu.memory_space<hbm>> -> memref<32x1024xf32, #tpu.memory_space<hbm>>
    %dma_start3A_723 = arith.constant 0 : i32
    %dma_start3A_724 = arith.constant 0 : i32
    %dma_start3A_725 = tpu.memref_slice %arg5[%dma_start3A_712, %dma_start3A_723, %dma_start3A_724] : memref<2x32x1024xf32, #tpu.memory_space<vmem>> -> memref<1x32x1024xf32, #tpu.memory_space<vmem>>
    %dma_start3A_726 = tpu.memref_squeeze %dma_start3A_725 : memref<1x32x1024xf32, #tpu.memory_space<vmem>> -> memref<32x1024xf32, #tpu.memory_space<vmem>>
    tpu.enqueue_dma source(%dma_start3A_726 : memref<32x1024xf32, #tpu.memory_space<vmem>>) target(%dma_start3A_722 : memref<32x1024xf32, #tpu.memory_space<hbm>>) target_semaphore(%arg11 : memref<!tpu.dma_semaphore, #tpu.memory_space<semaphore_mem>>)
    %dma_wait3A_727 = arith.constant 0 : i32
    %dma_wait3A_728 = arith.constant 0 : i32
    %dma_wait3A_729 = arith.constant 0 : i32
    %dma_wait3A_730 = tpu.memref_slice %arg5[%dma_wait3A_727, %dma_wait3A_728, %dma_wait3A_729] : memref<2x32x1024xf32, #tpu.memory_space<vmem>> -> memref<1x32x1024xf32, #tpu.memory_space<vmem>>
    %dma_wait3A_731 = tpu.memref_squeeze %dma_wait3A_730 : memref<1x32x1024xf32, #tpu.memory_space<vmem>> -> memref<32x1024xf32, #tpu.memory_space<vmem>>
    %dma_wait3A_732 = tpu.memref_reshape %arg4 : memref<4x4096x1024xf32, #tpu.memory_space<hbm>> -> memref<16384x1024xf32, #tpu.memory_space<hbm>>
    %dma_wait3A_733 = arith.constant 0 : i32
    %dma_wait3A_734 = tpu.memref_slice %dma_wait3A_732[%add3A_711, %dma_wait3A_733] : memref<16384x1024xf32, #tpu.memory_space<hbm>> -> memref<32x1024xf32, #tpu.memory_space<hbm>>
    %dma_wait3A_735 = tpu.memref_reshape %arg4 : memref<4x4096x1024xf32, #tpu.memory_space<hbm>> -> memref<16384x1024xf32, #tpu.memory_space<hbm>>
    %dma_wait3A_736 = arith.constant 0 : i32
    %dma_wait3A_737 = tpu.memref_slice %dma_wait3A_735[%add3A_711, %dma_wait3A_736] : memref<16384x1024xf32, #tpu.memory_space<hbm>> -> memref<32x1024xf32, #tpu.memory_space<hbm>>
    %dma_wait3A_738 = arith.constant 0 : i32
    %dma_wait3A_739 = arith.constant 0 : i32
    %dma_wait3A_740 = tpu.memref_slice %arg5[%dma_wait3A_727, %dma_wait3A_738, %dma_wait3A_739] : memref<2x32x1024xf32, #tpu.memory_space<vmem>> -> memref<1x32x1024xf32, #tpu.memory_space<vmem>>
    %dma_wait3A_741 = tpu.memref_squeeze %dma_wait3A_740 : memref<1x32x1024xf32, #tpu.memory_space<vmem>> -> memref<32x1024xf32, #tpu.memory_space<vmem>>
    tpu.wait_dma2 semaphore(%arg11 : memref<!tpu.dma_semaphore, #tpu.memory_space<semaphore_mem>>) src(%dma_wait3A_741 : memref<32x1024xf32, #tpu.memory_space<vmem>>) dst(%dma_wait3A_737 : memref<32x1024xf32, #tpu.memory_space<hbm>>)
    %add3A_742 = arith.constant 8192 : i32
    %add3A_743 = arith.addi %add3A_742, %mul3A_2 : i32
    %add3A_744 = arith.constant 64 : i32
    %add3A_745 = arith.addi %add3A_743, %add3A_744 : i32
    %dma_start3A_746 = arith.constant 0 : i32
    %dma_start3A_747 = arith.constant 0 : i32
    %dma_start3A_748 = arith.constant 0 : i32
    %dma_start3A_749 = tpu.memref_slice %arg5[%dma_start3A_746, %dma_start3A_747, %dma_start3A_748] : memref<2x32x1024xf32, #tpu.memory_space<vmem>> -> memref<1x32x1024xf32, #tpu.memory_space<vmem>>
    %dma_start3A_750 = tpu.memref_squeeze %dma_start3A_749 : memref<1x32x1024xf32, #tpu.memory_space<vmem>> -> memref<32x1024xf32, #tpu.memory_space<vmem>>
    %dma_start3A_751 = tpu.memref_reshape %arg2 : memref<4x4096x1024xf32, #tpu.memory_space<hbm>> -> memref<16384x1024xf32, #tpu.memory_space<hbm>>
    %dma_start3A_752 = arith.constant 0 : i32
    %dma_start3A_753 = tpu.memref_slice %dma_start3A_751[%add3A_745, %dma_start3A_752] : memref<16384x1024xf32, #tpu.memory_space<hbm>> -> memref<32x1024xf32, #tpu.memory_space<hbm>>
    %dma_start3A_754 = arith.constant 0 : i32
    %dma_start3A_755 = arith.constant 0 : i32
    %dma_start3A_756 = tpu.memref_slice %arg5[%dma_start3A_746, %dma_start3A_754, %dma_start3A_755] : memref<2x32x1024xf32, #tpu.memory_space<vmem>> -> memref<1x32x1024xf32, #tpu.memory_space<vmem>>
    %dma_start3A_757 = tpu.memref_squeeze %dma_start3A_756 : memref<1x32x1024xf32, #tpu.memory_space<vmem>> -> memref<32x1024xf32, #tpu.memory_space<vmem>>
    %dma_start3A_758 = tpu.memref_reshape %arg2 : memref<4x4096x1024xf32, #tpu.memory_space<hbm>> -> memref<16384x1024xf32, #tpu.memory_space<hbm>>
    %dma_start3A_759 = arith.constant 0 : i32
    %dma_start3A_760 = tpu.memref_slice %dma_start3A_758[%add3A_745, %dma_start3A_759] : memref<16384x1024xf32, #tpu.memory_space<hbm>> -> memref<32x1024xf32, #tpu.memory_space<hbm>>
    tpu.enqueue_dma source(%dma_start3A_760 : memref<32x1024xf32, #tpu.memory_space<hbm>>) target(%dma_start3A_757 : memref<32x1024xf32, #tpu.memory_space<vmem>>) target_semaphore(%arg7 : memref<!tpu.dma_semaphore, #tpu.memory_space<semaphore_mem>>)
    %dma_wait3A_761 = arith.constant 1 : i32
    %dma_wait3A_762 = arith.constant 0 : i32
    %dma_wait3A_763 = arith.constant 0 : i32
    %dma_wait3A_764 = tpu.memref_slice %arg5[%dma_wait3A_761, %dma_wait3A_762, %dma_wait3A_763] : memref<2x32x1024xf32, #tpu.memory_space<vmem>> -> memref<1x32x1024xf32, #tpu.memory_space<vmem>>
    %dma_wait3A_765 = tpu.memref_squeeze %dma_wait3A_764 : memref<1x32x1024xf32, #tpu.memory_space<vmem>> -> memref<32x1024xf32, #tpu.memory_space<vmem>>
    %dma_wait3A_766 = tpu.memref_reshape %arg2 : memref<4x4096x1024xf32, #tpu.memory_space<hbm>> -> memref<16384x1024xf32, #tpu.memory_space<hbm>>
    %dma_wait3A_767 = arith.constant 0 : i32
    %dma_wait3A_768 = tpu.memref_slice %dma_wait3A_766[%add3A_674, %dma_wait3A_767] : memref<16384x1024xf32, #tpu.memory_space<hbm>> -> memref<32x1024xf32, #tpu.memory_space<hbm>>
    %dma_wait3A_769 = arith.constant 0 : i32
    %dma_wait3A_770 = arith.constant 0 : i32
    %dma_wait3A_771 = tpu.memref_slice %arg5[%dma_wait3A_761, %dma_wait3A_769, %dma_wait3A_770] : memref<2x32x1024xf32, #tpu.memory_space<vmem>> -> memref<1x32x1024xf32, #tpu.memory_space<vmem>>
    %dma_wait3A_772 = tpu.memref_squeeze %dma_wait3A_771 : memref<1x32x1024xf32, #tpu.memory_space<vmem>> -> memref<32x1024xf32, #tpu.memory_space<vmem>>
    %dma_wait3A_773 = tpu.memref_reshape %arg2 : memref<4x4096x1024xf32, #tpu.memory_space<hbm>> -> memref<16384x1024xf32, #tpu.memory_space<hbm>>
    %dma_wait3A_774 = arith.constant 0 : i32
    %dma_wait3A_775 = tpu.memref_slice %dma_wait3A_773[%add3A_674, %dma_wait3A_774] : memref<16384x1024xf32, #tpu.memory_space<hbm>> -> memref<32x1024xf32, #tpu.memory_space<hbm>>
    tpu.wait_dma2 semaphore(%arg8 : memref<!tpu.dma_semaphore, #tpu.memory_space<semaphore_mem>>) src(%dma_wait3A_775 : memref<32x1024xf32, #tpu.memory_space<hbm>>) dst(%dma_wait3A_772 : memref<32x1024xf32, #tpu.memory_space<vmem>>)
    %parallel_loop3A_776 = arith.constant 0 : i32
    %parallel_loop3A_777 = arith.constant 2048 : i32
    %parallel_loop3A_778 = arith.constant 1 : i32
    scf.for %parallel_loop3A_1248 = %parallel_loop3A_776 to %parallel_loop3A_777 step %parallel_loop3A_778  : i32 {
      %parallel_loop3A_1249 = arith.constant 64 : i32
      %parallel_loop3A_1250 = arith.divsi %parallel_loop3A_1248, %parallel_loop3A_1249 : i32
      %parallel_loop3A_1251 = arith.constant 0 : i32
      %parallel_loop3A_1252 = arith.cmpi sgt, %parallel_loop3A_1248, %parallel_loop3A_1251 : i32
      %parallel_loop3A_1253 = arith.extui %parallel_loop3A_1252 : i1 to i32
      %parallel_loop3A_1254 = arith.constant 0 : i32
      %parallel_loop3A_1255 = arith.cmpi slt, %parallel_loop3A_1248, %parallel_loop3A_1254 : i32
      %parallel_loop3A_1256 = arith.extui %parallel_loop3A_1255 : i1 to i32
      %parallel_loop3A_1257 = arith.subi %parallel_loop3A_1253, %parallel_loop3A_1256 : i32
      %parallel_loop3A_1258 = arith.constant 0 : i32
      %parallel_loop3A_1259 = arith.cmpi sgt, %parallel_loop3A_1249, %parallel_loop3A_1258 : i32
      %parallel_loop3A_1260 = arith.extui %parallel_loop3A_1259 : i1 to i32
      %parallel_loop3A_1261 = arith.constant 0 : i32
      %parallel_loop3A_1262 = arith.cmpi slt, %parallel_loop3A_1249, %parallel_loop3A_1261 : i32
      %parallel_loop3A_1263 = arith.extui %parallel_loop3A_1262 : i1 to i32
      %parallel_loop3A_1264 = arith.subi %parallel_loop3A_1260, %parallel_loop3A_1263 : i32
      %parallel_loop3A_1265 = arith.cmpi ne, %parallel_loop3A_1257, %parallel_loop3A_1264 : i32
      %parallel_loop3A_1266 = arith.remsi %parallel_loop3A_1248, %parallel_loop3A_1249 : i32
      %parallel_loop3A_1267 = arith.constant 0 : i32
      %parallel_loop3A_1268 = arith.cmpi ne, %parallel_loop3A_1266, %parallel_loop3A_1267 : i32
      %parallel_loop3A_1269 = arith.andi %parallel_loop3A_1265, %parallel_loop3A_1268 : i1
      %parallel_loop3A_1270 = arith.constant 1 : i32
      %parallel_loop3A_1271 = arith.subi %parallel_loop3A_1250, %parallel_loop3A_1270 : i32
      %parallel_loop3A_1272 = arith.select %parallel_loop3A_1269, %parallel_loop3A_1271, %parallel_loop3A_1250 : i32
      %parallel_loop3A_1273 = arith.constant 64 : i32
      %parallel_loop3A_1274 = arith.remsi %parallel_loop3A_1248, %parallel_loop3A_1273 : i32
      %parallel_loop3A_1275 = arith.constant 16 : i32
      %parallel_loop3A_1276 = arith.muli %parallel_loop3A_1274, %parallel_loop3A_1275 : i32
      %parallel_loop3A_1277 = arith.constant 0 : i32
      %parallel_loop3A_1278 = arith.index_cast %parallel_loop3A_1277 : i32 to index
      %parallel_loop3A_1279 = arith.index_cast %parallel_loop3A_1272 : i32 to index
      %parallel_loop3A_1280 = arith.index_cast %parallel_loop3A_1276 : i32 to index
      %parallel_loop3A_1281 = tpu.vector_load %arg6[%parallel_loop3A_1278, %parallel_loop3A_1279, %parallel_loop3A_1280] {strides = array<i32>} : memref<1x32x1024xf32, #tpu.memory_space<vmem>>, vector<1x1x16xf32>,
      %parallel_loop3A_1282 = vector.shape_cast %parallel_loop3A_1281 : vector<1x1x16xf32> to vector<16xf32>
      %parallel_loop3A_1283 = arith.constant 1 : i32
      %parallel_loop3A_1284 = arith.index_cast %parallel_loop3A_1283 : i32 to index
      %parallel_loop3A_1285 = arith.index_cast %parallel_loop3A_1272 : i32 to index
      %parallel_loop3A_1286 = arith.index_cast %parallel_loop3A_1276 : i32 to index
      %parallel_loop3A_1287 = tpu.vector_load %arg5[%parallel_loop3A_1284, %parallel_loop3A_1285, %parallel_loop3A_1286] {strides = array<i32>} : memref<2x32x1024xf32, #tpu.memory_space<vmem>>, vector<1x1x16xf32>,
      %parallel_loop3A_1288 = vector.shape_cast %parallel_loop3A_1287 : vector<1x1x16xf32> to vector<16xf32>
      %parallel_loop3A_1289 = vector.shape_cast %parallel_loop3A_1282 : vector<16xf32> to vector<1x1x16xf32>
      tpu.vector_store %arg5[%parallel_loop3A_1284, %parallel_loop3A_1285, %parallel_loop3A_1286], %parallel_loop3A_1289 {add = true, strides = array<i32>} : memref<2x32x1024xf32, #tpu.memory_space<vmem>>, vector<1x1x16xf32>,
    } {sc.loop_unroll_factor = 8 : i64, sc.parallel_access}
    %add3A_779 = arith.constant 4096 : i32
    %add3A_780 = arith.addi %add3A_779, %mul3A_2 : i32
    %add3A_781 = arith.constant 64 : i32
    %add3A_782 = arith.addi %add3A_780, %add3A_781 : i32
    %dma_start3A_783 = arith.constant 1 : i32
    %dma_start3A_784 = arith.constant 0 : i32
    %dma_start3A_785 = arith.constant 0 : i32
    %dma_start3A_786 = tpu.memref_slice %arg5[%dma_start3A_783, %dma_start3A_784, %dma_start3A_785] : memref<2x32x1024xf32, #tpu.memory_space<vmem>> -> memref<1x32x1024xf32, #tpu.memory_space<vmem>>
    %dma_start3A_787 = tpu.memref_squeeze %dma_start3A_786 : memref<1x32x1024xf32, #tpu.memory_space<vmem>> -> memref<32x1024xf32, #tpu.memory_space<vmem>>
    %dma_start3A_788 = tpu.memref_reshape %arg4 : memref<4x4096x1024xf32, #tpu.memory_space<hbm>> -> memref<16384x1024xf32, #tpu.memory_space<hbm>>
    %dma_start3A_789 = arith.constant 0 : i32
    %dma_start3A_790 = tpu.memref_slice %dma_start3A_788[%add3A_782, %dma_start3A_789] : memref<16384x1024xf32, #tpu.memory_space<hbm>> -> memref<32x1024xf32, #tpu.memory_space<hbm>>
    %dma_start3A_791 = tpu.memref_reshape %arg4 : memref<4x4096x1024xf32, #tpu.memory_space<hbm>> -> memref<16384x1024xf32, #tpu.memory_space<hbm>>
    %dma_start3A_792 = arith.constant 0 : i32
    %dma_start3A_793 = tpu.memref_slice %dma_start3A_791[%add3A_782, %dma_start3A_792] : memref<16384x1024xf32, #tpu.memory_space<hbm>> -> memref<32x1024xf32, #tpu.memory_space<hbm>>
    %dma_start3A_794 = arith.constant 0 : i32
    %dma_start3A_795 = arith.constant 0 : i32
    %dma_start3A_796 = tpu.memref_slice %arg5[%dma_start3A_783, %dma_start3A_794, %dma_start3A_795] : memref<2x32x1024xf32, #tpu.memory_space<vmem>> -> memref<1x32x1024xf32, #tpu.memory_space<vmem>>
    %dma_start3A_797 = tpu.memref_squeeze %dma_start3A_796 : memref<1x32x1024xf32, #tpu.memory_space<vmem>> -> memref<32x1024xf32, #tpu.memory_space<vmem>>
    tpu.enqueue_dma source(%dma_start3A_797 : memref<32x1024xf32, #tpu.memory_space<vmem>>) target(%dma_start3A_793 : memref<32x1024xf32, #tpu.memory_space<hbm>>) target_semaphore(%arg12 : memref<!tpu.dma_semaphore, #tpu.memory_space<semaphore_mem>>)
    %dma_wait3A_798 = arith.constant 1 : i32
    %dma_wait3A_799 = arith.constant 0 : i32
    %dma_wait3A_800 = arith.constant 0 : i32
    %dma_wait3A_801 = tpu.memref_slice %arg5[%dma_wait3A_798, %dma_wait3A_799, %dma_wait3A_800] : memref<2x32x1024xf32, #tpu.memory_space<vmem>> -> memref<1x32x1024xf32, #tpu.memory_space<vmem>>
    %dma_wait3A_802 = tpu.memref_squeeze %dma_wait3A_801 : memref<1x32x1024xf32, #tpu.memory_space<vmem>> -> memref<32x1024xf32, #tpu.memory_space<vmem>>
    %dma_wait3A_803 = tpu.memref_reshape %arg4 : memref<4x4096x1024xf32, #tpu.memory_space<hbm>> -> memref<16384x1024xf32, #tpu.memory_space<hbm>>
    %dma_wait3A_804 = arith.constant 0 : i32
    %dma_wait3A_805 = tpu.memref_slice %dma_wait3A_803[%add3A_782, %dma_wait3A_804] : memref<16384x1024xf32, #tpu.memory_space<hbm>> -> memref<32x1024xf32, #tpu.memory_space<hbm>>
    %dma_wait3A_806 = tpu.memref_reshape %arg4 : memref<4x4096x1024xf32, #tpu.memory_space<hbm>> -> memref<16384x1024xf32, #tpu.memory_space<hbm>>
    %dma_wait3A_807 = arith.constant 0 : i32
    %dma_wait3A_808 = tpu.memref_slice %dma_wait3A_806[%add3A_782, %dma_wait3A_807] : memref<16384x1024xf32, #tpu.memory_space<hbm>> -> memref<32x1024xf32, #tpu.memory_space<hbm>>
    %dma_wait3A_809 = arith.constant 0 : i32
    %dma_wait3A_810 = arith.constant 0 : i32
    %dma_wait3A_811 = tpu.memref_slice %arg5[%dma_wait3A_798, %dma_wait3A_809, %dma_wait3A_810] : memref<2x32x1024xf32, #tpu.memory_space<vmem>> -> memref<1x32x1024xf32, #tpu.memory_space<vmem>>
    %dma_wait3A_812 = tpu.memref_squeeze %dma_wait3A_811 : memref<1x32x1024xf32, #tpu.memory_space<vmem>> -> memref<32x1024xf32, #tpu.memory_space<vmem>>
    tpu.wait_dma2 semaphore(%arg12 : memref<!tpu.dma_semaphore, #tpu.memory_space<semaphore_mem>>) src(%dma_wait3A_812 : memref<32x1024xf32, #tpu.memory_space<vmem>>) dst(%dma_wait3A_808 : memref<32x1024xf32, #tpu.memory_space<hbm>>)
    %add3A_813 = arith.constant 12288 : i32
    %add3A_814 = arith.addi %add3A_813, %mul3A_2 : i32
    %add3A_815 = arith.constant 64 : i32
    %add3A_816 = arith.addi %add3A_814, %add3A_815 : i32
    %dma_start3A_817 = arith.constant 1 : i32
    %dma_start3A_818 = arith.constant 0 : i32
    %dma_start3A_819 = arith.constant 0 : i32
    %dma_start3A_820 = tpu.memref_slice %arg5[%dma_start3A_817, %dma_start3A_818, %dma_start3A_819] : memref<2x32x1024xf32, #tpu.memory_space<vmem>> -> memref<1x32x1024xf32, #tpu.memory_space<vmem>>
    %dma_start3A_821 = tpu.memref_squeeze %dma_start3A_820 : memref<1x32x1024xf32, #tpu.memory_space<vmem>> -> memref<32x1024xf32, #tpu.memory_space<vmem>>
    %dma_start3A_822 = tpu.memref_reshape %arg2 : memref<4x4096x1024xf32, #tpu.memory_space<hbm>> -> memref<16384x1024xf32, #tpu.memory_space<hbm>>
    %dma_start3A_823 = arith.constant 0 : i32
    %dma_start3A_824 = tpu.memref_slice %dma_start3A_822[%add3A_816, %dma_start3A_823] : memref<16384x1024xf32, #tpu.memory_space<hbm>> -> memref<32x1024xf32, #tpu.memory_space<hbm>>
    %dma_start3A_825 = arith.constant 0 : i32
    %dma_start3A_826 = arith.constant 0 : i32
    %dma_start3A_827 = tpu.memref_slice %arg5[%dma_start3A_817, %dma_start3A_825, %dma_start3A_826] : memref<2x32x1024xf32, #tpu.memory_space<vmem>> -> memref<1x32x1024xf32, #tpu.memory_space<vmem>>
    %dma_start3A_828 = tpu.memref_squeeze %dma_start3A_827 : memref<1x32x1024xf32, #tpu.memory_space<vmem>> -> memref<32x1024xf32, #tpu.memory_space<vmem>>
    %dma_start3A_829 = tpu.memref_reshape %arg2 : memref<4x4096x1024xf32, #tpu.memory_space<hbm>> -> memref<16384x1024xf32, #tpu.memory_space<hbm>>
    %dma_start3A_830 = arith.constant 0 : i32
    %dma_start3A_831 = tpu.memref_slice %dma_start3A_829[%add3A_816, %dma_start3A_830] : memref<16384x1024xf32, #tpu.memory_space<hbm>> -> memref<32x1024xf32, #tpu.memory_space<hbm>>
    tpu.enqueue_dma source(%dma_start3A_831 : memref<32x1024xf32, #tpu.memory_space<hbm>>) target(%dma_start3A_828 : memref<32x1024xf32, #tpu.memory_space<vmem>>) target_semaphore(%arg8 : memref<!tpu.dma_semaphore, #tpu.memory_space<semaphore_mem>>)
    %dma_wait3A_832 = arith.constant 0 : i32
    %dma_wait3A_833 = arith.constant 0 : i32
    %dma_wait3A_834 = arith.constant 0 : i32
    %dma_wait3A_835 = tpu.memref_slice %arg5[%dma_wait3A_832, %dma_wait3A_833, %dma_wait3A_834] : memref<2x32x1024xf32, #tpu.memory_space<vmem>> -> memref<1x32x1024xf32, #tpu.memory_space<vmem>>
    %dma_wait3A_836 = tpu.memref_squeeze %dma_wait3A_835 : memref<1x32x1024xf32, #tpu.memory_space<vmem>> -> memref<32x1024xf32, #tpu.memory_space<vmem>>
    %dma_wait3A_837 = tpu.memref_reshape %arg2 : memref<4x4096x1024xf32, #tpu.memory_space<hbm>> -> memref<16384x1024xf32, #tpu.memory_space<hbm>>
    %dma_wait3A_838 = arith.constant 0 : i32
    %dma_wait3A_839 = tpu.memref_slice %dma_wait3A_837[%add3A_745, %dma_wait3A_838] : memref<16384x1024xf32, #tpu.memory_space<hbm>> -> memref<32x1024xf32, #tpu.memory_space<hbm>>
    %dma_wait3A_840 = arith.constant 0 : i32
    %dma_wait3A_841 = arith.constant 0 : i32
    %dma_wait3A_842 = tpu.memref_slice %arg5[%dma_wait3A_832, %dma_wait3A_840, %dma_wait3A_841] : memref<2x32x1024xf32, #tpu.memory_space<vmem>> -> memref<1x32x1024xf32, #tpu.memory_space<vmem>>
    %dma_wait3A_843 = tpu.memref_squeeze %dma_wait3A_842 : memref<1x32x1024xf32, #tpu.memory_space<vmem>> -> memref<32x1024xf32, #tpu.memory_space<vmem>>
    %dma_wait3A_844 = tpu.memref_reshape %arg2 : memref<4x4096x1024xf32, #tpu.memory_space<hbm>> -> memref<16384x1024xf32, #tpu.memory_space<hbm>>
    %dma_wait3A_845 = arith.constant 0 : i32
    %dma_wait3A_846 = tpu.memref_slice %dma_wait3A_844[%add3A_745, %dma_wait3A_845] : memref<16384x1024xf32, #tpu.memory_space<hbm>> -> memref<32x1024xf32, #tpu.memory_space<hbm>>
    tpu.wait_dma2 semaphore(%arg7 : memref<!tpu.dma_semaphore, #tpu.memory_space<semaphore_mem>>) src(%dma_wait3A_846 : memref<32x1024xf32, #tpu.memory_space<hbm>>) dst(%dma_wait3A_843 : memref<32x1024xf32, #tpu.memory_space<vmem>>)
    %parallel_loop3A_847 = arith.constant 0 : i32
    %parallel_loop3A_848 = arith.constant 2048 : i32
    %parallel_loop3A_849 = arith.constant 1 : i32
    scf.for %parallel_loop3A_1248 = %parallel_loop3A_847 to %parallel_loop3A_848 step %parallel_loop3A_849  : i32 {
      %parallel_loop3A_1249 = arith.constant 64 : i32
      %parallel_loop3A_1250 = arith.divsi %parallel_loop3A_1248, %parallel_loop3A_1249 : i32
      %parallel_loop3A_1251 = arith.constant 0 : i32
      %parallel_loop3A_1252 = arith.cmpi sgt, %parallel_loop3A_1248, %parallel_loop3A_1251 : i32
      %parallel_loop3A_1253 = arith.extui %parallel_loop3A_1252 : i1 to i32
      %parallel_loop3A_1254 = arith.constant 0 : i32
      %parallel_loop3A_1255 = arith.cmpi slt, %parallel_loop3A_1248, %parallel_loop3A_1254 : i32
      %parallel_loop3A_1256 = arith.extui %parallel_loop3A_1255 : i1 to i32
      %parallel_loop3A_1257 = arith.subi %parallel_loop3A_1253, %parallel_loop3A_1256 : i32
      %parallel_loop3A_1258 = arith.constant 0 : i32
      %parallel_loop3A_1259 = arith.cmpi sgt, %parallel_loop3A_1249, %parallel_loop3A_1258 : i32
      %parallel_loop3A_1260 = arith.extui %parallel_loop3A_1259 : i1 to i32
      %parallel_loop3A_1261 = arith.constant 0 : i32
      %parallel_loop3A_1262 = arith.cmpi slt, %parallel_loop3A_1249, %parallel_loop3A_1261 : i32
      %parallel_loop3A_1263 = arith.extui %parallel_loop3A_1262 : i1 to i32
      %parallel_loop3A_1264 = arith.subi %parallel_loop3A_1260, %parallel_loop3A_1263 : i32
      %parallel_loop3A_1265 = arith.cmpi ne, %parallel_loop3A_1257, %parallel_loop3A_1264 : i32
      %parallel_loop3A_1266 = arith.remsi %parallel_loop3A_1248, %parallel_loop3A_1249 : i32
      %parallel_loop3A_1267 = arith.constant 0 : i32
      %parallel_loop3A_1268 = arith.cmpi ne, %parallel_loop3A_1266, %parallel_loop3A_1267 : i32
      %parallel_loop3A_1269 = arith.andi %parallel_loop3A_1265, %parallel_loop3A_1268 : i1
      %parallel_loop3A_1270 = arith.constant 1 : i32
      %parallel_loop3A_1271 = arith.subi %parallel_loop3A_1250, %parallel_loop3A_1270 : i32
      %parallel_loop3A_1272 = arith.select %parallel_loop3A_1269, %parallel_loop3A_1271, %parallel_loop3A_1250 : i32
      %parallel_loop3A_1273 = arith.constant 64 : i32
      %parallel_loop3A_1274 = arith.remsi %parallel_loop3A_1248, %parallel_loop3A_1273 : i32
      %parallel_loop3A_1275 = arith.constant 16 : i32
      %parallel_loop3A_1276 = arith.muli %parallel_loop3A_1274, %parallel_loop3A_1275 : i32
      %parallel_loop3A_1277 = arith.constant 0 : i32
      %parallel_loop3A_1278 = arith.index_cast %parallel_loop3A_1277 : i32 to index
      %parallel_loop3A_1279 = arith.index_cast %parallel_loop3A_1272 : i32 to index
      %parallel_loop3A_1280 = arith.index_cast %parallel_loop3A_1276 : i32 to index
      %parallel_loop3A_1281 = tpu.vector_load %arg6[%parallel_loop3A_1278, %parallel_loop3A_1279, %parallel_loop3A_1280] {strides = array<i32>} : memref<1x32x1024xf32, #tpu.memory_space<vmem>>, vector<1x1x16xf32>,
      %parallel_loop3A_1282 = vector.shape_cast %parallel_loop3A_1281 : vector<1x1x16xf32> to vector<16xf32>
      %parallel_loop3A_1283 = arith.constant 0 : i32
      %parallel_loop3A_1284 = arith.index_cast %parallel_loop3A_1283 : i32 to index
      %parallel_loop3A_1285 = arith.index_cast %parallel_loop3A_1272 : i32 to index
      %parallel_loop3A_1286 = arith.index_cast %parallel_loop3A_1276 : i32 to index
      %parallel_loop3A_1287 = tpu.vector_load %arg5[%parallel_loop3A_1284, %parallel_loop3A_1285, %parallel_loop3A_1286] {strides = array<i32>} : memref<2x32x1024xf32, #tpu.memory_space<vmem>>, vector<1x1x16xf32>,
      %parallel_loop3A_1288 = vector.shape_cast %parallel_loop3A_1287 : vector<1x1x16xf32> to vector<16xf32>
      %parallel_loop3A_1289 = vector.shape_cast %parallel_loop3A_1282 : vector<16xf32> to vector<1x1x16xf32>
      tpu.vector_store %arg5[%parallel_loop3A_1284, %parallel_loop3A_1285, %parallel_loop3A_1286], %parallel_loop3A_1289 {add = true, strides = array<i32>} : memref<2x32x1024xf32, #tpu.memory_space<vmem>>, vector<1x1x16xf32>,
    } {sc.loop_unroll_factor = 8 : i64, sc.parallel_access}
    %add3A_850 = arith.constant 8192 : i32
    %add3A_851 = arith.addi %add3A_850, %mul3A_2 : i32
    %add3A_852 = arith.constant 64 : i32
    %add3A_853 = arith.addi %add3A_851, %add3A_852 : i32
    %dma_start3A_854 = arith.constant 0 : i32
    %dma_start3A_855 = arith.constant 0 : i32
    %dma_start3A_856 = arith.constant 0 : i32
    %dma_start3A_857 = tpu.memref_slice %arg5[%dma_start3A_854, %dma_start3A_855, %dma_start3A_856] : memref<2x32x1024xf32, #tpu.memory_space<vmem>> -> memref<1x32x1024xf32, #tpu.memory_space<vmem>>
    %dma_start3A_858 = tpu.memref_squeeze %dma_start3A_857 : memref<1x32x1024xf32, #tpu.memory_space<vmem>> -> memref<32x1024xf32, #tpu.memory_space<vmem>>
    %dma_start3A_859 = tpu.memref_reshape %arg4 : memref<4x4096x1024xf32, #tpu.memory_space<hbm>> -> memref<16384x1024xf32, #tpu.memory_space<hbm>>
    %dma_start3A_860 = arith.constant 0 : i32
    %dma_start3A_861 = tpu.memref_slice %dma_start3A_859[%add3A_853, %dma_start3A_860] : memref<16384x1024xf32, #tpu.memory_space<hbm>> -> memref<32x1024xf32, #tpu.memory_space<hbm>>
    %dma_start3A_862 = tpu.memref_reshape %arg4 : memref<4x4096x1024xf32, #tpu.memory_space<hbm>> -> memref<16384x1024xf32, #tpu.memory_space<hbm>>
    %dma_start3A_863 = arith.constant 0 : i32
    %dma_start3A_864 = tpu.memref_slice %dma_start3A_862[%add3A_853, %dma_start3A_863] : memref<16384x1024xf32, #tpu.memory_space<hbm>> -> memref<32x1024xf32, #tpu.memory_space<hbm>>
    %dma_start3A_865 = arith.constant 0 : i32
    %dma_start3A_866 = arith.constant 0 : i32
    %dma_start3A_867 = tpu.memref_slice %arg5[%dma_start3A_854, %dma_start3A_865, %dma_start3A_866] : memref<2x32x1024xf32, #tpu.memory_space<vmem>> -> memref<1x32x1024xf32, #tpu.memory_space<vmem>>
    %dma_start3A_868 = tpu.memref_squeeze %dma_start3A_867 : memref<1x32x1024xf32, #tpu.memory_space<vmem>> -> memref<32x1024xf32, #tpu.memory_space<vmem>>
    tpu.enqueue_dma source(%dma_start3A_868 : memref<32x1024xf32, #tpu.memory_space<vmem>>) target(%dma_start3A_864 : memref<32x1024xf32, #tpu.memory_space<hbm>>) target_semaphore(%arg11 : memref<!tpu.dma_semaphore, #tpu.memory_space<semaphore_mem>>)
    %dma_wait3A_869 = arith.constant 0 : i32
    %dma_wait3A_870 = arith.constant 0 : i32
    %dma_wait3A_871 = arith.constant 0 : i32
    %dma_wait3A_872 = tpu.memref_slice %arg5[%dma_wait3A_869, %dma_wait3A_870, %dma_wait3A_871] : memref<2x32x1024xf32, #tpu.memory_space<vmem>> -> memref<1x32x1024xf32, #tpu.memory_space<vmem>>
    %dma_wait3A_873 = tpu.memref_squeeze %dma_wait3A_872 : memref<1x32x1024xf32, #tpu.memory_space<vmem>> -> memref<32x1024xf32, #tpu.memory_space<vmem>>
    %dma_wait3A_874 = tpu.memref_reshape %arg4 : memref<4x4096x1024xf32, #tpu.memory_space<hbm>> -> memref<16384x1024xf32, #tpu.memory_space<hbm>>
    %dma_wait3A_875 = arith.constant 0 : i32
    %dma_wait3A_876 = tpu.memref_slice %dma_wait3A_874[%add3A_853, %dma_wait3A_875] : memref<16384x1024xf32, #tpu.memory_space<hbm>> -> memref<32x1024xf32, #tpu.memory_space<hbm>>
    %dma_wait3A_877 = tpu.memref_reshape %arg4 : memref<4x4096x1024xf32, #tpu.memory_space<hbm>> -> memref<16384x1024xf32, #tpu.memory_space<hbm>>
    %dma_wait3A_878 = arith.constant 0 : i32
    %dma_wait3A_879 = tpu.memref_slice %dma_wait3A_877[%add3A_853, %dma_wait3A_878] : memref<16384x1024xf32, #tpu.memory_space<hbm>> -> memref<32x1024xf32, #tpu.memory_space<hbm>>
    %dma_wait3A_880 = arith.constant 0 : i32
    %dma_wait3A_881 = arith.constant 0 : i32
    %dma_wait3A_882 = tpu.memref_slice %arg5[%dma_wait3A_869, %dma_wait3A_880, %dma_wait3A_881] : memref<2x32x1024xf32, #tpu.memory_space<vmem>> -> memref<1x32x1024xf32, #tpu.memory_space<vmem>>
    %dma_wait3A_883 = tpu.memref_squeeze %dma_wait3A_882 : memref<1x32x1024xf32, #tpu.memory_space<vmem>> -> memref<32x1024xf32, #tpu.memory_space<vmem>>
    tpu.wait_dma2 semaphore(%arg11 : memref<!tpu.dma_semaphore, #tpu.memory_space<semaphore_mem>>) src(%dma_wait3A_883 : memref<32x1024xf32, #tpu.memory_space<vmem>>) dst(%dma_wait3A_879 : memref<32x1024xf32, #tpu.memory_space<hbm>>)
    %add3A_884 = arith.constant 0 : i32
    %add3A_885 = arith.addi %add3A_884, %mul3A_2 : i32
    %add3A_886 = arith.constant 96 : i32
    %add3A_887 = arith.addi %add3A_885, %add3A_886 : i32
    %dma_start3A_888 = arith.constant 0 : i32
    %dma_start3A_889 = arith.constant 0 : i32
    %dma_start3A_890 = arith.constant 0 : i32
    %dma_start3A_891 = tpu.memref_slice %arg5[%dma_start3A_888, %dma_start3A_889, %dma_start3A_890] : memref<2x32x1024xf32, #tpu.memory_space<vmem>> -> memref<1x32x1024xf32, #tpu.memory_space<vmem>>
    %dma_start3A_892 = tpu.memref_squeeze %dma_start3A_891 : memref<1x32x1024xf32, #tpu.memory_space<vmem>> -> memref<32x1024xf32, #tpu.memory_space<vmem>>
    %dma_start3A_893 = tpu.memref_reshape %arg2 : memref<4x4096x1024xf32, #tpu.memory_space<hbm>> -> memref<16384x1024xf32, #tpu.memory_space<hbm>>
    %dma_start3A_894 = arith.constant 0 : i32
    %dma_start3A_895 = tpu.memref_slice %dma_start3A_893[%add3A_887, %dma_start3A_894] : memref<16384x1024xf32, #tpu.memory_space<hbm>> -> memref<32x1024xf32, #tpu.memory_space<hbm>>
    %dma_start3A_896 = arith.constant 0 : i32
    %dma_start3A_897 = arith.constant 0 : i32
    %dma_start3A_898 = tpu.memref_slice %arg5[%dma_start3A_888, %dma_start3A_896, %dma_start3A_897] : memref<2x32x1024xf32, #tpu.memory_space<vmem>> -> memref<1x32x1024xf32, #tpu.memory_space<vmem>>
    %dma_start3A_899 = tpu.memref_squeeze %dma_start3A_898 : memref<1x32x1024xf32, #tpu.memory_space<vmem>> -> memref<32x1024xf32, #tpu.memory_space<vmem>>
    %dma_start3A_900 = tpu.memref_reshape %arg2 : memref<4x4096x1024xf32, #tpu.memory_space<hbm>> -> memref<16384x1024xf32, #tpu.memory_space<hbm>>
    %dma_start3A_901 = arith.constant 0 : i32
    %dma_start3A_902 = tpu.memref_slice %dma_start3A_900[%add3A_887, %dma_start3A_901] : memref<16384x1024xf32, #tpu.memory_space<hbm>> -> memref<32x1024xf32, #tpu.memory_space<hbm>>
    tpu.enqueue_dma source(%dma_start3A_902 : memref<32x1024xf32, #tpu.memory_space<hbm>>) target(%dma_start3A_899 : memref<32x1024xf32, #tpu.memory_space<vmem>>) target_semaphore(%arg7 : memref<!tpu.dma_semaphore, #tpu.memory_space<semaphore_mem>>)
    %dma_wait3A_903 = arith.constant 1 : i32
    %dma_wait3A_904 = arith.constant 0 : i32
    %dma_wait3A_905 = arith.constant 0 : i32
    %dma_wait3A_906 = tpu.memref_slice %arg5[%dma_wait3A_903, %dma_wait3A_904, %dma_wait3A_905] : memref<2x32x1024xf32, #tpu.memory_space<vmem>> -> memref<1x32x1024xf32, #tpu.memory_space<vmem>>
    %dma_wait3A_907 = tpu.memref_squeeze %dma_wait3A_906 : memref<1x32x1024xf32, #tpu.memory_space<vmem>> -> memref<32x1024xf32, #tpu.memory_space<vmem>>
    %dma_wait3A_908 = tpu.memref_reshape %arg2 : memref<4x4096x1024xf32, #tpu.memory_space<hbm>> -> memref<16384x1024xf32, #tpu.memory_space<hbm>>
    %dma_wait3A_909 = arith.constant 0 : i32
    %dma_wait3A_910 = tpu.memref_slice %dma_wait3A_908[%add3A_816, %dma_wait3A_909] : memref<16384x1024xf32, #tpu.memory_space<hbm>> -> memref<32x1024xf32, #tpu.memory_space<hbm>>
    %dma_wait3A_911 = arith.constant 0 : i32
    %dma_wait3A_912 = arith.constant 0 : i32
    %dma_wait3A_913 = tpu.memref_slice %arg5[%dma_wait3A_903, %dma_wait3A_911, %dma_wait3A_912] : memref<2x32x1024xf32, #tpu.memory_space<vmem>> -> memref<1x32x1024xf32, #tpu.memory_space<vmem>>
    %dma_wait3A_914 = tpu.memref_squeeze %dma_wait3A_913 : memref<1x32x1024xf32, #tpu.memory_space<vmem>> -> memref<32x1024xf32, #tpu.memory_space<vmem>>
    %dma_wait3A_915 = tpu.memref_reshape %arg2 : memref<4x4096x1024xf32, #tpu.memory_space<hbm>> -> memref<16384x1024xf32, #tpu.memory_space<hbm>>
    %dma_wait3A_916 = arith.constant 0 : i32
    %dma_wait3A_917 = tpu.memref_slice %dma_wait3A_915[%add3A_816, %dma_wait3A_916] : memref<16384x1024xf32, #tpu.memory_space<hbm>> -> memref<32x1024xf32, #tpu.memory_space<hbm>>
    tpu.wait_dma2 semaphore(%arg8 : memref<!tpu.dma_semaphore, #tpu.memory_space<semaphore_mem>>) src(%dma_wait3A_917 : memref<32x1024xf32, #tpu.memory_space<hbm>>) dst(%dma_wait3A_914 : memref<32x1024xf32, #tpu.memory_space<vmem>>)
    %parallel_loop3A_918 = arith.constant 0 : i32
    %parallel_loop3A_919 = arith.constant 2048 : i32
    %parallel_loop3A_920 = arith.constant 1 : i32
    scf.for %parallel_loop3A_1248 = %parallel_loop3A_918 to %parallel_loop3A_919 step %parallel_loop3A_920  : i32 {
      %parallel_loop3A_1249 = arith.constant 64 : i32
      %parallel_loop3A_1250 = arith.divsi %parallel_loop3A_1248, %parallel_loop3A_1249 : i32
      %parallel_loop3A_1251 = arith.constant 0 : i32
      %parallel_loop3A_1252 = arith.cmpi sgt, %parallel_loop3A_1248, %parallel_loop3A_1251 : i32
      %parallel_loop3A_1253 = arith.extui %parallel_loop3A_1252 : i1 to i32
      %parallel_loop3A_1254 = arith.constant 0 : i32
      %parallel_loop3A_1255 = arith.cmpi slt, %parallel_loop3A_1248, %parallel_loop3A_1254 : i32
      %parallel_loop3A_1256 = arith.extui %parallel_loop3A_1255 : i1 to i32
      %parallel_loop3A_1257 = arith.subi %parallel_loop3A_1253, %parallel_loop3A_1256 : i32
      %parallel_loop3A_1258 = arith.constant 0 : i32
      %parallel_loop3A_1259 = arith.cmpi sgt, %parallel_loop3A_1249, %parallel_loop3A_1258 : i32
      %parallel_loop3A_1260 = arith.extui %parallel_loop3A_1259 : i1 to i32
      %parallel_loop3A_1261 = arith.constant 0 : i32
      %parallel_loop3A_1262 = arith.cmpi slt, %parallel_loop3A_1249, %parallel_loop3A_1261 : i32
      %parallel_loop3A_1263 = arith.extui %parallel_loop3A_1262 : i1 to i32
      %parallel_loop3A_1264 = arith.subi %parallel_loop3A_1260, %parallel_loop3A_1263 : i32
      %parallel_loop3A_1265 = arith.cmpi ne, %parallel_loop3A_1257, %parallel_loop3A_1264 : i32
      %parallel_loop3A_1266 = arith.remsi %parallel_loop3A_1248, %parallel_loop3A_1249 : i32
      %parallel_loop3A_1267 = arith.constant 0 : i32
      %parallel_loop3A_1268 = arith.cmpi ne, %parallel_loop3A_1266, %parallel_loop3A_1267 : i32
      %parallel_loop3A_1269 = arith.andi %parallel_loop3A_1265, %parallel_loop3A_1268 : i1
      %parallel_loop3A_1270 = arith.constant 1 : i32
      %parallel_loop3A_1271 = arith.subi %parallel_loop3A_1250, %parallel_loop3A_1270 : i32
      %parallel_loop3A_1272 = arith.select %parallel_loop3A_1269, %parallel_loop3A_1271, %parallel_loop3A_1250 : i32
      %parallel_loop3A_1273 = arith.constant 64 : i32
      %parallel_loop3A_1274 = arith.remsi %parallel_loop3A_1248, %parallel_loop3A_1273 : i32
      %parallel_loop3A_1275 = arith.constant 16 : i32
      %parallel_loop3A_1276 = arith.muli %parallel_loop3A_1274, %parallel_loop3A_1275 : i32
      %parallel_loop3A_1277 = arith.constant 0 : i32
      %parallel_loop3A_1278 = arith.index_cast %parallel_loop3A_1277 : i32 to index
      %parallel_loop3A_1279 = arith.index_cast %parallel_loop3A_1272 : i32 to index
      %parallel_loop3A_1280 = arith.index_cast %parallel_loop3A_1276 : i32 to index
      %parallel_loop3A_1281 = tpu.vector_load %arg6[%parallel_loop3A_1278, %parallel_loop3A_1279, %parallel_loop3A_1280] {strides = array<i32>} : memref<1x32x1024xf32, #tpu.memory_space<vmem>>, vector<1x1x16xf32>,
      %parallel_loop3A_1282 = vector.shape_cast %parallel_loop3A_1281 : vector<1x1x16xf32> to vector<16xf32>
      %parallel_loop3A_1283 = arith.constant 1 : i32
      %parallel_loop3A_1284 = arith.index_cast %parallel_loop3A_1283 : i32 to index
      %parallel_loop3A_1285 = arith.index_cast %parallel_loop3A_1272 : i32 to index
      %parallel_loop3A_1286 = arith.index_cast %parallel_loop3A_1276 : i32 to index
      %parallel_loop3A_1287 = tpu.vector_load %arg5[%parallel_loop3A_1284, %parallel_loop3A_1285, %parallel_loop3A_1286] {strides = array<i32>} : memref<2x32x1024xf32, #tpu.memory_space<vmem>>, vector<1x1x16xf32>,
      %parallel_loop3A_1288 = vector.shape_cast %parallel_loop3A_1287 : vector<1x1x16xf32> to vector<16xf32>
      %parallel_loop3A_1289 = vector.shape_cast %parallel_loop3A_1282 : vector<16xf32> to vector<1x1x16xf32>
      tpu.vector_store %arg5[%parallel_loop3A_1284, %parallel_loop3A_1285, %parallel_loop3A_1286], %parallel_loop3A_1289 {add = true, strides = array<i32>} : memref<2x32x1024xf32, #tpu.memory_space<vmem>>, vector<1x1x16xf32>,
    } {sc.loop_unroll_factor = 8 : i64, sc.parallel_access}
    %add3A_921 = arith.constant 96 : i32
    %add3A_922 = arith.addi %mul3A_2, %add3A_921 : i32
    %dma_start3A_923 = arith.constant 0 : i32
    %dma_start3A_924 = arith.constant 0 : i32
    %dma_start3A_925 = arith.constant 0 : i32
    %dma_start3A_926 = tpu.memref_slice %arg6[%dma_start3A_923, %dma_start3A_924, %dma_start3A_925] : memref<1x32x1024xf32, #tpu.memory_space<vmem>> -> memref<1x32x1024xf32, #tpu.memory_space<vmem>>
    %dma_start3A_927 = tpu.memref_squeeze %dma_start3A_926 : memref<1x32x1024xf32, #tpu.memory_space<vmem>> -> memref<32x1024xf32, #tpu.memory_space<vmem>>
    %dma_start3A_928 = arith.constant 0 : i32
    %dma_start3A_929 = tpu.memref_slice %arg3[%add3A_922, %dma_start3A_928] : memref<8192x1024xf32, #tpu.memory_space<hbm>> -> memref<32x1024xf32, #tpu.memory_space<hbm>>
    %dma_start3A_930 = arith.constant 0 : i32
    %dma_start3A_931 = arith.constant 0 : i32
    %dma_start3A_932 = tpu.memref_slice %arg6[%dma_start3A_923, %dma_start3A_930, %dma_start3A_931] : memref<1x32x1024xf32, #tpu.memory_space<vmem>> -> memref<1x32x1024xf32, #tpu.memory_space<vmem>>
    %dma_start3A_933 = tpu.memref_squeeze %dma_start3A_932 : memref<1x32x1024xf32, #tpu.memory_space<vmem>> -> memref<32x1024xf32, #tpu.memory_space<vmem>>
    %dma_start3A_934 = arith.constant 0 : i32
    %dma_start3A_935 = tpu.memref_slice %arg3[%add3A_922, %dma_start3A_934] : memref<8192x1024xf32, #tpu.memory_space<hbm>> -> memref<32x1024xf32, #tpu.memory_space<hbm>>
    tpu.enqueue_dma source(%dma_start3A_935 : memref<32x1024xf32, #tpu.memory_space<hbm>>) target(%dma_start3A_933 : memref<32x1024xf32, #tpu.memory_space<vmem>>) target_semaphore(%arg15 : memref<!tpu.dma_semaphore, #tpu.memory_space<semaphore_mem>>)
    %add3A_936 = arith.constant 12288 : i32
    %add3A_937 = arith.addi %add3A_936, %mul3A_2 : i32
    %add3A_938 = arith.constant 64 : i32
    %add3A_939 = arith.addi %add3A_937, %add3A_938 : i32
    %dma_start3A_940 = arith.constant 1 : i32
    %dma_start3A_941 = arith.constant 0 : i32
    %dma_start3A_942 = arith.constant 0 : i32
    %dma_start3A_943 = tpu.memref_slice %arg5[%dma_start3A_940, %dma_start3A_941, %dma_start3A_942] : memref<2x32x1024xf32, #tpu.memory_space<vmem>> -> memref<1x32x1024xf32, #tpu.memory_space<vmem>>
    %dma_start3A_944 = tpu.memref_squeeze %dma_start3A_943 : memref<1x32x1024xf32, #tpu.memory_space<vmem>> -> memref<32x1024xf32, #tpu.memory_space<vmem>>
    %dma_start3A_945 = tpu.memref_reshape %arg4 : memref<4x4096x1024xf32, #tpu.memory_space<hbm>> -> memref<16384x1024xf32, #tpu.memory_space<hbm>>
    %dma_start3A_946 = arith.constant 0 : i32
    %dma_start3A_947 = tpu.memref_slice %dma_start3A_945[%add3A_939, %dma_start3A_946] : memref<16384x1024xf32, #tpu.memory_space<hbm>> -> memref<32x1024xf32, #tpu.memory_space<hbm>>
    %dma_start3A_948 = tpu.memref_reshape %arg4 : memref<4x4096x1024xf32, #tpu.memory_space<hbm>> -> memref<16384x1024xf32, #tpu.memory_space<hbm>>
    %dma_start3A_949 = arith.constant 0 : i32
    %dma_start3A_950 = tpu.memref_slice %dma_start3A_948[%add3A_939, %dma_start3A_949] : memref<16384x1024xf32, #tpu.memory_space<hbm>> -> memref<32x1024xf32, #tpu.memory_space<hbm>>
    %dma_start3A_951 = arith.constant 0 : i32
    %dma_start3A_952 = arith.constant 0 : i32
    %dma_start3A_953 = tpu.memref_slice %arg5[%dma_start3A_940, %dma_start3A_951, %dma_start3A_952] : memref<2x32x1024xf32, #tpu.memory_space<vmem>> -> memref<1x32x1024xf32, #tpu.memory_space<vmem>>
    %dma_start3A_954 = tpu.memref_squeeze %dma_start3A_953 : memref<1x32x1024xf32, #tpu.memory_space<vmem>> -> memref<32x1024xf32, #tpu.memory_space<vmem>>
    tpu.enqueue_dma source(%dma_start3A_954 : memref<32x1024xf32, #tpu.memory_space<vmem>>) target(%dma_start3A_950 : memref<32x1024xf32, #tpu.memory_space<hbm>>) target_semaphore(%arg12 : memref<!tpu.dma_semaphore, #tpu.memory_space<semaphore_mem>>)
    %dma_wait3A_955 = arith.constant 0 : i32
    %dma_wait3A_956 = arith.constant 0 : i32
    %dma_wait3A_957 = arith.constant 0 : i32
    %dma_wait3A_958 = tpu.memref_slice %arg6[%dma_wait3A_955, %dma_wait3A_956, %dma_wait3A_957] : memref<1x32x1024xf32, #tpu.memory_space<vmem>> -> memref<1x32x1024xf32, #tpu.memory_space<vmem>>
    %dma_wait3A_959 = tpu.memref_squeeze %dma_wait3A_958 : memref<1x32x1024xf32, #tpu.memory_space<vmem>> -> memref<32x1024xf32, #tpu.memory_space<vmem>>
    %dma_wait3A_960 = arith.constant 0 : i32
    %dma_wait3A_961 = tpu.memref_slice %arg3[%add3A_922, %dma_wait3A_960] : memref<8192x1024xf32, #tpu.memory_space<hbm>> -> memref<32x1024xf32, #tpu.memory_space<hbm>>
    %dma_wait3A_962 = arith.constant 0 : i32
    %dma_wait3A_963 = arith.constant 0 : i32
    %dma_wait3A_964 = tpu.memref_slice %arg6[%dma_wait3A_955, %dma_wait3A_962, %dma_wait3A_963] : memref<1x32x1024xf32, #tpu.memory_space<vmem>> -> memref<1x32x1024xf32, #tpu.memory_space<vmem>>
    %dma_wait3A_965 = tpu.memref_squeeze %dma_wait3A_964 : memref<1x32x1024xf32, #tpu.memory_space<vmem>> -> memref<32x1024xf32, #tpu.memory_space<vmem>>
    %dma_wait3A_966 = arith.constant 0 : i32
    %dma_wait3A_967 = tpu.memref_slice %arg3[%add3A_922, %dma_wait3A_966] : memref<8192x1024xf32, #tpu.memory_space<hbm>> -> memref<32x1024xf32, #tpu.memory_space<hbm>>
    tpu.wait_dma2 semaphore(%arg15 : memref<!tpu.dma_semaphore, #tpu.memory_space<semaphore_mem>>) src(%dma_wait3A_967 : memref<32x1024xf32, #tpu.memory_space<hbm>>) dst(%dma_wait3A_965 : memref<32x1024xf32, #tpu.memory_space<vmem>>)
    %dma_wait3A_968 = arith.constant 1 : i32
    %dma_wait3A_969 = arith.constant 0 : i32
    %dma_wait3A_970 = arith.constant 0 : i32
    %dma_wait3A_971 = tpu.memref_slice %arg5[%dma_wait3A_968, %dma_wait3A_969, %dma_wait3A_970] : memref<2x32x1024xf32, #tpu.memory_space<vmem>> -> memref<1x32x1024xf32, #tpu.memory_space<vmem>>
    %dma_wait3A_972 = tpu.memref_squeeze %dma_wait3A_971 : memref<1x32x1024xf32, #tpu.memory_space<vmem>> -> memref<32x1024xf32, #tpu.memory_space<vmem>>
    %dma_wait3A_973 = tpu.memref_reshape %arg4 : memref<4x4096x1024xf32, #tpu.memory_space<hbm>> -> memref<16384x1024xf32, #tpu.memory_space<hbm>>
    %dma_wait3A_974 = arith.constant 0 : i32
    %dma_wait3A_975 = tpu.memref_slice %dma_wait3A_973[%add3A_939, %dma_wait3A_974] : memref<16384x1024xf32, #tpu.memory_space<hbm>> -> memref<32x1024xf32, #tpu.memory_space<hbm>>
    %dma_wait3A_976 = tpu.memref_reshape %arg4 : memref<4x4096x1024xf32, #tpu.memory_space<hbm>> -> memref<16384x1024xf32, #tpu.memory_space<hbm>>
    %dma_wait3A_977 = arith.constant 0 : i32
    %dma_wait3A_978 = tpu.memref_slice %dma_wait3A_976[%add3A_939, %dma_wait3A_977] : memref<16384x1024xf32, #tpu.memory_space<hbm>> -> memref<32x1024xf32, #tpu.memory_space<hbm>>
    %dma_wait3A_979 = arith.constant 0 : i32
    %dma_wait3A_980 = arith.constant 0 : i32
    %dma_wait3A_981 = tpu.memref_slice %arg5[%dma_wait3A_968, %dma_wait3A_979, %dma_wait3A_980] : memref<2x32x1024xf32, #tpu.memory_space<vmem>> -> memref<1x32x1024xf32, #tpu.memory_space<vmem>>
    %dma_wait3A_982 = tpu.memref_squeeze %dma_wait3A_981 : memref<1x32x1024xf32, #tpu.memory_space<vmem>> -> memref<32x1024xf32, #tpu.memory_space<vmem>>
    tpu.wait_dma2 semaphore(%arg12 : memref<!tpu.dma_semaphore, #tpu.memory_space<semaphore_mem>>) src(%dma_wait3A_982 : memref<32x1024xf32, #tpu.memory_space<vmem>>) dst(%dma_wait3A_978 : memref<32x1024xf32, #tpu.memory_space<hbm>>)
    %add3A_983 = arith.constant 4096 : i32
    %add3A_984 = arith.addi %add3A_983, %mul3A_2 : i32
    %add3A_985 = arith.constant 96 : i32
    %add3A_986 = arith.addi %add3A_984, %add3A_985 : i32
    %dma_start3A_987 = arith.constant 1 : i32
    %dma_start3A_988 = arith.constant 0 : i32
    %dma_start3A_989 = arith.constant 0 : i32
    %dma_start3A_990 = tpu.memref_slice %arg5[%dma_start3A_987, %dma_start3A_988, %dma_start3A_989] : memref<2x32x1024xf32, #tpu.memory_space<vmem>> -> memref<1x32x1024xf32, #tpu.memory_space<vmem>>
    %dma_start3A_991 = tpu.memref_squeeze %dma_start3A_990 : memref<1x32x1024xf32, #tpu.memory_space<vmem>> -> memref<32x1024xf32, #tpu.memory_space<vmem>>
    %dma_start3A_992 = tpu.memref_reshape %arg2 : memref<4x4096x1024xf32, #tpu.memory_space<hbm>> -> memref<16384x1024xf32, #tpu.memory_space<hbm>>
    %dma_start3A_993 = arith.constant 0 : i32
    %dma_start3A_994 = tpu.memref_slice %dma_start3A_992[%add3A_986, %dma_start3A_993] : memref<16384x1024xf32, #tpu.memory_space<hbm>> -> memref<32x1024xf32, #tpu.memory_space<hbm>>
    %dma_start3A_995 = arith.constant 0 : i32
    %dma_start3A_996 = arith.constant 0 : i32
    %dma_start3A_997 = tpu.memref_slice %arg5[%dma_start3A_987, %dma_start3A_995, %dma_start3A_996] : memref<2x32x1024xf32, #tpu.memory_space<vmem>> -> memref<1x32x1024xf32, #tpu.memory_space<vmem>>
    %dma_start3A_998 = tpu.memref_squeeze %dma_start3A_997 : memref<1x32x1024xf32, #tpu.memory_space<vmem>> -> memref<32x1024xf32, #tpu.memory_space<vmem>>
    %dma_start3A_999 = tpu.memref_reshape %arg2 : memref<4x4096x1024xf32, #tpu.memory_space<hbm>> -> memref<16384x1024xf32, #tpu.memory_space<hbm>>
    %dma_start3A_1000 = arith.constant 0 : i32
    %dma_start3A_1001 = tpu.memref_slice %dma_start3A_999[%add3A_986, %dma_start3A_1000] : memref<16384x1024xf32, #tpu.memory_space<hbm>> -> memref<32x1024xf32, #tpu.memory_space<hbm>>
    tpu.enqueue_dma source(%dma_start3A_1001 : memref<32x1024xf32, #tpu.memory_space<hbm>>) target(%dma_start3A_998 : memref<32x1024xf32, #tpu.memory_space<vmem>>) target_semaphore(%arg8 : memref<!tpu.dma_semaphore, #tpu.memory_space<semaphore_mem>>)
    %dma_wait3A_1002 = arith.constant 0 : i32
    %dma_wait3A_1003 = arith.constant 0 : i32
    %dma_wait3A_1004 = arith.constant 0 : i32
    %dma_wait3A_1005 = tpu.memref_slice %arg5[%dma_wait3A_1002, %dma_wait3A_1003, %dma_wait3A_1004] : memref<2x32x1024xf32, #tpu.memory_space<vmem>> -> memref<1x32x1024xf32, #tpu.memory_space<vmem>>
    %dma_wait3A_1006 = tpu.memref_squeeze %dma_wait3A_1005 : memref<1x32x1024xf32, #tpu.memory_space<vmem>> -> memref<32x1024xf32, #tpu.memory_space<vmem>>
    %dma_wait3A_1007 = tpu.memref_reshape %arg2 : memref<4x4096x1024xf32, #tpu.memory_space<hbm>> -> memref<16384x1024xf32, #tpu.memory_space<hbm>>
    %dma_wait3A_1008 = arith.constant 0 : i32
    %dma_wait3A_1009 = tpu.memref_slice %dma_wait3A_1007[%add3A_887, %dma_wait3A_1008] : memref<16384x1024xf32, #tpu.memory_space<hbm>> -> memref<32x1024xf32, #tpu.memory_space<hbm>>
    %dma_wait3A_1010 = arith.constant 0 : i32
    %dma_wait3A_1011 = arith.constant 0 : i32
    %dma_wait3A_1012 = tpu.memref_slice %arg5[%dma_wait3A_1002, %dma_wait3A_1010, %dma_wait3A_1011] : memref<2x32x1024xf32, #tpu.memory_space<vmem>> -> memref<1x32x1024xf32, #tpu.memory_space<vmem>>
    %dma_wait3A_1013 = tpu.memref_squeeze %dma_wait3A_1012 : memref<1x32x1024xf32, #tpu.memory_space<vmem>> -> memref<32x1024xf32, #tpu.memory_space<vmem>>
    %dma_wait3A_1014 = tpu.memref_reshape %arg2 : memref<4x4096x1024xf32, #tpu.memory_space<hbm>> -> memref<16384x1024xf32, #tpu.memory_space<hbm>>
    %dma_wait3A_1015 = arith.constant 0 : i32
    %dma_wait3A_1016 = tpu.memref_slice %dma_wait3A_1014[%add3A_887, %dma_wait3A_1015] : memref<16384x1024xf32, #tpu.memory_space<hbm>> -> memref<32x1024xf32, #tpu.memory_space<hbm>>
    tpu.wait_dma2 semaphore(%arg7 : memref<!tpu.dma_semaphore, #tpu.memory_space<semaphore_mem>>) src(%dma_wait3A_1016 : memref<32x1024xf32, #tpu.memory_space<hbm>>) dst(%dma_wait3A_1013 : memref<32x1024xf32, #tpu.memory_space<vmem>>)
    %parallel_loop3A_1017 = arith.constant 0 : i32
    %parallel_loop3A_1018 = arith.constant 2048 : i32
    %parallel_loop3A_1019 = arith.constant 1 : i32
    scf.for %parallel_loop3A_1248 = %parallel_loop3A_1017 to %parallel_loop3A_1018 step %parallel_loop3A_1019  : i32 {
      %parallel_loop3A_1249 = arith.constant 64 : i32
      %parallel_loop3A_1250 = arith.divsi %parallel_loop3A_1248, %parallel_loop3A_1249 : i32
      %parallel_loop3A_1251 = arith.constant 0 : i32
      %parallel_loop3A_1252 = arith.cmpi sgt, %parallel_loop3A_1248, %parallel_loop3A_1251 : i32
      %parallel_loop3A_1253 = arith.extui %parallel_loop3A_1252 : i1 to i32
      %parallel_loop3A_1254 = arith.constant 0 : i32
      %parallel_loop3A_1255 = arith.cmpi slt, %parallel_loop3A_1248, %parallel_loop3A_1254 : i32
      %parallel_loop3A_1256 = arith.extui %parallel_loop3A_1255 : i1 to i32
      %parallel_loop3A_1257 = arith.subi %parallel_loop3A_1253, %parallel_loop3A_1256 : i32
      %parallel_loop3A_1258 = arith.constant 0 : i32
      %parallel_loop3A_1259 = arith.cmpi sgt, %parallel_loop3A_1249, %parallel_loop3A_1258 : i32
      %parallel_loop3A_1260 = arith.extui %parallel_loop3A_1259 : i1 to i32
      %parallel_loop3A_1261 = arith.constant 0 : i32
      %parallel_loop3A_1262 = arith.cmpi slt, %parallel_loop3A_1249, %parallel_loop3A_1261 : i32
      %parallel_loop3A_1263 = arith.extui %parallel_loop3A_1262 : i1 to i32
      %parallel_loop3A_1264 = arith.subi %parallel_loop3A_1260, %parallel_loop3A_1263 : i32
      %parallel_loop3A_1265 = arith.cmpi ne, %parallel_loop3A_1257, %parallel_loop3A_1264 : i32
      %parallel_loop3A_1266 = arith.remsi %parallel_loop3A_1248, %parallel_loop3A_1249 : i32
      %parallel_loop3A_1267 = arith.constant 0 : i32
      %parallel_loop3A_1268 = arith.cmpi ne, %parallel_loop3A_1266, %parallel_loop3A_1267 : i32
      %parallel_loop3A_1269 = arith.andi %parallel_loop3A_1265, %parallel_loop3A_1268 : i1
      %parallel_loop3A_1270 = arith.constant 1 : i32
      %parallel_loop3A_1271 = arith.subi %parallel_loop3A_1250, %parallel_loop3A_1270 : i32
      %parallel_loop3A_1272 = arith.select %parallel_loop3A_1269, %parallel_loop3A_1271, %parallel_loop3A_1250 : i32
      %parallel_loop3A_1273 = arith.constant 64 : i32
      %parallel_loop3A_1274 = arith.remsi %parallel_loop3A_1248, %parallel_loop3A_1273 : i32
      %parallel_loop3A_1275 = arith.constant 16 : i32
      %parallel_loop3A_1276 = arith.muli %parallel_loop3A_1274, %parallel_loop3A_1275 : i32
      %parallel_loop3A_1277 = arith.constant 0 : i32
      %parallel_loop3A_1278 = arith.index_cast %parallel_loop3A_1277 : i32 to index
      %parallel_loop3A_1279 = arith.index_cast %parallel_loop3A_1272 : i32 to index
      %parallel_loop3A_1280 = arith.index_cast %parallel_loop3A_1276 : i32 to index
      %parallel_loop3A_1281 = tpu.vector_load %arg6[%parallel_loop3A_1278, %parallel_loop3A_1279, %parallel_loop3A_1280] {strides = array<i32>} : memref<1x32x1024xf32, #tpu.memory_space<vmem>>, vector<1x1x16xf32>,
      %parallel_loop3A_1282 = vector.shape_cast %parallel_loop3A_1281 : vector<1x1x16xf32> to vector<16xf32>
      %parallel_loop3A_1283 = arith.constant 0 : i32
      %parallel_loop3A_1284 = arith.index_cast %parallel_loop3A_1283 : i32 to index
      %parallel_loop3A_1285 = arith.index_cast %parallel_loop3A_1272 : i32 to index
      %parallel_loop3A_1286 = arith.index_cast %parallel_loop3A_1276 : i32 to index
      %parallel_loop3A_1287 = tpu.vector_load %arg5[%parallel_loop3A_1284, %parallel_loop3A_1285, %parallel_loop3A_1286] {strides = array<i32>} : memref<2x32x1024xf32, #tpu.memory_space<vmem>>, vector<1x1x16xf32>,
      %parallel_loop3A_1288 = vector.shape_cast %parallel_loop3A_1287 : vector<1x1x16xf32> to vector<16xf32>
      %parallel_loop3A_1289 = vector.shape_cast %parallel_loop3A_1282 : vector<16xf32> to vector<1x1x16xf32>
      tpu.vector_store %arg5[%parallel_loop3A_1284, %parallel_loop3A_1285, %parallel_loop3A_1286], %parallel_loop3A_1289 {add = true, strides = array<i32>} : memref<2x32x1024xf32, #tpu.memory_space<vmem>>, vector<1x1x16xf32>,
    } {sc.loop_unroll_factor = 8 : i64, sc.parallel_access}
    %add3A_1020 = arith.constant 0 : i32
    %add3A_1021 = arith.addi %add3A_1020, %mul3A_2 : i32
    %add3A_1022 = arith.constant 96 : i32
    %add3A_1023 = arith.addi %add3A_1021, %add3A_1022 : i32
    %dma_start3A_1024 = arith.constant 0 : i32
    %dma_start3A_1025 = arith.constant 0 : i32
    %dma_start3A_1026 = arith.constant 0 : i32
    %dma_start3A_1027 = tpu.memref_slice %arg5[%dma_start3A_1024, %dma_start3A_1025, %dma_start3A_1026] : memref<2x32x1024xf32, #tpu.memory_space<vmem>> -> memref<1x32x1024xf32, #tpu.memory_space<vmem>>
    %dma_start3A_1028 = tpu.memref_squeeze %dma_start3A_1027 : memref<1x32x1024xf32, #tpu.memory_space<vmem>> -> memref<32x1024xf32, #tpu.memory_space<vmem>>
    %dma_start3A_1029 = tpu.memref_reshape %arg4 : memref<4x4096x1024xf32, #tpu.memory_space<hbm>> -> memref<16384x1024xf32, #tpu.memory_space<hbm>>
    %dma_start3A_1030 = arith.constant 0 : i32
    %dma_start3A_1031 = tpu.memref_slice %dma_start3A_1029[%add3A_1023, %dma_start3A_1030] : memref<16384x1024xf32, #tpu.memory_space<hbm>> -> memref<32x1024xf32, #tpu.memory_space<hbm>>
    %dma_start3A_1032 = tpu.memref_reshape %arg4 : memref<4x4096x1024xf32, #tpu.memory_space<hbm>> -> memref<16384x1024xf32, #tpu.memory_space<hbm>>
    %dma_start3A_1033 = arith.constant 0 : i32
    %dma_start3A_1034 = tpu.memref_slice %dma_start3A_1032[%add3A_1023, %dma_start3A_1033] : memref<16384x1024xf32, #tpu.memory_space<hbm>> -> memref<32x1024xf32, #tpu.memory_space<hbm>>
    %dma_start3A_1035 = arith.constant 0 : i32
    %dma_start3A_1036 = arith.constant 0 : i32
    %dma_start3A_1037 = tpu.memref_slice %arg5[%dma_start3A_1024, %dma_start3A_1035, %dma_start3A_1036] : memref<2x32x1024xf32, #tpu.memory_space<vmem>> -> memref<1x32x1024xf32, #tpu.memory_space<vmem>>
    %dma_start3A_1038 = tpu.memref_squeeze %dma_start3A_1037 : memref<1x32x1024xf32, #tpu.memory_space<vmem>> -> memref<32x1024xf32, #tpu.memory_space<vmem>>
    tpu.enqueue_dma source(%dma_start3A_1038 : memref<32x1024xf32, #tpu.memory_space<vmem>>) target(%dma_start3A_1034 : memref<32x1024xf32, #tpu.memory_space<hbm>>) target_semaphore(%arg11 : memref<!tpu.dma_semaphore, #tpu.memory_space<semaphore_mem>>)
    %dma_wait3A_1039 = arith.constant 0 : i32
    %dma_wait3A_1040 = arith.constant 0 : i32
    %dma_wait3A_1041 = arith.constant 0 : i32
    %dma_wait3A_1042 = tpu.memref_slice %arg5[%dma_wait3A_1039, %dma_wait3A_1040, %dma_wait3A_1041] : memref<2x32x1024xf32, #tpu.memory_space<vmem>> -> memref<1x32x1024xf32, #tpu.memory_space<vmem>>
    %dma_wait3A_1043 = tpu.memref_squeeze %dma_wait3A_1042 : memref<1x32x1024xf32, #tpu.memory_space<vmem>> -> memref<32x1024xf32, #tpu.memory_space<vmem>>
    %dma_wait3A_1044 = tpu.memref_reshape %arg4 : memref<4x4096x1024xf32, #tpu.memory_space<hbm>> -> memref<16384x1024xf32, #tpu.memory_space<hbm>>
    %dma_wait3A_1045 = arith.constant 0 : i32
    %dma_wait3A_1046 = tpu.memref_slice %dma_wait3A_1044[%add3A_1023, %dma_wait3A_1045] : memref<16384x1024xf32, #tpu.memory_space<hbm>> -> memref<32x1024xf32, #tpu.memory_space<hbm>>
    %dma_wait3A_1047 = tpu.memref_reshape %arg4 : memref<4x4096x1024xf32, #tpu.memory_space<hbm>> -> memref<16384x1024xf32, #tpu.memory_space<hbm>>
    %dma_wait3A_1048 = arith.constant 0 : i32
    %dma_wait3A_1049 = tpu.memref_slice %dma_wait3A_1047[%add3A_1023, %dma_wait3A_1048] : memref<16384x1024xf32, #tpu.memory_space<hbm>> -> memref<32x1024xf32, #tpu.memory_space<hbm>>
    %dma_wait3A_1050 = arith.constant 0 : i32
    %dma_wait3A_1051 = arith.constant 0 : i32
    %dma_wait3A_1052 = tpu.memref_slice %arg5[%dma_wait3A_1039, %dma_wait3A_1050, %dma_wait3A_1051] : memref<2x32x1024xf32, #tpu.memory_space<vmem>> -> memref<1x32x1024xf32, #tpu.memory_space<vmem>>
    %dma_wait3A_1053 = tpu.memref_squeeze %dma_wait3A_1052 : memref<1x32x1024xf32, #tpu.memory_space<vmem>> -> memref<32x1024xf32, #tpu.memory_space<vmem>>
    tpu.wait_dma2 semaphore(%arg11 : memref<!tpu.dma_semaphore, #tpu.memory_space<semaphore_mem>>) src(%dma_wait3A_1053 : memref<32x1024xf32, #tpu.memory_space<vmem>>) dst(%dma_wait3A_1049 : memref<32x1024xf32, #tpu.memory_space<hbm>>)
    %add3A_1054 = arith.constant 8192 : i32
    %add3A_1055 = arith.addi %add3A_1054, %mul3A_2 : i32
    %add3A_1056 = arith.constant 96 : i32
    %add3A_1057 = arith.addi %add3A_1055, %add3A_1056 : i32
    %dma_start3A_1058 = arith.constant 0 : i32
    %dma_start3A_1059 = arith.constant 0 : i32
    %dma_start3A_1060 = arith.constant 0 : i32
    %dma_start3A_1061 = tpu.memref_slice %arg5[%dma_start3A_1058, %dma_start3A_1059, %dma_start3A_1060] : memref<2x32x1024xf32, #tpu.memory_space<vmem>> -> memref<1x32x1024xf32, #tpu.memory_space<vmem>>
    %dma_start3A_1062 = tpu.memref_squeeze %dma_start3A_1061 : memref<1x32x1024xf32, #tpu.memory_space<vmem>> -> memref<32x1024xf32, #tpu.memory_space<vmem>>
    %dma_start3A_1063 = tpu.memref_reshape %arg2 : memref<4x4096x1024xf32, #tpu.memory_space<hbm>> -> memref<16384x1024xf32, #tpu.memory_space<hbm>>
    %dma_start3A_1064 = arith.constant 0 : i32
    %dma_start3A_1065 = tpu.memref_slice %dma_start3A_1063[%add3A_1057, %dma_start3A_1064] : memref<16384x1024xf32, #tpu.memory_space<hbm>> -> memref<32x1024xf32, #tpu.memory_space<hbm>>
    %dma_start3A_1066 = arith.constant 0 : i32
    %dma_start3A_1067 = arith.constant 0 : i32
    %dma_start3A_1068 = tpu.memref_slice %arg5[%dma_start3A_1058, %dma_start3A_1066, %dma_start3A_1067] : memref<2x32x1024xf32, #tpu.memory_space<vmem>> -> memref<1x32x1024xf32, #tpu.memory_space<vmem>>
    %dma_start3A_1069 = tpu.memref_squeeze %dma_start3A_1068 : memref<1x32x1024xf32, #tpu.memory_space<vmem>> -> memref<32x1024xf32, #tpu.memory_space<vmem>>
    %dma_start3A_1070 = tpu.memref_reshape %arg2 : memref<4x4096x1024xf32, #tpu.memory_space<hbm>> -> memref<16384x1024xf32, #tpu.memory_space<hbm>>
    %dma_start3A_1071 = arith.constant 0 : i32
    %dma_start3A_1072 = tpu.memref_slice %dma_start3A_1070[%add3A_1057, %dma_start3A_1071] : memref<16384x1024xf32, #tpu.memory_space<hbm>> -> memref<32x1024xf32, #tpu.memory_space<hbm>>
    tpu.enqueue_dma source(%dma_start3A_1072 : memref<32x1024xf32, #tpu.memory_space<hbm>>) target(%dma_start3A_1069 : memref<32x1024xf32, #tpu.memory_space<vmem>>) target_semaphore(%arg7 : memref<!tpu.dma_semaphore, #tpu.memory_space<semaphore_mem>>)
    %dma_wait3A_1073 = arith.constant 1 : i32
    %dma_wait3A_1074 = arith.constant 0 : i32
    %dma_wait3A_1075 = arith.constant 0 : i32
    %dma_wait3A_1076 = tpu.memref_slice %arg5[%dma_wait3A_1073, %dma_wait3A_1074, %dma_wait3A_1075] : memref<2x32x1024xf32, #tpu.memory_space<vmem>> -> memref<1x32x1024xf32, #tpu.memory_space<vmem>>
    %dma_wait3A_1077 = tpu.memref_squeeze %dma_wait3A_1076 : memref<1x32x1024xf32, #tpu.memory_space<vmem>> -> memref<32x1024xf32, #tpu.memory_space<vmem>>
    %dma_wait3A_1078 = tpu.memref_reshape %arg2 : memref<4x4096x1024xf32, #tpu.memory_space<hbm>> -> memref<16384x1024xf32, #tpu.memory_space<hbm>>
    %dma_wait3A_1079 = arith.constant 0 : i32
    %dma_wait3A_1080 = tpu.memref_slice %dma_wait3A_1078[%add3A_986, %dma_wait3A_1079] : memref<16384x1024xf32, #tpu.memory_space<hbm>> -> memref<32x1024xf32, #tpu.memory_space<hbm>>
    %dma_wait3A_1081 = arith.constant 0 : i32
    %dma_wait3A_1082 = arith.constant 0 : i32
    %dma_wait3A_1083 = tpu.memref_slice %arg5[%dma_wait3A_1073, %dma_wait3A_1081, %dma_wait3A_1082] : memref<2x32x1024xf32, #tpu.memory_space<vmem>> -> memref<1x32x1024xf32, #tpu.memory_space<vmem>>
    %dma_wait3A_1084 = tpu.memref_squeeze %dma_wait3A_1083 : memref<1x32x1024xf32, #tpu.memory_space<vmem>> -> memref<32x1024xf32, #tpu.memory_space<vmem>>
    %dma_wait3A_1085 = tpu.memref_reshape %arg2 : memref<4x4096x1024xf32, #tpu.memory_space<hbm>> -> memref<16384x1024xf32, #tpu.memory_space<hbm>>
    %dma_wait3A_1086 = arith.constant 0 : i32
    %dma_wait3A_1087 = tpu.memref_slice %dma_wait3A_1085[%add3A_986, %dma_wait3A_1086] : memref<16384x1024xf32, #tpu.memory_space<hbm>> -> memref<32x1024xf32, #tpu.memory_space<hbm>>
    tpu.wait_dma2 semaphore(%arg8 : memref<!tpu.dma_semaphore, #tpu.memory_space<semaphore_mem>>) src(%dma_wait3A_1087 : memref<32x1024xf32, #tpu.memory_space<hbm>>) dst(%dma_wait3A_1084 : memref<32x1024xf32, #tpu.memory_space<vmem>>)
    %parallel_loop3A_1088 = arith.constant 0 : i32
    %parallel_loop3A_1089 = arith.constant 2048 : i32
    %parallel_loop3A_1090 = arith.constant 1 : i32
    scf.for %parallel_loop3A_1248 = %parallel_loop3A_1088 to %parallel_loop3A_1089 step %parallel_loop3A_1090  : i32 {
      %parallel_loop3A_1249 = arith.constant 64 : i32
      %parallel_loop3A_1250 = arith.divsi %parallel_loop3A_1248, %parallel_loop3A_1249 : i32
      %parallel_loop3A_1251 = arith.constant 0 : i32
      %parallel_loop3A_1252 = arith.cmpi sgt, %parallel_loop3A_1248, %parallel_loop3A_1251 : i32
      %parallel_loop3A_1253 = arith.extui %parallel_loop3A_1252 : i1 to i32
      %parallel_loop3A_1254 = arith.constant 0 : i32
      %parallel_loop3A_1255 = arith.cmpi slt, %parallel_loop3A_1248, %parallel_loop3A_1254 : i32
      %parallel_loop3A_1256 = arith.extui %parallel_loop3A_1255 : i1 to i32
      %parallel_loop3A_1257 = arith.subi %parallel_loop3A_1253, %parallel_loop3A_1256 : i32
      %parallel_loop3A_1258 = arith.constant 0 : i32
      %parallel_loop3A_1259 = arith.cmpi sgt, %parallel_loop3A_1249, %parallel_loop3A_1258 : i32
      %parallel_loop3A_1260 = arith.extui %parallel_loop3A_1259 : i1 to i32
      %parallel_loop3A_1261 = arith.constant 0 : i32
      %parallel_loop3A_1262 = arith.cmpi slt, %parallel_loop3A_1249, %parallel_loop3A_1261 : i32
      %parallel_loop3A_1263 = arith.extui %parallel_loop3A_1262 : i1 to i32
      %parallel_loop3A_1264 = arith.subi %parallel_loop3A_1260, %parallel_loop3A_1263 : i32
      %parallel_loop3A_1265 = arith.cmpi ne, %parallel_loop3A_1257, %parallel_loop3A_1264 : i32
      %parallel_loop3A_1266 = arith.remsi %parallel_loop3A_1248, %parallel_loop3A_1249 : i32
      %parallel_loop3A_1267 = arith.constant 0 : i32
      %parallel_loop3A_1268 = arith.cmpi ne, %parallel_loop3A_1266, %parallel_loop3A_1267 : i32
      %parallel_loop3A_1269 = arith.andi %parallel_loop3A_1265, %parallel_loop3A_1268 : i1
      %parallel_loop3A_1270 = arith.constant 1 : i32
      %parallel_loop3A_1271 = arith.subi %parallel_loop3A_1250, %parallel_loop3A_1270 : i32
      %parallel_loop3A_1272 = arith.select %parallel_loop3A_1269, %parallel_loop3A_1271, %parallel_loop3A_1250 : i32
      %parallel_loop3A_1273 = arith.constant 64 : i32
      %parallel_loop3A_1274 = arith.remsi %parallel_loop3A_1248, %parallel_loop3A_1273 : i32
      %parallel_loop3A_1275 = arith.constant 16 : i32
      %parallel_loop3A_1276 = arith.muli %parallel_loop3A_1274, %parallel_loop3A_1275 : i32
      %parallel_loop3A_1277 = arith.constant 0 : i32
      %parallel_loop3A_1278 = arith.index_cast %parallel_loop3A_1277 : i32 to index
      %parallel_loop3A_1279 = arith.index_cast %parallel_loop3A_1272 : i32 to index
      %parallel_loop3A_1280 = arith.index_cast %parallel_loop3A_1276 : i32 to index
      %parallel_loop3A_1281 = tpu.vector_load %arg6[%parallel_loop3A_1278, %parallel_loop3A_1279, %parallel_loop3A_1280] {strides = array<i32>} : memref<1x32x1024xf32, #tpu.memory_space<vmem>>, vector<1x1x16xf32>,
      %parallel_loop3A_1282 = vector.shape_cast %parallel_loop3A_1281 : vector<1x1x16xf32> to vector<16xf32>
      %parallel_loop3A_1283 = arith.constant 1 : i32
      %parallel_loop3A_1284 = arith.index_cast %parallel_loop3A_1283 : i32 to index
      %parallel_loop3A_1285 = arith.index_cast %parallel_loop3A_1272 : i32 to index
      %parallel_loop3A_1286 = arith.index_cast %parallel_loop3A_1276 : i32 to index
      %parallel_loop3A_1287 = tpu.vector_load %arg5[%parallel_loop3A_1284, %parallel_loop3A_1285, %parallel_loop3A_1286] {strides = array<i32>} : memref<2x32x1024xf32, #tpu.memory_space<vmem>>, vector<1x1x16xf32>,
      %parallel_loop3A_1288 = vector.shape_cast %parallel_loop3A_1287 : vector<1x1x16xf32> to vector<16xf32>
      %parallel_loop3A_1289 = vector.shape_cast %parallel_loop3A_1282 : vector<16xf32> to vector<1x1x16xf32>
      tpu.vector_store %arg5[%parallel_loop3A_1284, %parallel_loop3A_1285, %parallel_loop3A_1286], %parallel_loop3A_1289 {add = true, strides = array<i32>} : memref<2x32x1024xf32, #tpu.memory_space<vmem>>, vector<1x1x16xf32>,
    } {sc.loop_unroll_factor = 8 : i64, sc.parallel_access}
    %add3A_1091 = arith.constant 4096 : i32
    %add3A_1092 = arith.addi %add3A_1091, %mul3A_2 : i32
    %add3A_1093 = arith.constant 96 : i32
    %add3A_1094 = arith.addi %add3A_1092, %add3A_1093 : i32
    %dma_start3A_1095 = arith.constant 1 : i32
    %dma_start3A_1096 = arith.constant 0 : i32
    %dma_start3A_1097 = arith.constant 0 : i32
    %dma_start3A_1098 = tpu.memref_slice %arg5[%dma_start3A_1095, %dma_start3A_1096, %dma_start3A_1097] : memref<2x32x1024xf32, #tpu.memory_space<vmem>> -> memref<1x32x1024xf32, #tpu.memory_space<vmem>>
    %dma_start3A_1099 = tpu.memref_squeeze %dma_start3A_1098 : memref<1x32x1024xf32, #tpu.memory_space<vmem>> -> memref<32x1024xf32, #tpu.memory_space<vmem>>
    %dma_start3A_1100 = tpu.memref_reshape %arg4 : memref<4x4096x1024xf32, #tpu.memory_space<hbm>> -> memref<16384x1024xf32, #tpu.memory_space<hbm>>
    %dma_start3A_1101 = arith.constant 0 : i32
    %dma_start3A_1102 = tpu.memref_slice %dma_start3A_1100[%add3A_1094, %dma_start3A_1101] : memref<16384x1024xf32, #tpu.memory_space<hbm>> -> memref<32x1024xf32, #tpu.memory_space<hbm>>
    %dma_start3A_1103 = tpu.memref_reshape %arg4 : memref<4x4096x1024xf32, #tpu.memory_space<hbm>> -> memref<16384x1024xf32, #tpu.memory_space<hbm>>
    %dma_start3A_1104 = arith.constant 0 : i32
    %dma_start3A_1105 = tpu.memref_slice %dma_start3A_1103[%add3A_1094, %dma_start3A_1104] : memref<16384x1024xf32, #tpu.memory_space<hbm>> -> memref<32x1024xf32, #tpu.memory_space<hbm>>
    %dma_start3A_1106 = arith.constant 0 : i32
    %dma_start3A_1107 = arith.constant 0 : i32
    %dma_start3A_1108 = tpu.memref_slice %arg5[%dma_start3A_1095, %dma_start3A_1106, %dma_start3A_1107] : memref<2x32x1024xf32, #tpu.memory_space<vmem>> -> memref<1x32x1024xf32, #tpu.memory_space<vmem>>
    %dma_start3A_1109 = tpu.memref_squeeze %dma_start3A_1108 : memref<1x32x1024xf32, #tpu.memory_space<vmem>> -> memref<32x1024xf32, #tpu.memory_space<vmem>>
    tpu.enqueue_dma source(%dma_start3A_1109 : memref<32x1024xf32, #tpu.memory_space<vmem>>) target(%dma_start3A_1105 : memref<32x1024xf32, #tpu.memory_space<hbm>>) target_semaphore(%arg12 : memref<!tpu.dma_semaphore, #tpu.memory_space<semaphore_mem>>)
    %dma_wait3A_1110 = arith.constant 1 : i32
    %dma_wait3A_1111 = arith.constant 0 : i32
    %dma_wait3A_1112 = arith.constant 0 : i32
    %dma_wait3A_1113 = tpu.memref_slice %arg5[%dma_wait3A_1110, %dma_wait3A_1111, %dma_wait3A_1112] : memref<2x32x1024xf32, #tpu.memory_space<vmem>> -> memref<1x32x1024xf32, #tpu.memory_space<vmem>>
    %dma_wait3A_1114 = tpu.memref_squeeze %dma_wait3A_1113 : memref<1x32x1024xf32, #tpu.memory_space<vmem>> -> memref<32x1024xf32, #tpu.memory_space<vmem>>
    %dma_wait3A_1115 = tpu.memref_reshape %arg4 : memref<4x4096x1024xf32, #tpu.memory_space<hbm>> -> memref<16384x1024xf32, #tpu.memory_space<hbm>>
    %dma_wait3A_1116 = arith.constant 0 : i32
    %dma_wait3A_1117 = tpu.memref_slice %dma_wait3A_1115[%add3A_1094, %dma_wait3A_1116] : memref<16384x1024xf32, #tpu.memory_space<hbm>> -> memref<32x1024xf32, #tpu.memory_space<hbm>>
    %dma_wait3A_1118 = tpu.memref_reshape %arg4 : memref<4x4096x1024xf32, #tpu.memory_space<hbm>> -> memref<16384x1024xf32, #tpu.memory_space<hbm>>
    %dma_wait3A_1119 = arith.constant 0 : i32
    %dma_wait3A_1120 = tpu.memref_slice %dma_wait3A_1118[%add3A_1094, %dma_wait3A_1119] : memref<16384x1024xf32, #tpu.memory_space<hbm>> -> memref<32x1024xf32, #tpu.memory_space<hbm>>
    %dma_wait3A_1121 = arith.constant 0 : i32
    %dma_wait3A_1122 = arith.constant 0 : i32
    %dma_wait3A_1123 = tpu.memref_slice %arg5[%dma_wait3A_1110, %dma_wait3A_1121, %dma_wait3A_1122] : memref<2x32x1024xf32, #tpu.memory_space<vmem>> -> memref<1x32x1024xf32, #tpu.memory_space<vmem>>
    %dma_wait3A_1124 = tpu.memref_squeeze %dma_wait3A_1123 : memref<1x32x1024xf32, #tpu.memory_space<vmem>> -> memref<32x1024xf32, #tpu.memory_space<vmem>>
    tpu.wait_dma2 semaphore(%arg12 : memref<!tpu.dma_semaphore, #tpu.memory_space<semaphore_mem>>) src(%dma_wait3A_1124 : memref<32x1024xf32, #tpu.memory_space<vmem>>) dst(%dma_wait3A_1120 : memref<32x1024xf32, #tpu.memory_space<hbm>>)
    %add3A_1125 = arith.constant 12288 : i32
    %add3A_1126 = arith.addi %add3A_1125, %mul3A_2 : i32
    %add3A_1127 = arith.constant 96 : i32
    %add3A_1128 = arith.addi %add3A_1126, %add3A_1127 : i32
    %dma_start3A_1129 = arith.constant 1 : i32
    %dma_start3A_1130 = arith.constant 0 : i32
    %dma_start3A_1131 = arith.constant 0 : i32
    %dma_start3A_1132 = tpu.memref_slice %arg5[%dma_start3A_1129, %dma_start3A_1130, %dma_start3A_1131] : memref<2x32x1024xf32, #tpu.memory_space<vmem>> -> memref<1x32x1024xf32, #tpu.memory_space<vmem>>
    %dma_start3A_1133 = tpu.memref_squeeze %dma_start3A_1132 : memref<1x32x1024xf32, #tpu.memory_space<vmem>> -> memref<32x1024xf32, #tpu.memory_space<vmem>>
    %dma_start3A_1134 = tpu.memref_reshape %arg2 : memref<4x4096x1024xf32, #tpu.memory_space<hbm>> -> memref<16384x1024xf32, #tpu.memory_space<hbm>>
    %dma_start3A_1135 = arith.constant 0 : i32
    %dma_start3A_1136 = tpu.memref_slice %dma_start3A_1134[%add3A_1128, %dma_start3A_1135] : memref<16384x1024xf32, #tpu.memory_space<hbm>> -> memref<32x1024xf32, #tpu.memory_space<hbm>>
    %dma_start3A_1137 = arith.constant 0 : i32
    %dma_start3A_1138 = arith.constant 0 : i32
    %dma_start3A_1139 = tpu.memref_slice %arg5[%dma_start3A_1129, %dma_start3A_1137, %dma_start3A_1138] : memref<2x32x1024xf32, #tpu.memory_space<vmem>> -> memref<1x32x1024xf32, #tpu.memory_space<vmem>>
    %dma_start3A_1140 = tpu.memref_squeeze %dma_start3A_1139 : memref<1x32x1024xf32, #tpu.memory_space<vmem>> -> memref<32x1024xf32, #tpu.memory_space<vmem>>
    %dma_start3A_1141 = tpu.memref_reshape %arg2 : memref<4x4096x1024xf32, #tpu.memory_space<hbm>> -> memref<16384x1024xf32, #tpu.memory_space<hbm>>
    %dma_start3A_1142 = arith.constant 0 : i32
    %dma_start3A_1143 = tpu.memref_slice %dma_start3A_1141[%add3A_1128, %dma_start3A_1142] : memref<16384x1024xf32, #tpu.memory_space<hbm>> -> memref<32x1024xf32, #tpu.memory_space<hbm>>
    tpu.enqueue_dma source(%dma_start3A_1143 : memref<32x1024xf32, #tpu.memory_space<hbm>>) target(%dma_start3A_1140 : memref<32x1024xf32, #tpu.memory_space<vmem>>) target_semaphore(%arg8 : memref<!tpu.dma_semaphore, #tpu.memory_space<semaphore_mem>>)
    %dma_wait3A_1144 = arith.constant 0 : i32
    %dma_wait3A_1145 = arith.constant 0 : i32
    %dma_wait3A_1146 = arith.constant 0 : i32
    %dma_wait3A_1147 = tpu.memref_slice %arg5[%dma_wait3A_1144, %dma_wait3A_1145, %dma_wait3A_1146] : memref<2x32x1024xf32, #tpu.memory_space<vmem>> -> memref<1x32x1024xf32, #tpu.memory_space<vmem>>
    %dma_wait3A_1148 = tpu.memref_squeeze %dma_wait3A_1147 : memref<1x32x1024xf32, #tpu.memory_space<vmem>> -> memref<32x1024xf32, #tpu.memory_space<vmem>>
    %dma_wait3A_1149 = tpu.memref_reshape %arg2 : memref<4x4096x1024xf32, #tpu.memory_space<hbm>> -> memref<16384x1024xf32, #tpu.memory_space<hbm>>
    %dma_wait3A_1150 = arith.constant 0 : i32
    %dma_wait3A_1151 = tpu.memref_slice %dma_wait3A_1149[%add3A_1057, %dma_wait3A_1150] : memref<16384x1024xf32, #tpu.memory_space<hbm>> -> memref<32x1024xf32, #tpu.memory_space<hbm>>
    %dma_wait3A_1152 = arith.constant 0 : i32
    %dma_wait3A_1153 = arith.constant 0 : i32
    %dma_wait3A_1154 = tpu.memref_slice %arg5[%dma_wait3A_1144, %dma_wait3A_1152, %dma_wait3A_1153] : memref<2x32x1024xf32, #tpu.memory_space<vmem>> -> memref<1x32x1024xf32, #tpu.memory_space<vmem>>
    %dma_wait3A_1155 = tpu.memref_squeeze %dma_wait3A_1154 : memref<1x32x1024xf32, #tpu.memory_space<vmem>> -> memref<32x1024xf32, #tpu.memory_space<vmem>>
    %dma_wait3A_1156 = tpu.memref_reshape %arg2 : memref<4x4096x1024xf32, #tpu.memory_space<hbm>> -> memref<16384x1024xf32, #tpu.memory_space<hbm>>
    %dma_wait3A_1157 = arith.constant 0 : i32
    %dma_wait3A_1158 = tpu.memref_slice %dma_wait3A_1156[%add3A_1057, %dma_wait3A_1157] : memref<16384x1024xf32, #tpu.memory_space<hbm>> -> memref<32x1024xf32, #tpu.memory_space<hbm>>
    tpu.wait_dma2 semaphore(%arg7 : memref<!tpu.dma_semaphore, #tpu.memory_space<semaphore_mem>>) src(%dma_wait3A_1158 : memref<32x1024xf32, #tpu.memory_space<hbm>>) dst(%dma_wait3A_1155 : memref<32x1024xf32, #tpu.memory_space<vmem>>)
    %parallel_loop3A_1159 = arith.constant 0 : i32
    %parallel_loop3A_1160 = arith.constant 2048 : i32
    %parallel_loop3A_1161 = arith.constant 1 : i32
    scf.for %parallel_loop3A_1248 = %parallel_loop3A_1159 to %parallel_loop3A_1160 step %parallel_loop3A_1161  : i32 {
      %parallel_loop3A_1249 = arith.constant 64 : i32
      %parallel_loop3A_1250 = arith.divsi %parallel_loop3A_1248, %parallel_loop3A_1249 : i32
      %parallel_loop3A_1251 = arith.constant 0 : i32
      %parallel_loop3A_1252 = arith.cmpi sgt, %parallel_loop3A_1248, %parallel_loop3A_1251 : i32
      %parallel_loop3A_1253 = arith.extui %parallel_loop3A_1252 : i1 to i32
      %parallel_loop3A_1254 = arith.constant 0 : i32
      %parallel_loop3A_1255 = arith.cmpi slt, %parallel_loop3A_1248, %parallel_loop3A_1254 : i32
      %parallel_loop3A_1256 = arith.extui %parallel_loop3A_1255 : i1 to i32
      %parallel_loop3A_1257 = arith.subi %parallel_loop3A_1253, %parallel_loop3A_1256 : i32
      %parallel_loop3A_1258 = arith.constant 0 : i32
      %parallel_loop3A_1259 = arith.cmpi sgt, %parallel_loop3A_1249, %parallel_loop3A_1258 : i32
      %parallel_loop3A_1260 = arith.extui %parallel_loop3A_1259 : i1 to i32
      %parallel_loop3A_1261 = arith.constant 0 : i32
      %parallel_loop3A_1262 = arith.cmpi slt, %parallel_loop3A_1249, %parallel_loop3A_1261 : i32
      %parallel_loop3A_1263 = arith.extui %parallel_loop3A_1262 : i1 to i32
      %parallel_loop3A_1264 = arith.subi %parallel_loop3A_1260, %parallel_loop3A_1263 : i32
      %parallel_loop3A_1265 = arith.cmpi ne, %parallel_loop3A_1257, %parallel_loop3A_1264 : i32
      %parallel_loop3A_1266 = arith.remsi %parallel_loop3A_1248, %parallel_loop3A_1249 : i32
      %parallel_loop3A_1267 = arith.constant 0 : i32
      %parallel_loop3A_1268 = arith.cmpi ne, %parallel_loop3A_1266, %parallel_loop3A_1267 : i32
      %parallel_loop3A_1269 = arith.andi %parallel_loop3A_1265, %parallel_loop3A_1268 : i1
      %parallel_loop3A_1270 = arith.constant 1 : i32
      %parallel_loop3A_1271 = arith.subi %parallel_loop3A_1250, %parallel_loop3A_1270 : i32
      %parallel_loop3A_1272 = arith.select %parallel_loop3A_1269, %parallel_loop3A_1271, %parallel_loop3A_1250 : i32
      %parallel_loop3A_1273 = arith.constant 64 : i32
      %parallel_loop3A_1274 = arith.remsi %parallel_loop3A_1248, %parallel_loop3A_1273 : i32
      %parallel_loop3A_1275 = arith.constant 16 : i32
      %parallel_loop3A_1276 = arith.muli %parallel_loop3A_1274, %parallel_loop3A_1275 : i32
      %parallel_loop3A_1277 = arith.constant 0 : i32
      %parallel_loop3A_1278 = arith.index_cast %parallel_loop3A_1277 : i32 to index
      %parallel_loop3A_1279 = arith.index_cast %parallel_loop3A_1272 : i32 to index
      %parallel_loop3A_1280 = arith.index_cast %parallel_loop3A_1276 : i32 to index
      %parallel_loop3A_1281 = tpu.vector_load %arg6[%parallel_loop3A_1278, %parallel_loop3A_1279, %parallel_loop3A_1280] {strides = array<i32>} : memref<1x32x1024xf32, #tpu.memory_space<vmem>>, vector<1x1x16xf32>,
      %parallel_loop3A_1282 = vector.shape_cast %parallel_loop3A_1281 : vector<1x1x16xf32> to vector<16xf32>
      %parallel_loop3A_1283 = arith.constant 0 : i32
      %parallel_loop3A_1284 = arith.index_cast %parallel_loop3A_1283 : i32 to index
      %parallel_loop3A_1285 = arith.index_cast %parallel_loop3A_1272 : i32 to index
      %parallel_loop3A_1286 = arith.index_cast %parallel_loop3A_1276 : i32 to index
      %parallel_loop3A_1287 = tpu.vector_load %arg5[%parallel_loop3A_1284, %parallel_loop3A_1285, %parallel_loop3A_1286] {strides = array<i32>} : memref<2x32x1024xf32, #tpu.memory_space<vmem>>, vector<1x1x16xf32>,
      %parallel_loop3A_1288 = vector.shape_cast %parallel_loop3A_1287 : vector<1x1x16xf32> to vector<16xf32>
      %parallel_loop3A_1289 = vector.shape_cast %parallel_loop3A_1282 : vector<16xf32> to vector<1x1x16xf32>
      tpu.vector_store %arg5[%parallel_loop3A_1284, %parallel_loop3A_1285, %parallel_loop3A_1286], %parallel_loop3A_1289 {add = true, strides = array<i32>} : memref<2x32x1024xf32, #tpu.memory_space<vmem>>, vector<1x1x16xf32>,
    } {sc.loop_unroll_factor = 8 : i64, sc.parallel_access}
    %add3A_1162 = arith.constant 8192 : i32
    %add3A_1163 = arith.addi %add3A_1162, %mul3A_2 : i32
    %add3A_1164 = arith.constant 96 : i32
    %add3A_1165 = arith.addi %add3A_1163, %add3A_1164 : i32
    %dma_start3A_1166 = arith.constant 0 : i32
    %dma_start3A_1167 = arith.constant 0 : i32
    %dma_start3A_1168 = arith.constant 0 : i32
    %dma_start3A_1169 = tpu.memref_slice %arg5[%dma_start3A_1166, %dma_start3A_1167, %dma_start3A_1168] : memref<2x32x1024xf32, #tpu.memory_space<vmem>> -> memref<1x32x1024xf32, #tpu.memory_space<vmem>>
    %dma_start3A_1170 = tpu.memref_squeeze %dma_start3A_1169 : memref<1x32x1024xf32, #tpu.memory_space<vmem>> -> memref<32x1024xf32, #tpu.memory_space<vmem>>
    %dma_start3A_1171 = tpu.memref_reshape %arg4 : memref<4x4096x1024xf32, #tpu.memory_space<hbm>> -> memref<16384x1024xf32, #tpu.memory_space<hbm>>
    %dma_start3A_1172 = arith.constant 0 : i32
    %dma_start3A_1173 = tpu.memref_slice %dma_start3A_1171[%add3A_1165, %dma_start3A_1172] : memref<16384x1024xf32, #tpu.memory_space<hbm>> -> memref<32x1024xf32, #tpu.memory_space<hbm>>
    %dma_start3A_1174 = tpu.memref_reshape %arg4 : memref<4x4096x1024xf32, #tpu.memory_space<hbm>> -> memref<16384x1024xf32, #tpu.memory_space<hbm>>
    %dma_start3A_1175 = arith.constant 0 : i32
    %dma_start3A_1176 = tpu.memref_slice %dma_start3A_1174[%add3A_1165, %dma_start3A_1175] : memref<16384x1024xf32, #tpu.memory_space<hbm>> -> memref<32x1024xf32, #tpu.memory_space<hbm>>
    %dma_start3A_1177 = arith.constant 0 : i32
    %dma_start3A_1178 = arith.constant 0 : i32
    %dma_start3A_1179 = tpu.memref_slice %arg5[%dma_start3A_1166, %dma_start3A_1177, %dma_start3A_1178] : memref<2x32x1024xf32, #tpu.memory_space<vmem>> -> memref<1x32x1024xf32, #tpu.memory_space<vmem>>
    %dma_start3A_1180 = tpu.memref_squeeze %dma_start3A_1179 : memref<1x32x1024xf32, #tpu.memory_space<vmem>> -> memref<32x1024xf32, #tpu.memory_space<vmem>>
    tpu.enqueue_dma source(%dma_start3A_1180 : memref<32x1024xf32, #tpu.memory_space<vmem>>) target(%dma_start3A_1176 : memref<32x1024xf32, #tpu.memory_space<hbm>>) target_semaphore(%arg11 : memref<!tpu.dma_semaphore, #tpu.memory_space<semaphore_mem>>)
    %dma_wait3A_1181 = arith.constant 1 : i32
    %dma_wait3A_1182 = arith.constant 0 : i32
    %dma_wait3A_1183 = arith.constant 0 : i32
    %dma_wait3A_1184 = tpu.memref_slice %arg5[%dma_wait3A_1181, %dma_wait3A_1182, %dma_wait3A_1183] : memref<2x32x1024xf32, #tpu.memory_space<vmem>> -> memref<1x32x1024xf32, #tpu.memory_space<vmem>>
    %dma_wait3A_1185 = tpu.memref_squeeze %dma_wait3A_1184 : memref<1x32x1024xf32, #tpu.memory_space<vmem>> -> memref<32x1024xf32, #tpu.memory_space<vmem>>
    %dma_wait3A_1186 = tpu.memref_reshape %arg2 : memref<4x4096x1024xf32, #tpu.memory_space<hbm>> -> memref<16384x1024xf32, #tpu.memory_space<hbm>>
    %dma_wait3A_1187 = arith.constant 0 : i32
    %dma_wait3A_1188 = tpu.memref_slice %dma_wait3A_1186[%add3A_1128, %dma_wait3A_1187] : memref<16384x1024xf32, #tpu.memory_space<hbm>> -> memref<32x1024xf32, #tpu.memory_space<hbm>>
    %dma_wait3A_1189 = arith.constant 0 : i32
    %dma_wait3A_1190 = arith.constant 0 : i32
    %dma_wait3A_1191 = tpu.memref_slice %arg5[%dma_wait3A_1181, %dma_wait3A_1189, %dma_wait3A_1190] : memref<2x32x1024xf32, #tpu.memory_space<vmem>> -> memref<1x32x1024xf32, #tpu.memory_space<vmem>>
    %dma_wait3A_1192 = tpu.memref_squeeze %dma_wait3A_1191 : memref<1x32x1024xf32, #tpu.memory_space<vmem>> -> memref<32x1024xf32, #tpu.memory_space<vmem>>
    %dma_wait3A_1193 = tpu.memref_reshape %arg2 : memref<4x4096x1024xf32, #tpu.memory_space<hbm>> -> memref<16384x1024xf32, #tpu.memory_space<hbm>>
    %dma_wait3A_1194 = arith.constant 0 : i32
    %dma_wait3A_1195 = tpu.memref_slice %dma_wait3A_1193[%add3A_1128, %dma_wait3A_1194] : memref<16384x1024xf32, #tpu.memory_space<hbm>> -> memref<32x1024xf32, #tpu.memory_space<hbm>>
    tpu.wait_dma2 semaphore(%arg8 : memref<!tpu.dma_semaphore, #tpu.memory_space<semaphore_mem>>) src(%dma_wait3A_1195 : memref<32x1024xf32, #tpu.memory_space<hbm>>) dst(%dma_wait3A_1192 : memref<32x1024xf32, #tpu.memory_space<vmem>>)
    %parallel_loop3A_1196 = arith.constant 0 : i32
    %parallel_loop3A_1197 = arith.constant 2048 : i32
    %parallel_loop3A_1198 = arith.constant 1 : i32
    scf.for %parallel_loop3A_1248 = %parallel_loop3A_1196 to %parallel_loop3A_1197 step %parallel_loop3A_1198  : i32 {
      %parallel_loop3A_1249 = arith.constant 64 : i32
      %parallel_loop3A_1250 = arith.divsi %parallel_loop3A_1248, %parallel_loop3A_1249 : i32
      %parallel_loop3A_1251 = arith.constant 0 : i32
      %parallel_loop3A_1252 = arith.cmpi sgt, %parallel_loop3A_1248, %parallel_loop3A_1251 : i32
      %parallel_loop3A_1253 = arith.extui %parallel_loop3A_1252 : i1 to i32
      %parallel_loop3A_1254 = arith.constant 0 : i32
      %parallel_loop3A_1255 = arith.cmpi slt, %parallel_loop3A_1248, %parallel_loop3A_1254 : i32
      %parallel_loop3A_1256 = arith.extui %parallel_loop3A_1255 : i1 to i32
      %parallel_loop3A_1257 = arith.subi %parallel_loop3A_1253, %parallel_loop3A_1256 : i32
      %parallel_loop3A_1258 = arith.constant 0 : i32
      %parallel_loop3A_1259 = arith.cmpi sgt, %parallel_loop3A_1249, %parallel_loop3A_1258 : i32
      %parallel_loop3A_1260 = arith.extui %parallel_loop3A_1259 : i1 to i32
      %parallel_loop3A_1261 = arith.constant 0 : i32
      %parallel_loop3A_1262 = arith.cmpi slt, %parallel_loop3A_1249, %parallel_loop3A_1261 : i32
      %parallel_loop3A_1263 = arith.extui %parallel_loop3A_1262 : i1 to i32
      %parallel_loop3A_1264 = arith.subi %parallel_loop3A_1260, %parallel_loop3A_1263 : i32
      %parallel_loop3A_1265 = arith.cmpi ne, %parallel_loop3A_1257, %parallel_loop3A_1264 : i32
      %parallel_loop3A_1266 = arith.remsi %parallel_loop3A_1248, %parallel_loop3A_1249 : i32
      %parallel_loop3A_1267 = arith.constant 0 : i32
      %parallel_loop3A_1268 = arith.cmpi ne, %parallel_loop3A_1266, %parallel_loop3A_1267 : i32
      %parallel_loop3A_1269 = arith.andi %parallel_loop3A_1265, %parallel_loop3A_1268 : i1
      %parallel_loop3A_1270 = arith.constant 1 : i32
      %parallel_loop3A_1271 = arith.subi %parallel_loop3A_1250, %parallel_loop3A_1270 : i32
      %parallel_loop3A_1272 = arith.select %parallel_loop3A_1269, %parallel_loop3A_1271, %parallel_loop3A_1250 : i32
      %parallel_loop3A_1273 = arith.constant 64 : i32
      %parallel_loop3A_1274 = arith.remsi %parallel_loop3A_1248, %parallel_loop3A_1273 : i32
      %parallel_loop3A_1275 = arith.constant 16 : i32
      %parallel_loop3A_1276 = arith.muli %parallel_loop3A_1274, %parallel_loop3A_1275 : i32
      %parallel_loop3A_1277 = arith.constant 0 : i32
      %parallel_loop3A_1278 = arith.index_cast %parallel_loop3A_1277 : i32 to index
      %parallel_loop3A_1279 = arith.index_cast %parallel_loop3A_1272 : i32 to index
      %parallel_loop3A_1280 = arith.index_cast %parallel_loop3A_1276 : i32 to index
      %parallel_loop3A_1281 = tpu.vector_load %arg6[%parallel_loop3A_1278, %parallel_loop3A_1279, %parallel_loop3A_1280] {strides = array<i32>} : memref<1x32x1024xf32, #tpu.memory_space<vmem>>, vector<1x1x16xf32>,
      %parallel_loop3A_1282 = vector.shape_cast %parallel_loop3A_1281 : vector<1x1x16xf32> to vector<16xf32>
      %parallel_loop3A_1283 = arith.constant 1 : i32
      %parallel_loop3A_1284 = arith.index_cast %parallel_loop3A_1283 : i32 to index
      %parallel_loop3A_1285 = arith.index_cast %parallel_loop3A_1272 : i32 to index
      %parallel_loop3A_1286 = arith.index_cast %parallel_loop3A_1276 : i32 to index
      %parallel_loop3A_1287 = tpu.vector_load %arg5[%parallel_loop3A_1284, %parallel_loop3A_1285, %parallel_loop3A_1286] {strides = array<i32>} : memref<2x32x1024xf32, #tpu.memory_space<vmem>>, vector<1x1x16xf32>,
      %parallel_loop3A_1288 = vector.shape_cast %parallel_loop3A_1287 : vector<1x1x16xf32> to vector<16xf32>
      %parallel_loop3A_1289 = vector.shape_cast %parallel_loop3A_1282 : vector<16xf32> to vector<1x1x16xf32>
      tpu.vector_store %arg5[%parallel_loop3A_1284, %parallel_loop3A_1285, %parallel_loop3A_1286], %parallel_loop3A_1289 {add = true, strides = array<i32>} : memref<2x32x1024xf32, #tpu.memory_space<vmem>>, vector<1x1x16xf32>,
    } {sc.loop_unroll_factor = 8 : i64, sc.parallel_access}
    %add3A_1199 = arith.constant 12288 : i32
    %add3A_1200 = arith.addi %add3A_1199, %mul3A_2 : i32
    %add3A_1201 = arith.constant 96 : i32
    %add3A_1202 = arith.addi %add3A_1200, %add3A_1201 : i32
    %dma_start3A_1203 = arith.constant 1 : i32
    %dma_start3A_1204 = arith.constant 0 : i32
    %dma_start3A_1205 = arith.constant 0 : i32
    %dma_start3A_1206 = tpu.memref_slice %arg5[%dma_start3A_1203, %dma_start3A_1204, %dma_start3A_1205] : memref<2x32x1024xf32, #tpu.memory_space<vmem>> -> memref<1x32x1024xf32, #tpu.memory_space<vmem>>
    %dma_start3A_1207 = tpu.memref_squeeze %dma_start3A_1206 : memref<1x32x1024xf32, #tpu.memory_space<vmem>> -> memref<32x1024xf32, #tpu.memory_space<vmem>>
    %dma_start3A_1208 = tpu.memref_reshape %arg4 : memref<4x4096x1024xf32, #tpu.memory_space<hbm>> -> memref<16384x1024xf32, #tpu.memory_space<hbm>>
    %dma_start3A_1209 = arith.constant 0 : i32
    %dma_start3A_1210 = tpu.memref_slice %dma_start3A_1208[%add3A_1202, %dma_start3A_1209] : memref<16384x1024xf32, #tpu.memory_space<hbm>> -> memref<32x1024xf32, #tpu.memory_space<hbm>>
    %dma_start3A_1211 = tpu.memref_reshape %arg4 : memref<4x4096x1024xf32, #tpu.memory_space<hbm>> -> memref<16384x1024xf32, #tpu.memory_space<hbm>>
    %dma_start3A_1212 = arith.constant 0 : i32
    %dma_start3A_1213 = tpu.memref_slice %dma_start3A_1211[%add3A_1202, %dma_start3A_1212] : memref<16384x1024xf32, #tpu.memory_space<hbm>> -> memref<32x1024xf32, #tpu.memory_space<hbm>>
    %dma_start3A_1214 = arith.constant 0 : i32
    %dma_start3A_1215 = arith.constant 0 : i32
    %dma_start3A_1216 = tpu.memref_slice %arg5[%dma_start3A_1203, %dma_start3A_1214, %dma_start3A_1215] : memref<2x32x1024xf32, #tpu.memory_space<vmem>> -> memref<1x32x1024xf32, #tpu.memory_space<vmem>>
    %dma_start3A_1217 = tpu.memref_squeeze %dma_start3A_1216 : memref<1x32x1024xf32, #tpu.memory_space<vmem>> -> memref<32x1024xf32, #tpu.memory_space<vmem>>
    tpu.enqueue_dma source(%dma_start3A_1217 : memref<32x1024xf32, #tpu.memory_space<vmem>>) target(%dma_start3A_1213 : memref<32x1024xf32, #tpu.memory_space<hbm>>) target_semaphore(%arg12 : memref<!tpu.dma_semaphore, #tpu.memory_space<semaphore_mem>>)
    %dma_wait3A_1218 = arith.constant 0 : i32
    %dma_wait3A_1219 = arith.constant 0 : i32
    %dma_wait3A_1220 = arith.constant 0 : i32
    %dma_wait3A_1221 = tpu.memref_slice %arg5[%dma_wait3A_1218, %dma_wait3A_1219, %dma_wait3A_1220] : memref<2x32x1024xf32, #tpu.memory_space<vmem>> -> memref<1x32x1024xf32, #tpu.memory_space<vmem>>
    %dma_wait3A_1222 = tpu.memref_squeeze %dma_wait3A_1221 : memref<1x32x1024xf32, #tpu.memory_space<vmem>> -> memref<32x1024xf32, #tpu.memory_space<vmem>>
    %dma_wait3A_1223 = tpu.memref_reshape %arg4 : memref<4x4096x1024xf32, #tpu.memory_space<hbm>> -> memref<16384x1024xf32, #tpu.memory_space<hbm>>
    %dma_wait3A_1224 = arith.constant 0 : i32
    %dma_wait3A_1225 = tpu.memref_slice %dma_wait3A_1223[%add3A_1165, %dma_wait3A_1224] : memref<16384x1024xf32, #tpu.memory_space<hbm>> -> memref<32x1024xf32, #tpu.memory_space<hbm>>
    %dma_wait3A_1226 = tpu.memref_reshape %arg4 : memref<4x4096x1024xf32, #tpu.memory_space<hbm>> -> memref<16384x1024xf32, #tpu.memory_space<hbm>>
    %dma_wait3A_1227 = arith.constant 0 : i32
    %dma_wait3A_1228 = tpu.memref_slice %dma_wait3A_1226[%add3A_1165, %dma_wait3A_1227] : memref<16384x1024xf32, #tpu.memory_space<hbm>> -> memref<32x1024xf32, #tpu.memory_space<hbm>>
    %dma_wait3A_1229 = arith.constant 0 : i32
    %dma_wait3A_1230 = arith.constant 0 : i32
    %dma_wait3A_1231 = tpu.memref_slice %arg5[%dma_wait3A_1218, %dma_wait3A_1229, %dma_wait3A_1230] : memref<2x32x1024xf32, #tpu.memory_space<vmem>> -> memref<1x32x1024xf32, #tpu.memory_space<vmem>>
    %dma_wait3A_1232 = tpu.memref_squeeze %dma_wait3A_1231 : memref<1x32x1024xf32, #tpu.memory_space<vmem>> -> memref<32x1024xf32, #tpu.memory_space<vmem>>
    tpu.wait_dma2 semaphore(%arg11 : memref<!tpu.dma_semaphore, #tpu.memory_space<semaphore_mem>>) src(%dma_wait3A_1232 : memref<32x1024xf32, #tpu.memory_space<vmem>>) dst(%dma_wait3A_1228 : memref<32x1024xf32, #tpu.memory_space<hbm>>)
    %dma_wait3A_1233 = arith.constant 1 : i32
    %dma_wait3A_1234 = arith.constant 0 : i32
    %dma_wait3A_1235 = arith.constant 0 : i32
    %dma_wait3A_1236 = tpu.memref_slice %arg5[%dma_wait3A_1233, %dma_wait3A_1234, %dma_wait3A_1235] : memref<2x32x1024xf32, #tpu.memory_space<vmem>> -> memref<1x32x1024xf32, #tpu.memory_space<vmem>>
    %dma_wait3A_1237 = tpu.memref_squeeze %dma_wait3A_1236 : memref<1x32x1024xf32, #tpu.memory_space<vmem>> -> memref<32x1024xf32, #tpu.memory_space<vmem>>
    %dma_wait3A_1238 = tpu.memref_reshape %arg4 : memref<4x4096x1024xf32, #tpu.memory_space<hbm>> -> memref<16384x1024xf32, #tpu.memory_space<hbm>>
    %dma_wait3A_1239 = arith.constant 0 : i32
    %dma_wait3A_1240 = tpu.memref_slice %dma_wait3A_1238[%add3A_1202, %dma_wait3A_1239] : memref<16384x1024xf32, #tpu.memory_space<hbm>> -> memref<32x1024xf32, #tpu.memory_space<hbm>>
    %dma_wait3A_1241 = tpu.memref_reshape %arg4 : memref<4x4096x1024xf32, #tpu.memory_space<hbm>> -> memref<16384x1024xf32, #tpu.memory_space<hbm>>
    %dma_wait3A_1242 = arith.constant 0 : i32
    %dma_wait3A_1243 = tpu.memref_slice %dma_wait3A_1241[%add3A_1202, %dma_wait3A_1242] : memref<16384x1024xf32, #tpu.memory_space<hbm>> -> memref<32x1024xf32, #tpu.memory_space<hbm>>
    %dma_wait3A_1244 = arith.constant 0 : i32
    %dma_wait3A_1245 = arith.constant 0 : i32
    %dma_wait3A_1246 = tpu.memref_slice %arg5[%dma_wait3A_1233, %dma_wait3A_1244, %dma_wait3A_1245] : memref<2x32x1024xf32, #tpu.memory_space<vmem>> -> memref<1x32x1024xf32, #tpu.memory_space<vmem>>
    %dma_wait3A_1247 = tpu.memref_squeeze %dma_wait3A_1246 : memref<1x32x1024xf32, #tpu.memory_space<vmem>> -> memref<32x1024xf32, #tpu.memory_space<vmem>>
    tpu.wait_dma2 semaphore(%arg12 : memref<!tpu.dma_semaphore, #tpu.memory_space<semaphore_mem>>) src(%dma_wait3A_1247 : memref<32x1024xf32, #tpu.memory_space<vmem>>) dst(%dma_wait3A_1243 : memref<32x1024xf32, #tpu.memory_space<hbm>>)
    return
  }
}

</mosaic_0001>

<sc_bundles>
// kernel: kernel.3.cloned.1.call-start
scs
__scs_entry_jumppad:
0x0: {  	(pc) =	sbr.rel $0x88, $3  }
0x1: {  	(tag) =	ssettag $0x0;
	lr =	simm.s32 $0x1  }
0x2: {  	[smem:$0x3F9F] =	sst lr;
	_ =	strace $0xD0000000  }
0x3: {  	_ = 	snop  }
0x4: {  	_ = 	snop  }
0x5: {  	_ = 	snop  }
0x6: {  	_ = 	snop  }
0x7: {  	_ = 	snop  }
__scs_overlays_trampoline_lowered:
0x8: {  	[smem:$0x3FAE] =	sst s0  }
0x9: {  	[smem:$0x3FAF] =	sst s1  }
0xa: {  	[smem:$0x3FB0] =	sst s2  }
0xb: {  	[smem:$0x3FB1] =	sst s3  }
0xc: {  	[smem:$0x3FB2] =	sst s4  }
0xd: {  	[smem:$0x3FB3] =	sst s5  }
0xe: {  	[smem:$0x3FB4] =	sst s6  }
0xf: {  	[smem:$0x3FB5] =	sst s7  }
0x10: {  	[smem:$0x3FB6] =	sst s8  }
0x11: {  	[smem:$0x3FB7] =	sst s9;
	s0 =	simm.s32 @!p0 $0x0  }
0x12: {  	s1 =	sld [smem:$0x3F9D];
	s0 =	simm.s32 @p0 $0x1  }
0x13: {  	[smem:$0x3FB8] =	sst s0;
	s0 =	simm.s32 @!p1 $0x0  }
0x14: {  	s2 =	sld [smem:$0x3F9C];
	s0 =	simm.s32 @p1 $0x1  }
0x15: {  	[smem:$0x3FB9] =	sst s0;
	s0 =	simm.s32 @!p2 $0x0  }
0x16: {  	s3 =	sld [smem:$0x3FDB];
	s0 =	simm.s32 @p2 $0x1  }
0x17: {  	s4 =	simm.s32 $0x1BF5;
	[smem:$0x3FBB] =	sst s0  }
0x18: {  	s0 =	sld [smem:$0x3F9E];
	_ =	swait.ge [sflag:s4], $0x0  }
0x19: {  	s7 =	sld [smem:$0x3F9F]  }
0x1a: {  	s8 =	sadd.s32 $0xFFFFE003, lr  }
0x1b: {  	s9 =	sadd.s32 $0xFFFFFEF7, lr;
	s5 =	simm.s32 $0xFFFFFFFF;
	p2 =	slt.u32 s8, $0xFFFFF086  }
0x1c: {  	p1 =	slt.u32 s9, $0xF7A;
	s5 =	simm.s32 @!p2 $0x0  }
0x1d: {  	s5 =	simm.s32 @p1 $0x1;
	p0 =	seq.s32 s7, s2  }
0x1e: {  	s7 =	smul.u32 @!p0 $0xF7A, s2;
	p2 =	seq.s32 @!p0 s5, $0x0  }
0x1f: {  	s9 =	smul.u32 $0xF7A, s1;
	s8 =	simm.s32 @!p0 $0x1BF5;
	p2 =	por !p2, p0  }
0x20: {  	[sflag:s8] =	ssyncset.s32 @!p0 $0xFFFFF086;
	s6 =	sadd.s32 @!p0 s3, s7;
	s7 =	simm.s32 @!p0 $0x108  }
0x21: {  	s3 =	sadd.s32 s3, s9;
	s6 =	sadd.s32 @!p0 $0x88, s6;
	s7 =	simm.s32 @p2 $0x1082  }
0x22: {  	[simem:s7], [sflag:s8] =	dma.local @!p0 [hbm:s6], $0xF7A  }
0x23: {  	s9 =	sor.u32 $0xD0000000, s2;
	s6 =	simm.s32 $0x108;
	_ =	swait.ge @!p0 [sflag:s8], $0x0  }
0x24: {  	s3 =	sadd.s32 $0x88, s3;
	s6 =	simm.s32 @!p1 $0x1082;
	[sflag:s4] =	ssyncset.s32 $0xFFFFF086  }
0x25: {  	[simem:s6], [sflag:s4] =	dma.local [hbm:s3], $0xF7A  }
0x26: {  	[smem:$0x3F9F] =	sst s1;
	(tag) =	ssettag s2;
	_ =	strace s9  }
0x27: {  	s1 =	sld [smem:$0x3FAF]  }
0x28: {  	s2 =	sld [smem:$0x3FB0]  }
0x29: {  	s4 =	sld [smem:$0x3FB2]  }
0x2a: {  	p0 =	seq.s32 s5, $0x0;
	s5 =	sld [smem:$0x3FB3]  }
0x2b: {  	s6 =	sld [smem:$0x3FB4]  }
0x2c: {  	s7 =	sld [smem:$0x3FB5]  }
0x2d: {  	s3 =	simm.s32 $0x108;
	s8 =	sld [smem:$0x3FB6]  }
0x2e: {  	s3 =	simm.s32 @!p0 $0x1082;
	s9 =	sld [smem:$0x3FB7]  }
0x2f: {  	lr =	sadd.s32 s0, s3;
	s0 =	sld [smem:$0x3FAE]  }
0x30: {  	s3 =	sld [smem:$0x3FB1]  }
0x31: {  	[smem:$0x3FBA] =	sst s10  }
0x32: {  	s10 =	sld [smem:$0x3FB8];
	_ =	sdelay $0x3  }
0x33: {  	p0 =	seq.s32 s10, $0x1;
	s10 =	sld [smem:$0x3FBA];
	_ =	sdelay $0x3  }
0x34: {  	[smem:$0x3FBA] =	sst s10  }
0x35: {  	s10 =	sld [smem:$0x3FB9];
	_ =	sdelay $0x3  }
0x36: {  	p1 =	seq.s32 s10, $0x1;
	s10 =	sld [smem:$0x3FBA];
	_ =	sdelay $0x3  }
0x37: {  	[smem:$0x3FBA] =	sst s10  }
0x38: {  	s10 =	sld [smem:$0x3FBB]  }
0x39: {  	_ = 	snop;
	(pc) =	sbr.ind lr, $3  }
0x3a: {  	_ = 	snop  }
0x3b: {  	_ = 	snop  }
0x3c: {  	p2 =	seq.s32 s10, $0x1;
	s10 =	sld [smem:$0x3FBA]  }
0x3d: {  	_ =	shalt  }
0x3e: {  	_ =	shalt  }
0x3f: {  	_ =	shalt  }
0x40: {  	_ =	shalt  }
0x41: {  	_ =	shalt  }
0x42: {  	_ =	shalt  }
0x43: {  	_ =	shalt  }
0x44: {  	_ =	shalt  }
0x45: {  	_ =	shalt  }
0x46: {  	_ =	shalt  }
0x47: {  	_ =	shalt  }
0x48: {  	_ =	shalt  }
0x49: {  	_ =	shalt  }
0x4a: {  	_ =	shalt  }
0x4b: {  	_ =	shalt  }
0x4c: {  	_ =	shalt  }
0x4d: {  	_ =	shalt  }
0x4e: {  	_ =	shalt  }
0x4f: {  	_ =	shalt  }
0x50: {  	_ =	shalt  }
0x51: {  	_ =	shalt  }
0x52: {  	_ =	shalt  }
0x53: {  	_ =	shalt  }
0x54: {  	_ =	shalt  }
0x55: {  	_ =	shalt  }
0x56: {  	_ =	shalt  }
0x57: {  	_ =	shalt  }
0x58: {  	_ =	shalt  }
0x59: {  	_ =	shalt  }
0x5a: {  	_ =	shalt  }
0x5b: {  	_ =	shalt  }
0x5c: {  	_ =	shalt  }
0x5d: {  	_ =	shalt  }
0x5e: {  	_ =	shalt  }
0x5f: {  	_ =	shalt  }
0x60: {  	_ =	shalt  }
0x61: {  	_ =	shalt  }
0x62: {  	_ =	shalt  }
0x63: {  	_ =	shalt  }
0x64: {  	_ =	shalt  }
0x65: {  	_ =	shalt  }
0x66: {  	_ =	shalt  }
0x67: {  	_ =	shalt  }
0x68: {  	_ =	shalt  }
0x69: {  	_ =	shalt  }
0x6a: {  	_ =	shalt  }
0x6b: {  	_ =	shalt  }
0x6c: {  	_ =	shalt  }
0x6d: {  	_ =	shalt  }
0x6e: {  	_ =	shalt  }
0x6f: {  	_ =	shalt  }
0x70: {  	_ =	shalt  }
0x71: {  	_ =	shalt  }
0x72: {  	_ =	shalt  }
0x73: {  	_ =	shalt  }
0x74: {  	_ =	shalt  }
0x75: {  	_ =	shalt  }
0x76: {  	_ =	shalt  }
0x77: {  	_ =	shalt  }
0x78: {  	_ =	shalt  }
0x79: {  	_ =	shalt  }
0x7a: {  	_ =	shalt  }
0x7b: {  	_ =	shalt  }
0x7c: {  	_ =	shalt  }
0x7d: {  	_ =	shalt  }
0x7e: {  	_ =	shalt  }
0x7f: {  	_ =	shalt  }
0x80: {  	_ =	shalt  }
0x81: {  	_ =	shalt  }
0x82: {  	_ =	shalt  }
0x83: {  	_ =	shalt  }
0x84: {  	_ =	shalt  }
0x85: {  	_ =	shalt  }
0x86: {  	_ =	shalt  }
0x87: {  	_ =	shalt  }
.Lfunc_end0:
.L_simem_size_0:
called_computation_lowered:
.L_overlay_start_0:
0x88: {  	s2 =	sld [smem:$0x3FD9]  }
0x89: {  	s3 =	sld [smem:$0x3FFE];
	_ =	sdelay $0x1  }
0x8a: {  	s1 =	srdreg.scid  }
0x8b: {  	s0 =	sand.u32 $0x1, s1  }
0x8c: {  	s18 =	sshll.u32 s0, $0xA;
	s2 =	sadd.s32 s3, s2  }
0x8d: {  	s2 =	sadd.s32 s2, s18  }
0x8e: {  	[smem:$0x3FC6] =	sst s2  }
0x8f: {  	_ = 	snop  }
0x90: {  	s2 =	sld [smem:$0x3FC9]  }
0x91: {  	s19 =	sld [smem:$0x3FC8]  }
0x92: {  	s4 =	sld [smem:$0x3FD0];
	(tm) =	ssettm $0x1  }
0x93: {  	s5 =	sld [smem:$0x3FFB];
	_ =	sdelay $0x3  }
0x94: {  	_ =	strace s5  }
0x95: {  	s5 =	sld [smem:$0x3FFC];
	_ =	sdelay $0x3  }
0x96: {  	_ =	strace s5  }
0x97: {  	s5 =	sld [smem:$0x3FFD];
	_ =	sdelay $0x3  }
0x98: {  	_ =	strace s5  }
0x99: {  	_ =	strace $0x8FFFFFFF  }
0x9a: {  	s20 =	sld [smem:$0x3FDB];
	_ =	sdelay $0x1  }
0x9b: {  	s6 =	simm.s32 $_scs_section_size  }
0x9c: {  	s7 =	simm.s32 $_size__tile_overlayer_lowered;
	s8 =	simm.s32 $_tile_overlayer_lowered  }
0x9d: {  	s23 =	simm.s32 $0x1BFF;
	s22 =	sshll.u32 s8, $0x1;
	s5 =	sadd.s32 s6, s20  }
0x9e: {  	s9 =	simm.s32 $0x0;
	s21 =	sshll.u32 s7, $0x1;
	s7 =	sadd.s32 s22, s5  }
0x9f: {  	[timem:s9], [sflag:s23] =	dma.local [hbm:s7], s21  }
0xa0: {  	_ =	swait.ge [sflag:s23], s21  }
0xa1: {  	s6 =	ssub.s32 $0x0, s21;
	[sflag:s23] =	ssyncset.done $0x0  }
0xa2: {  	[sflag:s23] =	ssyncadd.s32 s6;
	_ =	sdelay $0x1  }
0xa3: {  	s24 =	simm.s32 $0x1B8B  }
0xa4: {  	_ =	swait.ge [sflag:s24], $0x1  }
0xa5: {  	[sflag:s24] =	ssyncset.done $0x0  }
0xa6: {  	s25 =	simm.s32 $0x1B8E;
	[sflag:s24] =	ssyncadd.s32 $0xFFFFFFFF  }
0xa7: {  	s26 =	simm.s32 $execute0_lowered;
	[smem:$0x3FD2] =	sst s25  }
0xa8: {  	s6 =	sshll.u32 s26, $0x1;
	_ =	strace $0x80000046;
	[dreg:$0x1] =	wrdreg $0xFFFFFFFF  }
0xa9: {  	s28 =	simm.s32 $_size_execute0_lowered;
	s5 =	sadd.s32 s5, s6;
	[dreg:$0x0] =	wrdreg $0x0  }
0xaa: {  	s6 =	sshll.u32 s28, $0x1;
	[dreg:$0x2] =	wrdreg s5  }
0xab: {  	[dreg:$0x3] =	wrdreg s6  }
0xac: {  	[dreg:$0x4] =	wrdreg $0xC0  }
0xad: {  	_ =	task [dreg:s9], $0x5FFFF  }
0xae: {  	[dreg:$0x1] =	wrdreg $0xFFFFFFFF  }
0xaf: {  	[dreg:$0x0] =	wrdreg $0x60  }
0xb0: {  	[dreg:$0x2] =	wrdreg s2  }
0xb1: {  	[dreg:$0x3] =	wrdreg s19  }
0xb2: {  	[dreg:$0x4] =	wrdreg s4  }
0xb3: {  	[dreg:$0x5] =	wrdreg $0x9  }
0xb4: {  	_ =	task.clear_ibuf [dreg:s9], $0x6FFFF;
	_ =	strace $0x90000046  }
0xb5: {  	s29 =	simm.s32 $0x9;
	_ =	strace $0x80000048  }
0xb6: {  	_ =	swait.ge [sflag:s29], $0x1  }
0xb7: {  	[sflag:s29] =	ssyncadd.s32 $0xFFFFFFFF  }
0xb8: {  	_ =	strace $0x90000048  }
0xb9: {  	_ =	sfence  }
0xba: {  	s30 =	sld [smem:$0x0];
	_ =	sdelay $0x2  }
0xbb: {  	s31 =	sshll.u32 s1, $0xD;
	s1 =	sshrl.u32 s1, $0x2  }
0xbc: {  	s3 =	sand.u32 $0x4000, s31;
	s1 =	sadd.s32 s1, s30  }
0xbd: {  	s0 =	sor.u32 s3, s0;
	s1 =	sshll.u32 s1, $0x11  }
0xbe: {  	s0 =	sor.u32 s1, s0  }
0xbf: {  	s0 =	sadd.s32 $0x8F2B, s0  }
0xc0: {  	[sflag:s0] =	ssyncadd.remote.s32 $0x1  }
0xc1: {  	_ =	sfence.sel $0xFFFF  }
0xc2: {  	[dreg:$0x0] =	wrdreg $0xFFFFFFFF;
	(pc) =	sbr.abs _section_cstart, $3  }
0xc3: {  	[dreg:$0x1] =	wrdreg $0xFFFFFFFF  }
0xc4: {  	_ =	task.clear_ibuf [dreg:s9], $0x2FFFF;
	_ =	strace $0x9FFFFFFF  }
0xc5: {  	(tm) =	ssettm $0x7FFFFFFF  }
tec
execute0_lowered:
.L_overlay_start_1:
0x0: {  	(tag) =	ssettag $0x1  }
0x1: {  	s2 =	srdreg.scid  }
0x2: {  	s5 =	rddreg [dreg:$0x0];
	s4 =	stileid.u32;
	s2 =	sand.u32 $0x1, s2  }
0x3: {  	s4 =	sshll.u32 s4, $0xF;
	s3 =	ssub.s32 $0x2, s2;
	s2 =	sshll.u32 s2, $0xE  }
0x4: {  	s0 =	rddreg [dreg:$0x1];
	s4 =	sor.u32 s2, s4  }
0x5: {  	s7 =	rddreg [dreg:$0x2];
	s1 =	simm.s32 $0x0;
	s2 =	sor.u32 $0x80000, s4  }
0x6: {  	[smem:$0x7FF] =	sst s1;
	s16 =	sor.u32 $0x100000, s4;
	s17 =	sadd.s32 s5, s2  }
0x7: {  	s6 =	sshrl.u32 s3, $0x1;
	s18 =	sadd.s32 s5, s16;
	[dreg:$0x4] =	wrdreg s17  }
0x8: {  	s19 =	sor.u32 $0x180000, s4;
	s2 =	sadd.s32 s7, s2;
	[dreg:$0x5] =	wrdreg s18  }
0x9: {  	s8 =	ssub.s32 s3, s6;
	s20 =	sadd.s32 s5, s19;
	[dreg:$0x6] =	wrdreg s2  }
0xa: {  	s21 =	sor.u32 $0x1000, s4;
	s3 =	sadd.s32 s7, s16;
	[dreg:$0x7] =	wrdreg s20  }
0xb: {  	s22 =	sadd.s32 s5, s21;
	[dreg:$0x8] =	wrdreg s3  }
0xc: {  	s25 =	sor.u32 $0x81000, s4;
	s23 =	sadd.s32 s0, s21;
	[dreg:$0x9] =	wrdreg s22  }
0xd: {  	s26 =	sor.u32 $0x101000, s4;
	s24 =	sadd.s32 s7, s19;
	[dreg:$0xa] =	wrdreg s23  }
0xe: {  	s10 =	sor.u32 $0x181000, s4;
	s9 =	sadd.s32 s5, s25;
	[dreg:$0xb] =	wrdreg s24  }
0xf: {  	s11 =	sor.u32 $0x2000, s4;
	s28 =	sadd.s32 s5, s26;
	[dreg:$0xc] =	wrdreg s9  }
0x10: {  	s15 =	sor.u32 $0x82000, s4;
	s12 =	sadd.s32 s5, s10;
	[dreg:$0xe] =	wrdreg s28  }
0x11: {  	s6 =	sadd.s32 s7, s26;
	s13 =	sadd.s32 s5, s11;
	[dreg:$0x10] =	wrdreg s12  }
0x12: {  	s14 =	sadd.s32 s0, s11;
	s16 =	sadd.s32 s5, s15;
	[dreg:$0x11] =	wrdreg s6  }
0x13: {  	s26 =	sor.u32 $0x103000, s4;
	s8 =	smax.u32 s8, $0x1;
	[dreg:$0x12] =	wrdreg s13  }
0x14: {  	s2 =	sadd.s32 s7, s21;
	s9 =	sadd.s32 s7, s25;
	[dreg:$0x13] =	wrdreg s14  }
0x15: {  	s3 =	sadd.s32 s7, s11;
	[dreg:$0x16] =	wrdreg s16;
	s17 =	sor.u32 $0x102000, s4  }
0x16: {  	s20 =	sadd.s32 s0, s4;
	s21 =	sor.u32 $0x182000, s4;
	s22 =	sor.u32 $0x3000, s4  }
0x17: {  	s25 =	sor.u32 $0x83000, s4;
	s28 =	sor.u32 $0x183000, s4;
	s6 =	sadd.s32 s7, s26  }
0x18: {  	s11 =	simm.s32 $0x8000;
	s12 =	simm.s32 $0x1;
	[dreg:$0xd] =	wrdreg s2  }
0x19: {  	s13 =	simm.s32 $0x3;
	s14 =	simm.s32 $0x2;
	[dreg:$0xf] =	wrdreg s9  }
0x1a: {  	s16 =	simm.s32 $0x0;
	s2 =	sadd.s32 s7, s10;
	[dreg:$0x15] =	wrdreg s3  }
0x1b: {  	s18 =	sadd.s32 s5, s17;
	s19 =	sadd.s32 s7, s17;
	[dreg:$0x1a] =	wrdreg s20  }
0x1c: {  	s0 =	sadd.s32 s0, s22;
	s23 =	sadd.s32 s5, s21;
	[dreg:$0x14] =	wrdreg s2  }
0x1d: {  	s24 =	sadd.s32 s7, s21;
	s29 =	sadd.s32 s5, s22;
	[dreg:$0x18] =	wrdreg s18  }
0x1e: {  	s30 =	sadd.s32 s7, s22;
	s31 =	sadd.s32 s5, s25;
	[dreg:$0x19] =	wrdreg s19  }
0x1f: {  	s3 =	sadd.s32 s7, s4;
	s9 =	simm.s32 $0x10000;
	[dreg:$0x1b] =	wrdreg s0  }
0x20: {  	s10 =	simm.s32 $0x5;
	s2 =	sadd.s32 s7, s15;
	[dreg:$0x1c] =	wrdreg s23  }
0x21: {  	[dreg:$0x1d] =	wrdreg s24;
	s0 =	sadd.s32 s7, s25;
	s7 =	sadd.s32 s7, s28  }
0x22: {  	s15 =	simm.s32 $0x4;
	[dreg:$0x17] =	wrdreg s2;
	s2 =	sadd.s32 s5, s4  }
0x23: {  	s4 =	sadd.s32 s5, s26;
	s5 =	sadd.s32 s5, s28;
	_ =	strace $0x80000047  }
.LBB2_1:
0x24: {  	s17 =	rddreg [dreg:$0x1a]  }
0x25: {  	[tilespmem:s9], [sflag:$0x5] =	stream.linear.gather [hbm4b:s17+s1], $0x8000, $0x38;
	[tilespmem:$0x18000] =	vst v63  }
0x26: {  	_ = 	snop  }
0x27: {  	[tilespmem:s1], [sflag:$0x1] =	stream.linear.gather [hbm4b:s2+s1], $0x8000, $0x38;
	[tilespmem:$0x18000] =	vst v63  }
0x28: {  	_ =	swait.ge [sflag:s10], $0x8000  }
0x29: {  	s26 =	simm.s32 $0x0;
	[sflag:s10] =	ssyncset.done $0x0  }
0x2a: {  	s18 =	sand.u32 $0x1C00, s1;
	s25 =	rddreg [dreg:$0x4];
	[sflag:s10] =	ssyncadd.s32 $0xFFFF8000  }
0x2b: {  	[tilespmem:s11], [sflag:$0x2] =	stream.linear.gather [hbm4b:s25+s1], $0x8000, $0x38;
	[tilespmem:$0x18000] =	vst v63  }
0x2c: {  	s19 =	simm.s32 $0x0;
	s17 =	sand.u32 $0x6000, s26;
	_ =	swait.ge [sflag:s12], $0x8000  }
0x2d: {  	s28 =	sand.u32 $0x380, s19;
	s17 =	sor.u32 s18, s17;
	[sflag:s12] =	ssyncset.done $0x0  }
0x2e: {  	s18 =	sor.u32 s28, s17;
	[sflag:s12] =	ssyncadd.s32 $0xFFFF8000  }
0x2f: {  	v0 =	vld [tilespmem:s18+$0x10070]  }
0x30: {  	v5 =	vld [tilespmem:s18+$0x10000]  }
0x31: {  	v6 =	vld [tilespmem:s18+$0x10010]  }
0x32: {  	v4 =	vld [tilespmem:s18+$0x10020]  }
0x33: {  	v1 =	vld [tilespmem:s18+$0x10030]  }
0x34: {  	v3 =	vld [tilespmem:s18+$0x10040]  }
0x35: {  	s17 =	sor.u32 $0x70, s18;
	v2 =	vld [tilespmem:s18+$0x10060]  }
0x36: {  	[tilespmem:s17+$0x0] =	vst.add.f32.msk $0xffff, v0  }
0x37: {  	s24 =	sor.u32 $0x10, s18;
	s23 =	sor.u32 $0x20, s18;
	v0 =	vld [tilespmem:s18+$0x10050]  }
0x38: {  	s22 =	sor.u32 $0x30, s18;
	s21 =	sor.u32 $0x40, s18;
	s20 =	sor.u32 $0x50, s18;
	[tilespmem:s18+$0x0] =	vst.add.f32.msk $0xffff, v5  }
0x39: {  	s19 =	sor.u32 $0x60, s18;
	s17 =	simm.s32 $0x0;
	[tilespmem:s24+$0x0] =	vst.add.f32.msk $0xffff, v6;
	s18 =	simm.s32 $0x0  }
.LBB2_2:
0x3a: {  	s17 =	sadd.s32 $0x8, s17;
	[tilespmem:s23+$0x0] =	vst.add.f32.msk $0xffff, v4  }
0x3b: {  	s18 =	sadd.s32 $0x400, s18;
	s23 =	sshll.u32 s17, $0x4;
	p0 =	slt.u32 s17, $0x7F8;
	[tilespmem:s22+$0x0] =	vst.add.f32.msk $0xffff, v1  }
0x3c: {  	s24 =	sshll.u32 s17, $0x1;
	s22 =	sand.u32 $0x6000, s23;
	s23 =	sand.u32 $0x1C00, s18;
	[tilespmem:s21+$0x0] =	vst.add.f32.msk $0xffff, v3  }
0x3d: {  	s21 =	sor.u32 s23, s22;
	s22 =	sand.u32 $0x380, s24;
	[tilespmem:s20+$0x0] =	vst.add.f32.msk $0xffff, v0  }
0x3e: {  	s24 =	sor.u32 s22, s21;
	[tilespmem:s19+$0x0] =	vst.add.f32.msk $0xffff, v2  }
0x3f: {  	s25 =	sor.u32 $0x10, s24;
	s23 =	sor.u32 $0x20, s24;
	s22 =	sor.u32 $0x30, s24;
	v0 =	vld [tilespmem:s24+$0x10070]  }
0x40: {  	s21 =	sor.u32 $0x40, s24;
	s20 =	sor.u32 $0x50, s24;
	s19 =	sor.u32 $0x60, s24;
	v5 =	vld [tilespmem:s24+$0x10000]  }
0x41: {  	v6 =	vld [tilespmem:s24+$0x10010]  }
0x42: {  	v4 =	vld [tilespmem:s24+$0x10020]  }
0x43: {  	s26 =	sor.u32 $0x70, s24;
	v1 =	vld [tilespmem:s24+$0x10030]  }
0x44: {  	[tilespmem:s26+$0x0] =	vst.add.f32.msk $0xffff, v0  }
.Ltmp0:
0x45: {  	v3 =	vld [tilespmem:s24+$0x10040];
	(pc) =	sbr.rel @p0 .LBB2_2-.Ltmp0, $4  }
0x46: {  	v0 =	vld [tilespmem:s24+$0x10050]  }
0x47: {  	v2 =	vld [tilespmem:s24+$0x10060]  }
0x48: {  	[tilespmem:s24+$0x0] =	vst.add.f32.msk $0xffff, v5  }
0x49: {  	[tilespmem:s25+$0x0] =	vst.add.f32.msk $0xffff, v6  }
0x4a: {  	[tilespmem:s23+$0x0] =	vst.add.f32.msk $0xffff, v4  }
0x4b: {  	[tilespmem:s22+$0x0] =	vst.add.f32.msk $0xffff, v1  }
0x4c: {  	[tilespmem:s21+$0x0] =	vst.add.f32.msk $0xffff, v3  }
0x4d: {  	[tilespmem:s20+$0x0] =	vst.add.f32.msk $0xffff, v0  }
0x4e: {  	s17 =	simm.s32 $0x0;
	[tilespmem:s19+$0x0] =	vst.add.f32.msk $0xffff, v2  }
0x4f: {  	[hbm4b:s3+s17] =	stream.linear.scatter [tilespmem:s17], [sflag:$0x3], $0x8000, $0x38;
	[tilespmem:$0x18000] =	vst v63  }
0x50: {  	_ =	swait.ge [sflag:s13], $0x8000  }
0x51: {  	s24 =	simm.s32 $0x0;
	[sflag:s13] =	ssyncset.done $0x0  }
0x52: {  	s26 =	simm.s32 $0x0;
	s18 =	rddreg [dreg:$0x5];
	[sflag:s13] =	ssyncadd.s32 $0xFFFF8000  }
0x53: {  	[tilespmem:s17], [sflag:$0x1] =	stream.linear.gather [hbm4b:s18+s17], $0x8000, $0x38;
	[tilespmem:$0x18000] =	vst v63  }
0x54: {  	s25 =	sand.u32 $0x1C00, s17;
	s18 =	sand.u32 $0x6000, s24;
	_ =	swait.ge [sflag:s14], $0x8000  }
0x55: {  	s20 =	sand.u32 $0x380, s26;
	s18 =	sor.u32 s25, s18;
	[sflag:s14] =	ssyncset.done $0x0  }
0x56: {  	s20 =	sor.u32 s20, s18;
	[sflag:s14] =	ssyncadd.s32 $0xFFFF8000  }
0x57: {  	v0 =	vld [tilespmem:s20+$0x10070]  }
0x58: {  	v5 =	vld [tilespmem:s20+$0x10000]  }
0x59: {  	v6 =	vld [tilespmem:s20+$0x10010]  }
0x5a: {  	v4 =	vld [tilespmem:s20+$0x10020]  }
0x5b: {  	v1 =	vld [tilespmem:s20+$0x10030]  }
0x5c: {  	v3 =	vld [tilespmem:s20+$0x10040]  }
0x5d: {  	s18 =	sor.u32 $0x8070, s20;
	v2 =	vld [tilespmem:s20+$0x10060]  }
0x5e: {  	[tilespmem:s18+$0x0] =	vst.add.f32.msk $0xffff, v0  }
0x5f: {  	s28 =	sor.u32 $0x8000, s20;
	s24 =	sor.u32 $0x8010, s20;
	v0 =	vld [tilespmem:s20+$0x10050]  }
0x60: {  	s22 =	sor.u32 $0x8020, s20;
	s23 =	sor.u32 $0x8030, s20;
	s21 =	sor.u32 $0x8040, s20;
	[tilespmem:s28+$0x0] =	vst.add.f32.msk $0xffff, v5  }
0x61: {  	s19 =	sor.u32 $0x8050, s20;
	s18 =	simm.s32 $0x0;
	s20 =	sor.u32 $0x8060, s20;
	[tilespmem:s24+$0x0] =	vst.add.f32.msk $0xffff, v6  }
.LBB2_4:
0x62: {  	s18 =	sadd.s32 $0x8, s18;
	[tilespmem:s22+$0x0] =	vst.add.f32.msk $0xffff, v4  }
0x63: {  	s17 =	sadd.s32 $0x400, s17;
	s22 =	sshll.u32 s18, $0x4;
	p0 =	slt.u32 s18, $0x7F8;
	[tilespmem:s23+$0x0] =	vst.add.f32.msk $0xffff, v1  }
0x64: {  	s23 =	sand.u32 $0x1C00, s17;
	s24 =	sshll.u32 s18, $0x1;
	s22 =	sand.u32 $0x6000, s22;
	[tilespmem:s21+$0x0] =	vst.add.f32.msk $0xffff, v3  }
0x65: {  	s21 =	sand.u32 $0x380, s24;
	s22 =	sor.u32 s23, s22;
	[tilespmem:s19+$0x0] =	vst.add.f32.msk $0xffff, v0  }
0x66: {  	s24 =	sor.u32 s21, s22;
	[tilespmem:s20+$0x0] =	vst.add.f32.msk $0xffff, v2  }
0x67: {  	s25 =	sor.u32 $0x8000, s24;
	s26 =	sor.u32 $0x8010, s24;
	s22 =	sor.u32 $0x8020, s24;
	v0 =	vld [tilespmem:s24+$0x10070]  }
0x68: {  	s23 =	sor.u32 $0x8030, s24;
	s21 =	sor.u32 $0x8040, s24;
	s19 =	sor.u32 $0x8050, s24;
	v5 =	vld [tilespmem:s24+$0x10000]  }
0x69: {  	s20 =	sor.u32 $0x8060, s24;
	v6 =	vld [tilespmem:s24+$0x10010]  }
0x6a: {  	v4 =	vld [tilespmem:s24+$0x10020]  }
0x6b: {  	s28 =	sor.u32 $0x8070, s24;
	v1 =	vld [tilespmem:s24+$0x10030]  }
0x6c: {  	[tilespmem:s28+$0x0] =	vst.add.f32.msk $0xffff, v0  }
.Ltmp1:
0x6d: {  	v3 =	vld [tilespmem:s24+$0x10040];
	(pc) =	sbr.rel @p0 .LBB2_4-.Ltmp1, $4  }
0x6e: {  	v0 =	vld [tilespmem:s24+$0x10050]  }
0x6f: {  	v2 =	vld [tilespmem:s24+$0x10060]  }
0x70: {  	[tilespmem:s25+$0x0] =	vst.add.f32.msk $0xffff, v5  }
0x71: {  	[tilespmem:s26+$0x0] =	vst.add.f32.msk $0xffff, v6  }
0x72: {  	[tilespmem:s22+$0x0] =	vst.add.f32.msk $0xffff, v4  }
0x73: {  	[tilespmem:s23+$0x0] =	vst.add.f32.msk $0xffff, v1  }
0x74: {  	[tilespmem:s21+$0x0] =	vst.add.f32.msk $0xffff, v3  }
0x75: {  	[tilespmem:s19+$0x0] =	vst.add.f32.msk $0xffff, v0  }
0x76: {  	[tilespmem:s20+$0x0] =	vst.add.f32.msk $0xffff, v2  }
0x77: {  	s17 =	simm.s32 $0x0;
	s18 =	rddreg [dreg:$0x6]  }
0x78: {  	[hbm4b:s18+s17] =	stream.linear.scatter [tilespmem:s11], [sflag:$0x4], $0x8000, $0x38;
	[tilespmem:$0x18000] =	vst v63  }
0x79: {  	_ =	swait.ge [sflag:s15], $0x8000  }
0x7a: {  	s24 =	simm.s32 $0x0;
	[sflag:s15] =	ssyncset.done $0x0  }
0x7b: {  	s26 =	simm.s32 $0x0;
	s23 =	rddreg [dreg:$0x7];
	[sflag:s15] =	ssyncadd.s32 $0xFFFF8000  }
0x7c: {  	[tilespmem:s11], [sflag:$0x2] =	stream.linear.gather [hbm4b:s23+s17], $0x8000, $0x38;
	[tilespmem:$0x18000] =	vst v63  }
0x7d: {  	s25 =	sand.u32 $0x1C00, s17;
	s18 =	sand.u32 $0x6000, s24;
	_ =	swait.ge [sflag:s12], $0x8000  }
0x7e: {  	s28 =	sand.u32 $0x380, s26;
	s18 =	sor.u32 s25, s18;
	[sflag:s12] =	ssyncset.done $0x0  }
0x7f: {  	s19 =	sor.u32 s28, s18;
	[sflag:s12] =	ssyncadd.s32 $0xFFFF8000  }
0x80: {  	v0 =	vld [tilespmem:s19+$0x10070]  }
0x81: {  	v5 =	vld [tilespmem:s19+$0x10000]  }
0x82: {  	v6 =	vld [tilespmem:s19+$0x10010]  }
0x83: {  	v4 =	vld [tilespmem:s19+$0x10020]  }
0x84: {  	v2 =	vld [tilespmem:s19+$0x10030]  }
0x85: {  	v3 =	vld [tilespmem:s19+$0x10040]  }
0x86: {  	s18 =	sor.u32 $0x70, s19;
	v1 =	vld [tilespmem:s19+$0x10060]  }
0x87: {  	[tilespmem:s18+$0x0] =	vst.add.f32.msk $0xffff, v0  }
0x88: {  	s24 =	sor.u32 $0x10, s19;
	v0 =	vld [tilespmem:s19+$0x10050]  }
0x89: {  	s22 =	sor.u32 $0x30, s19;
	s21 =	sor.u32 $0x40, s19;
	s20 =	sor.u32 $0x50, s19;
	[tilespmem:s19+$0x0] =	vst.add.f32.msk $0xffff, v5  }
0x8a: {  	s23 =	sor.u32 $0x20, s19;
	s18 =	simm.s32 $0x0;
	s19 =	sor.u32 $0x60, s19;
	[tilespmem:s24+$0x0] =	vst.add.f32.msk $0xffff, v6  }
.LBB2_6:
0x8b: {  	s18 =	sadd.s32 $0x8, s18;
	[tilespmem:s23+$0x0] =	vst.add.f32.msk $0xffff, v4  }
0x8c: {  	s17 =	sadd.s32 $0x400, s17;
	s23 =	sshll.u32 s18, $0x4;
	p0 =	slt.u32 s18, $0x7F8;
	[tilespmem:s22+$0x0] =	vst.add.f32.msk $0xffff, v2  }
0x8d: {  	s24 =	sshll.u32 s18, $0x1;
	s22 =	sand.u32 $0x6000, s23;
	s23 =	sand.u32 $0x1C00, s17;
	[tilespmem:s21+$0x0] =	vst.add.f32.msk $0xffff, v3  }
0x8e: {  	s21 =	sor.u32 s23, s22;
	s22 =	sand.u32 $0x380, s24;
	[tilespmem:s20+$0x0] =	vst.add.f32.msk $0xffff, v0  }
0x8f: {  	s24 =	sor.u32 s22, s21;
	[tilespmem:s19+$0x0] =	vst.add.f32.msk $0xffff, v1  }
0x90: {  	s25 =	sor.u32 $0x10, s24;
	s23 =	sor.u32 $0x20, s24;
	s22 =	sor.u32 $0x30, s24;
	v0 =	vld [tilespmem:s24+$0x10070]  }
0x91: {  	s21 =	sor.u32 $0x40, s24;
	s20 =	sor.u32 $0x50, s24;
	s19 =	sor.u32 $0x60, s24;
	v5 =	vld [tilespmem:s24+$0x10000]  }
0x92: {  	v6 =	vld [tilespmem:s24+$0x10010]  }
0x93: {  	v4 =	vld [tilespmem:s24+$0x10020]  }
0x94: {  	s26 =	sor.u32 $0x70, s24;
	v2 =	vld [tilespmem:s24+$0x10030]  }
0x95: {  	[tilespmem:s26+$0x0] =	vst.add.f32.msk $0xffff, v0  }
.Ltmp2:
0x96: {  	v3 =	vld [tilespmem:s24+$0x10040];
	(pc) =	sbr.rel @p0 .LBB2_6-.Ltmp2, $4  }
0x97: {  	v0 =	vld [tilespmem:s24+$0x10050]  }
0x98: {  	v1 =	vld [tilespmem:s24+$0x10060]  }
0x99: {  	[tilespmem:s24+$0x0] =	vst.add.f32.msk $0xffff, v5  }
0x9a: {  	[tilespmem:s25+$0x0] =	vst.add.f32.msk $0xffff, v6  }
0x9b: {  	[tilespmem:s23+$0x0] =	vst.add.f32.msk $0xffff, v4  }
0x9c: {  	[tilespmem:s22+$0x0] =	vst.add.f32.msk $0xffff, v2  }
0x9d: {  	[tilespmem:s21+$0x0] =	vst.add.f32.msk $0xffff, v3  }
0x9e: {  	[tilespmem:s20+$0x0] =	vst.add.f32.msk $0xffff, v0  }
0x9f: {  	[tilespmem:s19+$0x0] =	vst.add.f32.msk $0xffff, v1  }
0xa0: {  	s17 =	simm.s32 $0x0;
	s18 =	rddreg [dreg:$0x8]  }
0xa1: {  	[hbm4b:s18+s17] =	stream.linear.scatter [tilespmem:s17], [sflag:$0x3], $0x8000, $0x38;
	[tilespmem:$0x18000] =	vst v63  }
0xa2: {  	_ =	swait.ge [sflag:s13], $0x8000  }
0xa3: {  	s24 =	simm.s32 $0x0;
	[sflag:s13] =	ssyncset.done $0x0  }
0xa4: {  	s26 =	simm.s32 $0x0;
	s23 =	rddreg [dreg:$0x9];
	[sflag:s13] =	ssyncadd.s32 $0xFFFF8000  }
0xa5: {  	[tilespmem:s17], [sflag:$0x1] =	stream.linear.gather [hbm4b:s23+s17], $0x8000, $0x38;
	[tilespmem:$0x18000] =	vst v63  }
0xa6: {  	s25 =	sand.u32 $0x1C00, s17;
	s18 =	sand.u32 $0x6000, s24;
	_ =	swait.ge [sflag:s14], $0x8000  }
0xa7: {  	s20 =	sand.u32 $0x380, s26;
	s18 =	sor.u32 s25, s18;
	[sflag:s14] =	ssyncset.done $0x0  }
0xa8: {  	s20 =	sor.u32 s20, s18;
	[sflag:s14] =	ssyncadd.s32 $0xFFFF8000  }
0xa9: {  	v0 =	vld [tilespmem:s20+$0x10070]  }
0xaa: {  	v5 =	vld [tilespmem:s20+$0x10000]  }
0xab: {  	v6 =	vld [tilespmem:s20+$0x10010]  }
0xac: {  	v4 =	vld [tilespmem:s20+$0x10020]  }
0xad: {  	v1 =	vld [tilespmem:s20+$0x10030]  }
0xae: {  	v3 =	vld [tilespmem:s20+$0x10040]  }
0xaf: {  	s18 =	sor.u32 $0x8070, s20;
	v2 =	vld [tilespmem:s20+$0x10060]  }
0xb0: {  	[tilespmem:s18+$0x0] =	vst.add.f32.msk $0xffff, v0  }
0xb1: {  	s28 =	sor.u32 $0x8000, s20;
	s24 =	sor.u32 $0x8010, s20;
	v0 =	vld [tilespmem:s20+$0x10050]  }
0xb2: {  	s22 =	sor.u32 $0x8020, s20;
	s21 =	sor.u32 $0x8040, s20;
	s19 =	sor.u32 $0x8050, s20;
	[tilespmem:s28+$0x0] =	vst.add.f32.msk $0xffff, v5  }
0xb3: {  	s23 =	sor.u32 $0x8030, s20;
	s18 =	simm.s32 $0x0;
	s20 =	sor.u32 $0x8060, s20;
	[tilespmem:s24+$0x0] =	vst.add.f32.msk $0xffff, v6  }
.LBB2_8:
0xb4: {  	s18 =	sadd.s32 $0x8, s18;
	[tilespmem:s22+$0x0] =	vst.add.f32.msk $0xffff, v4  }
0xb5: {  	s17 =	sadd.s32 $0x400, s17;
	s22 =	sshll.u32 s18, $0x4;
	p0 =	slt.u32 s18, $0x7F8;
	[tilespmem:s23+$0x0] =	vst.add.f32.msk $0xffff, v1  }
0xb6: {  	s23 =	sand.u32 $0x1C00, s17;
	s24 =	sshll.u32 s18, $0x1;
	s22 =	sand.u32 $0x6000, s22;
	[tilespmem:s21+$0x0] =	vst.add.f32.msk $0xffff, v3  }
0xb7: {  	s21 =	sand.u32 $0x380, s24;
	s22 =	sor.u32 s23, s22;
	[tilespmem:s19+$0x0] =	vst.add.f32.msk $0xffff, v0  }
0xb8: {  	s24 =	sor.u32 s21, s22;
	[tilespmem:s20+$0x0] =	vst.add.f32.msk $0xffff, v2  }
0xb9: {  	s25 =	sor.u32 $0x8000, s24;
	s26 =	sor.u32 $0x8010, s24;
	s22 =	sor.u32 $0x8020, s24;
	v0 =	vld [tilespmem:s24+$0x10070]  }
0xba: {  	s23 =	sor.u32 $0x8030, s24;
	s21 =	sor.u32 $0x8040, s24;
	s19 =	sor.u32 $0x8050, s24;
	v5 =	vld [tilespmem:s24+$0x10000]  }
0xbb: {  	s20 =	sor.u32 $0x8060, s24;
	v6 =	vld [tilespmem:s24+$0x10010]  }
0xbc: {  	v4 =	vld [tilespmem:s24+$0x10020]  }
0xbd: {  	s28 =	sor.u32 $0x8070, s24;
	v1 =	vld [tilespmem:s24+$0x10030]  }
0xbe: {  	[tilespmem:s28+$0x0] =	vst.add.f32.msk $0xffff, v0  }
.Ltmp3:
0xbf: {  	v3 =	vld [tilespmem:s24+$0x10040];
	(pc) =	sbr.rel @p0 .LBB2_8-.Ltmp3, $4  }
0xc0: {  	v0 =	vld [tilespmem:s24+$0x10050]  }
0xc1: {  	v2 =	vld [tilespmem:s24+$0x10060]  }
0xc2: {  	[tilespmem:s25+$0x0] =	vst.add.f32.msk $0xffff, v5  }
0xc3: {  	[tilespmem:s26+$0x0] =	vst.add.f32.msk $0xffff, v6  }
0xc4: {  	[tilespmem:s22+$0x0] =	vst.add.f32.msk $0xffff, v4  }
0xc5: {  	[tilespmem:s23+$0x0] =	vst.add.f32.msk $0xffff, v1  }
0xc6: {  	[tilespmem:s21+$0x0] =	vst.add.f32.msk $0xffff, v3  }
0xc7: {  	[tilespmem:s19+$0x0] =	vst.add.f32.msk $0xffff, v0  }
0xc8: {  	[tilespmem:s20+$0x0] =	vst.add.f32.msk $0xffff, v2  }
0xc9: {  	s17 =	simm.s32 $0x0;
	s18 =	rddreg [dreg:$0xa]  }
0xca: {  	[tilespmem:s9], [sflag:$0x5] =	stream.linear.gather [hbm4b:s18+s17], $0x8000, $0x38;
	[tilespmem:$0x18000] =	vst v63  }
0xcb: {  	s22 =	rddreg [dreg:$0xb]  }
0xcc: {  	[hbm4b:s22+s17] =	stream.linear.scatter [tilespmem:s11], [sflag:$0x4], $0x8000, $0x38;
	[tilespmem:$0x18000] =	vst v63  }
0xcd: {  	_ =	swait.ge [sflag:s10], $0x8000  }
0xce: {  	[sflag:s10] =	ssyncset.done $0x0  }
0xcf: {  	[sflag:s10] =	ssyncadd.s32 $0xFFFF8000  }
0xd0: {  	_ =	swait.ge [sflag:s15], $0x8000  }
0xd1: {  	s24 =	simm.s32 $0x0;
	[sflag:s15] =	ssyncset.done $0x0  }
0xd2: {  	s26 =	simm.s32 $0x0;
	s23 =	rddreg [dreg:$0xc];
	[sflag:s15] =	ssyncadd.s32 $0xFFFF8000  }
0xd3: {  	[tilespmem:s11], [sflag:$0x2] =	stream.linear.gather [hbm4b:s23+s17], $0x8000, $0x38;
	[tilespmem:$0x18000] =	vst v63  }
0xd4: {  	s25 =	sand.u32 $0x1C00, s17;
	s18 =	sand.u32 $0x6000, s24;
	_ =	swait.ge [sflag:s12], $0x8000  }
0xd5: {  	s28 =	sand.u32 $0x380, s26;
	s18 =	sor.u32 s25, s18;
	[sflag:s12] =	ssyncset.done $0x0  }
0xd6: {  	s19 =	sor.u32 s28, s18;
	[sflag:s12] =	ssyncadd.s32 $0xFFFF8000  }
0xd7: {  	v0 =	vld [tilespmem:s19+$0x10070]  }
0xd8: {  	v5 =	vld [tilespmem:s19+$0x10000]  }
0xd9: {  	v6 =	vld [tilespmem:s19+$0x10010]  }
0xda: {  	v4 =	vld [tilespmem:s19+$0x10020]  }
0xdb: {  	v2 =	vld [tilespmem:s19+$0x10030]  }
0xdc: {  	v3 =	vld [tilespmem:s19+$0x10040]  }
0xdd: {  	s18 =	sor.u32 $0x70, s19;
	v1 =	vld [tilespmem:s19+$0x10060]  }
0xde: {  	[tilespmem:s18+$0x0] =	vst.add.f32.msk $0xffff, v0  }
0xdf: {  	s24 =	sor.u32 $0x10, s19;
	v0 =	vld [tilespmem:s19+$0x10050]  }
0xe0: {  	s22 =	sor.u32 $0x30, s19;
	s21 =	sor.u32 $0x40, s19;
	s20 =	sor.u32 $0x50, s19;
	[tilespmem:s19+$0x0] =	vst.add.f32.msk $0xffff, v5  }
0xe1: {  	s23 =	sor.u32 $0x20, s19;
	s18 =	simm.s32 $0x0;
	s19 =	sor.u32 $0x60, s19;
	[tilespmem:s24+$0x0] =	vst.add.f32.msk $0xffff, v6  }
.LBB2_10:
0xe2: {  	s18 =	sadd.s32 $0x8, s18;
	[tilespmem:s23+$0x0] =	vst.add.f32.msk $0xffff, v4  }
0xe3: {  	s17 =	sadd.s32 $0x400, s17;
	s23 =	sshll.u32 s18, $0x4;
	p0 =	slt.u32 s18, $0x7F8;
	[tilespmem:s22+$0x0] =	vst.add.f32.msk $0xffff, v2  }
0xe4: {  	s24 =	sshll.u32 s18, $0x1;
	s22 =	sand.u32 $0x6000, s23;
	s23 =	sand.u32 $0x1C00, s17;
	[tilespmem:s21+$0x0] =	vst.add.f32.msk $0xffff, v3  }
0xe5: {  	s21 =	sor.u32 s23, s22;
	s22 =	sand.u32 $0x380, s24;
	[tilespmem:s20+$0x0] =	vst.add.f32.msk $0xffff, v0  }
0xe6: {  	s24 =	sor.u32 s22, s21;
	[tilespmem:s19+$0x0] =	vst.add.f32.msk $0xffff, v1  }
0xe7: {  	s25 =	sor.u32 $0x10, s24;
	s23 =	sor.u32 $0x20, s24;
	s22 =	sor.u32 $0x30, s24;
	v0 =	vld [tilespmem:s24+$0x10070]  }
0xe8: {  	s21 =	sor.u32 $0x40, s24;
	s20 =	sor.u32 $0x50, s24;
	s19 =	sor.u32 $0x60, s24;
	v5 =	vld [tilespmem:s24+$0x10000]  }
0xe9: {  	v6 =	vld [tilespmem:s24+$0x10010]  }
0xea: {  	v4 =	vld [tilespmem:s24+$0x10020]  }
0xeb: {  	s26 =	sor.u32 $0x70, s24;
	v2 =	vld [tilespmem:s24+$0x10030]  }
0xec: {  	[tilespmem:s26+$0x0] =	vst.add.f32.msk $0xffff, v0  }
.Ltmp4:
0xed: {  	v3 =	vld [tilespmem:s24+$0x10040];
	(pc) =	sbr.rel @p0 .LBB2_10-.Ltmp4, $4  }
0xee: {  	v0 =	vld [tilespmem:s24+$0x10050]  }
0xef: {  	v1 =	vld [tilespmem:s24+$0x10060]  }
0xf0: {  	[tilespmem:s24+$0x0] =	vst.add.f32.msk $0xffff, v5  }
0xf1: {  	[tilespmem:s25+$0x0] =	vst.add.f32.msk $0xffff, v6  }
0xf2: {  	[tilespmem:s23+$0x0] =	vst.add.f32.msk $0xffff, v4  }
0xf3: {  	[tilespmem:s22+$0x0] =	vst.add.f32.msk $0xffff, v2  }
0xf4: {  	[tilespmem:s21+$0x0] =	vst.add.f32.msk $0xffff, v3  }
0xf5: {  	[tilespmem:s20+$0x0] =	vst.add.f32.msk $0xffff, v0  }
0xf6: {  	[tilespmem:s19+$0x0] =	vst.add.f32.msk $0xffff, v1  }
0xf7: {  	s17 =	simm.s32 $0x0;
	s18 =	rddreg [dreg:$0xd]  }
0xf8: {  	[hbm4b:s18+s17] =	stream.linear.scatter [tilespmem:s17], [sflag:$0x3], $0x8000, $0x38;
	[tilespmem:$0x18000] =	vst v63  }
0xf9: {  	_ =	swait.ge [sflag:s13], $0x8000  }
0xfa: {  	s24 =	simm.s32 $0x0;
	[sflag:s13] =	ssyncset.done $0x0  }
0xfb: {  	s26 =	simm.s32 $0x0;
	s23 =	rddreg [dreg:$0xe];
	[sflag:s13] =	ssyncadd.s32 $0xFFFF8000  }
0xfc: {  	[tilespmem:s17], [sflag:$0x1] =	stream.linear.gather [hbm4b:s23+s17], $0x8000, $0x38;
	[tilespmem:$0x18000] =	vst v63  }
0xfd: {  	s25 =	sand.u32 $0x1C00, s17;
	s18 =	sand.u32 $0x6000, s24;
	_ =	swait.ge [sflag:s14], $0x8000  }
0xfe: {  	s20 =	sand.u32 $0x380, s26;
	s18 =	sor.u32 s25, s18;
	[sflag:s14] =	ssyncset.done $0x0  }
0xff: {  	s20 =	sor.u32 s20, s18;
	[sflag:s14] =	ssyncadd.s32 $0xFFFF8000  }
0x100: {  	v0 =	vld [tilespmem:s20+$0x10070]  }
0x101: {  	v5 =	vld [tilespmem:s20+$0x10000]  }
0x102: {  	v6 =	vld [tilespmem:s20+$0x10010]  }
0x103: {  	v4 =	vld [tilespmem:s20+$0x10020]  }
0x104: {  	v1 =	vld [tilespmem:s20+$0x10030]  }
0x105: {  	v3 =	vld [tilespmem:s20+$0x10040]  }
0x106: {  	s18 =	sor.u32 $0x8070, s20;
	v2 =	vld [tilespmem:s20+$0x10060]  }
0x107: {  	[tilespmem:s18+$0x0] =	vst.add.f32.msk $0xffff, v0  }
0x108: {  	s28 =	sor.u32 $0x8000, s20;
	s24 =	sor.u32 $0x8010, s20;
	v0 =	vld [tilespmem:s20+$0x10050]  }
0x109: {  	s22 =	sor.u32 $0x8020, s20;
	s21 =	sor.u32 $0x8040, s20;
	s19 =	sor.u32 $0x8050, s20;
	[tilespmem:s28+$0x0] =	vst.add.f32.msk $0xffff, v5  }
0x10a: {  	s23 =	sor.u32 $0x8030, s20;
	s18 =	simm.s32 $0x0;
	s20 =	sor.u32 $0x8060, s20;
	[tilespmem:s24+$0x0] =	vst.add.f32.msk $0xffff, v6  }
.LBB2_12:
0x10b: {  	s18 =	sadd.s32 $0x8, s18;
	[tilespmem:s22+$0x0] =	vst.add.f32.msk $0xffff, v4  }
0x10c: {  	s17 =	sadd.s32 $0x400, s17;
	s22 =	sshll.u32 s18, $0x4;
	p0 =	slt.u32 s18, $0x7F8;
	[tilespmem:s23+$0x0] =	vst.add.f32.msk $0xffff, v1  }
0x10d: {  	s23 =	sand.u32 $0x1C00, s17;
	s24 =	sshll.u32 s18, $0x1;
	s22 =	sand.u32 $0x6000, s22;
	[tilespmem:s21+$0x0] =	vst.add.f32.msk $0xffff, v3  }
0x10e: {  	s21 =	sand.u32 $0x380, s24;
	s22 =	sor.u32 s23, s22;
	[tilespmem:s19+$0x0] =	vst.add.f32.msk $0xffff, v0  }
0x10f: {  	s24 =	sor.u32 s21, s22;
	[tilespmem:s20+$0x0] =	vst.add.f32.msk $0xffff, v2  }
0x110: {  	s25 =	sor.u32 $0x8000, s24;
	s26 =	sor.u32 $0x8010, s24;
	s22 =	sor.u32 $0x8020, s24;
	v0 =	vld [tilespmem:s24+$0x10070]  }
0x111: {  	s23 =	sor.u32 $0x8030, s24;
	s21 =	sor.u32 $0x8040, s24;
	s19 =	sor.u32 $0x8050, s24;
	v5 =	vld [tilespmem:s24+$0x10000]  }
0x112: {  	s20 =	sor.u32 $0x8060, s24;
	v6 =	vld [tilespmem:s24+$0x10010]  }
0x113: {  	v4 =	vld [tilespmem:s24+$0x10020]  }
0x114: {  	s28 =	sor.u32 $0x8070, s24;
	v1 =	vld [tilespmem:s24+$0x10030]  }
0x115: {  	[tilespmem:s28+$0x0] =	vst.add.f32.msk $0xffff, v0  }
.Ltmp5:
0x116: {  	v3 =	vld [tilespmem:s24+$0x10040];
	(pc) =	sbr.rel @p0 .LBB2_12-.Ltmp5, $4  }
0x117: {  	v0 =	vld [tilespmem:s24+$0x10050]  }
0x118: {  	v2 =	vld [tilespmem:s24+$0x10060]  }
0x119: {  	[tilespmem:s25+$0x0] =	vst.add.f32.msk $0xffff, v5  }
0x11a: {  	[tilespmem:s26+$0x0] =	vst.add.f32.msk $0xffff, v6  }
0x11b: {  	[tilespmem:s22+$0x0] =	vst.add.f32.msk $0xffff, v4  }
0x11c: {  	[tilespmem:s23+$0x0] =	vst.add.f32.msk $0xffff, v1  }
0x11d: {  	[tilespmem:s21+$0x0] =	vst.add.f32.msk $0xffff, v3  }
0x11e: {  	[tilespmem:s19+$0x0] =	vst.add.f32.msk $0xffff, v0  }
0x11f: {  	[tilespmem:s20+$0x0] =	vst.add.f32.msk $0xffff, v2  }
0x120: {  	s17 =	simm.s32 $0x0;
	s18 =	rddreg [dreg:$0xf]  }
0x121: {  	[hbm4b:s18+s17] =	stream.linear.scatter [tilespmem:s11], [sflag:$0x4], $0x8000, $0x38;
	[tilespmem:$0x18000] =	vst v63  }
0x122: {  	_ =	swait.ge [sflag:s15], $0x8000  }
0x123: {  	s24 =	simm.s32 $0x0;
	[sflag:s15] =	ssyncset.done $0x0  }
0x124: {  	s26 =	simm.s32 $0x0;
	s23 =	rddreg [dreg:$0x10];
	[sflag:s15] =	ssyncadd.s32 $0xFFFF8000  }
0x125: {  	[tilespmem:s11], [sflag:$0x2] =	stream.linear.gather [hbm4b:s23+s17], $0x8000, $0x38;
	[tilespmem:$0x18000] =	vst v63  }
0x126: {  	s25 =	sand.u32 $0x1C00, s17;
	s18 =	sand.u32 $0x6000, s24;
	_ =	swait.ge [sflag:s12], $0x8000  }
0x127: {  	s28 =	sand.u32 $0x380, s26;
	s18 =	sor.u32 s25, s18;
	[sflag:s12] =	ssyncset.done $0x0  }
0x128: {  	s19 =	sor.u32 s28, s18;
	[sflag:s12] =	ssyncadd.s32 $0xFFFF8000  }
0x129: {  	v0 =	vld [tilespmem:s19+$0x10070]  }
0x12a: {  	v5 =	vld [tilespmem:s19+$0x10000]  }
0x12b: {  	v6 =	vld [tilespmem:s19+$0x10010]  }
0x12c: {  	v4 =	vld [tilespmem:s19+$0x10020]  }
0x12d: {  	v2 =	vld [tilespmem:s19+$0x10030]  }
0x12e: {  	v3 =	vld [tilespmem:s19+$0x10040]  }
0x12f: {  	s18 =	sor.u32 $0x70, s19;
	v1 =	vld [tilespmem:s19+$0x10060]  }
0x130: {  	[tilespmem:s18+$0x0] =	vst.add.f32.msk $0xffff, v0  }
0x131: {  	s24 =	sor.u32 $0x10, s19;
	v0 =	vld [tilespmem:s19+$0x10050]  }
0x132: {  	s22 =	sor.u32 $0x30, s19;
	s21 =	sor.u32 $0x40, s19;
	s20 =	sor.u32 $0x50, s19;
	[tilespmem:s19+$0x0] =	vst.add.f32.msk $0xffff, v5  }
0x133: {  	s23 =	sor.u32 $0x20, s19;
	s18 =	simm.s32 $0x0;
	s19 =	sor.u32 $0x60, s19;
	[tilespmem:s24+$0x0] =	vst.add.f32.msk $0xffff, v6  }
.LBB2_14:
0x134: {  	s18 =	sadd.s32 $0x8, s18;
	[tilespmem:s23+$0x0] =	vst.add.f32.msk $0xffff, v4  }
0x135: {  	s17 =	sadd.s32 $0x400, s17;
	s23 =	sshll.u32 s18, $0x4;
	p0 =	slt.u32 s18, $0x7F8;
	[tilespmem:s22+$0x0] =	vst.add.f32.msk $0xffff, v2  }
0x136: {  	s24 =	sshll.u32 s18, $0x1;
	s22 =	sand.u32 $0x6000, s23;
	s23 =	sand.u32 $0x1C00, s17;
	[tilespmem:s21+$0x0] =	vst.add.f32.msk $0xffff, v3  }
0x137: {  	s21 =	sor.u32 s23, s22;
	s22 =	sand.u32 $0x380, s24;
	[tilespmem:s20+$0x0] =	vst.add.f32.msk $0xffff, v0  }
0x138: {  	s24 =	sor.u32 s22, s21;
	[tilespmem:s19+$0x0] =	vst.add.f32.msk $0xffff, v1  }
0x139: {  	s25 =	sor.u32 $0x10, s24;
	s23 =	sor.u32 $0x20, s24;
	s22 =	sor.u32 $0x30, s24;
	v0 =	vld [tilespmem:s24+$0x10070]  }
0x13a: {  	s21 =	sor.u32 $0x40, s24;
	s20 =	sor.u32 $0x50, s24;
	s19 =	sor.u32 $0x60, s24;
	v5 =	vld [tilespmem:s24+$0x10000]  }
0x13b: {  	v6 =	vld [tilespmem:s24+$0x10010]  }
0x13c: {  	v4 =	vld [tilespmem:s24+$0x10020]  }
0x13d: {  	s26 =	sor.u32 $0x70, s24;
	v2 =	vld [tilespmem:s24+$0x10030]  }
0x13e: {  	[tilespmem:s26+$0x0] =	vst.add.f32.msk $0xffff, v0  }
.Ltmp6:
0x13f: {  	v3 =	vld [tilespmem:s24+$0x10040];
	(pc) =	sbr.rel @p0 .LBB2_14-.Ltmp6, $4  }
0x140: {  	v0 =	vld [tilespmem:s24+$0x10050]  }
0x141: {  	v1 =	vld [tilespmem:s24+$0x10060]  }
0x142: {  	[tilespmem:s24+$0x0] =	vst.add.f32.msk $0xffff, v5  }
0x143: {  	[tilespmem:s25+$0x0] =	vst.add.f32.msk $0xffff, v6  }
0x144: {  	[tilespmem:s23+$0x0] =	vst.add.f32.msk $0xffff, v4  }
0x145: {  	[tilespmem:s22+$0x0] =	vst.add.f32.msk $0xffff, v2  }
0x146: {  	[tilespmem:s21+$0x0] =	vst.add.f32.msk $0xffff, v3  }
0x147: {  	[tilespmem:s20+$0x0] =	vst.add.f32.msk $0xffff, v0  }
0x148: {  	[tilespmem:s19+$0x0] =	vst.add.f32.msk $0xffff, v1  }
0x149: {  	s17 =	simm.s32 $0x0;
	s18 =	rddreg [dreg:$0x11]  }
0x14a: {  	[hbm4b:s18+s17] =	stream.linear.scatter [tilespmem:s17], [sflag:$0x3], $0x8000, $0x38;
	[tilespmem:$0x18000] =	vst v63  }
0x14b: {  	_ =	swait.ge [sflag:s13], $0x8000  }
0x14c: {  	s24 =	simm.s32 $0x0;
	[sflag:s13] =	ssyncset.done $0x0  }
0x14d: {  	s26 =	simm.s32 $0x0;
	s23 =	rddreg [dreg:$0x12];
	[sflag:s13] =	ssyncadd.s32 $0xFFFF8000  }
0x14e: {  	[tilespmem:s17], [sflag:$0x1] =	stream.linear.gather [hbm4b:s23+s17], $0x8000, $0x38;
	[tilespmem:$0x18000] =	vst v63  }
0x14f: {  	s25 =	sand.u32 $0x1C00, s17;
	s18 =	sand.u32 $0x6000, s24;
	_ =	swait.ge [sflag:s14], $0x8000  }
0x150: {  	s20 =	sand.u32 $0x380, s26;
	s18 =	sor.u32 s25, s18;
	[sflag:s14] =	ssyncset.done $0x0  }
0x151: {  	s20 =	sor.u32 s20, s18;
	[sflag:s14] =	ssyncadd.s32 $0xFFFF8000  }
0x152: {  	v0 =	vld [tilespmem:s20+$0x10070]  }
0x153: {  	v5 =	vld [tilespmem:s20+$0x10000]  }
0x154: {  	v6 =	vld [tilespmem:s20+$0x10010]  }
0x155: {  	v4 =	vld [tilespmem:s20+$0x10020]  }
0x156: {  	v1 =	vld [tilespmem:s20+$0x10030]  }
0x157: {  	v3 =	vld [tilespmem:s20+$0x10040]  }
0x158: {  	s18 =	sor.u32 $0x8070, s20;
	v2 =	vld [tilespmem:s20+$0x10060]  }
0x159: {  	[tilespmem:s18+$0x0] =	vst.add.f32.msk $0xffff, v0  }
0x15a: {  	s28 =	sor.u32 $0x8000, s20;
	s24 =	sor.u32 $0x8010, s20;
	v0 =	vld [tilespmem:s20+$0x10050]  }
0x15b: {  	s22 =	sor.u32 $0x8020, s20;
	s21 =	sor.u32 $0x8040, s20;
	s19 =	sor.u32 $0x8050, s20;
	[tilespmem:s28+$0x0] =	vst.add.f32.msk $0xffff, v5  }
0x15c: {  	s23 =	sor.u32 $0x8030, s20;
	s18 =	simm.s32 $0x0;
	s20 =	sor.u32 $0x8060, s20;
	[tilespmem:s24+$0x0] =	vst.add.f32.msk $0xffff, v6  }
.LBB2_16:
0x15d: {  	s18 =	sadd.s32 $0x8, s18;
	[tilespmem:s22+$0x0] =	vst.add.f32.msk $0xffff, v4  }
0x15e: {  	s17 =	sadd.s32 $0x400, s17;
	s22 =	sshll.u32 s18, $0x4;
	p0 =	slt.u32 s18, $0x7F8;
	[tilespmem:s23+$0x0] =	vst.add.f32.msk $0xffff, v1  }
0x15f: {  	s23 =	sand.u32 $0x1C00, s17;
	s24 =	sshll.u32 s18, $0x1;
	s22 =	sand.u32 $0x6000, s22;
	[tilespmem:s21+$0x0] =	vst.add.f32.msk $0xffff, v3  }
0x160: {  	s21 =	sand.u32 $0x380, s24;
	s22 =	sor.u32 s23, s22;
	[tilespmem:s19+$0x0] =	vst.add.f32.msk $0xffff, v0  }
0x161: {  	s24 =	sor.u32 s21, s22;
	[tilespmem:s20+$0x0] =	vst.add.f32.msk $0xffff, v2  }
0x162: {  	s25 =	sor.u32 $0x8000, s24;
	s26 =	sor.u32 $0x8010, s24;
	s22 =	sor.u32 $0x8020, s24;
	v0 =	vld [tilespmem:s24+$0x10070]  }
0x163: {  	s23 =	sor.u32 $0x8030, s24;
	s21 =	sor.u32 $0x8040, s24;
	s19 =	sor.u32 $0x8050, s24;
	v5 =	vld [tilespmem:s24+$0x10000]  }
0x164: {  	s20 =	sor.u32 $0x8060, s24;
	v6 =	vld [tilespmem:s24+$0x10010]  }
0x165: {  	v4 =	vld [tilespmem:s24+$0x10020]  }
0x166: {  	s28 =	sor.u32 $0x8070, s24;
	v1 =	vld [tilespmem:s24+$0x10030]  }
0x167: {  	[tilespmem:s28+$0x0] =	vst.add.f32.msk $0xffff, v0  }
.Ltmp7:
0x168: {  	v3 =	vld [tilespmem:s24+$0x10040];
	(pc) =	sbr.rel @p0 .LBB2_16-.Ltmp7, $4  }
0x169: {  	v0 =	vld [tilespmem:s24+$0x10050]  }
0x16a: {  	v2 =	vld [tilespmem:s24+$0x10060]  }
0x16b: {  	[tilespmem:s25+$0x0] =	vst.add.f32.msk $0xffff, v5  }
0x16c: {  	[tilespmem:s26+$0x0] =	vst.add.f32.msk $0xffff, v6  }
0x16d: {  	[tilespmem:s22+$0x0] =	vst.add.f32.msk $0xffff, v4  }
0x16e: {  	[tilespmem:s23+$0x0] =	vst.add.f32.msk $0xffff, v1  }
0x16f: {  	[tilespmem:s21+$0x0] =	vst.add.f32.msk $0xffff, v3  }
0x170: {  	[tilespmem:s19+$0x0] =	vst.add.f32.msk $0xffff, v0  }
0x171: {  	[tilespmem:s20+$0x0] =	vst.add.f32.msk $0xffff, v2  }
0x172: {  	s17 =	simm.s32 $0x0;
	s18 =	rddreg [dreg:$0x13]  }
0x173: {  	[tilespmem:s9], [sflag:$0x5] =	stream.linear.gather [hbm4b:s18+s17], $0x8000, $0x38;
	[tilespmem:$0x18000] =	vst v63  }
0x174: {  	s22 =	rddreg [dreg:$0x14]  }
0x175: {  	[hbm4b:s22+s17] =	stream.linear.scatter [tilespmem:s11], [sflag:$0x4], $0x8000, $0x38;
	[tilespmem:$0x18000] =	vst v63  }
0x176: {  	_ =	swait.ge [sflag:s10], $0x8000  }
0x177: {  	[sflag:s10] =	ssyncset.done $0x0  }
0x178: {  	[sflag:s10] =	ssyncadd.s32 $0xFFFF8000  }
0x179: {  	_ =	swait.ge [sflag:s15], $0x8000  }
0x17a: {  	s24 =	simm.s32 $0x0;
	[sflag:s15] =	ssyncset.done $0x0  }
0x17b: {  	s26 =	simm.s32 $0x0;
	s23 =	rddreg [dreg:$0x16];
	[sflag:s15] =	ssyncadd.s32 $0xFFFF8000  }
0x17c: {  	[tilespmem:s11], [sflag:$0x2] =	stream.linear.gather [hbm4b:s23+s17], $0x8000, $0x38;
	[tilespmem:$0x18000] =	vst v63  }
0x17d: {  	s25 =	sand.u32 $0x1C00, s17;
	s18 =	sand.u32 $0x6000, s24;
	_ =	swait.ge [sflag:s12], $0x8000  }
0x17e: {  	s28 =	sand.u32 $0x380, s26;
	s18 =	sor.u32 s25, s18;
	[sflag:s12] =	ssyncset.done $0x0  }
0x17f: {  	s19 =	sor.u32 s28, s18;
	[sflag:s12] =	ssyncadd.s32 $0xFFFF8000  }
0x180: {  	v0 =	vld [tilespmem:s19+$0x10070]  }
0x181: {  	v5 =	vld [tilespmem:s19+$0x10000]  }
0x182: {  	v6 =	vld [tilespmem:s19+$0x10010]  }
0x183: {  	v4 =	vld [tilespmem:s19+$0x10020]  }
0x184: {  	v2 =	vld [tilespmem:s19+$0x10030]  }
0x185: {  	v3 =	vld [tilespmem:s19+$0x10040]  }
0x186: {  	s18 =	sor.u32 $0x70, s19;
	v1 =	vld [tilespmem:s19+$0x10060]  }
0x187: {  	[tilespmem:s18+$0x0] =	vst.add.f32.msk $0xffff, v0  }
0x188: {  	s24 =	sor.u32 $0x10, s19;
	v0 =	vld [tilespmem:s19+$0x10050]  }
0x189: {  	s22 =	sor.u32 $0x30, s19;
	s21 =	sor.u32 $0x40, s19;
	s20 =	sor.u32 $0x50, s19;
	[tilespmem:s19+$0x0] =	vst.add.f32.msk $0xffff, v5  }
0x18a: {  	s23 =	sor.u32 $0x20, s19;
	s18 =	simm.s32 $0x0;
	s19 =	sor.u32 $0x60, s19;
	[tilespmem:s24+$0x0] =	vst.add.f32.msk $0xffff, v6  }
.LBB2_18:
0x18b: {  	s18 =	sadd.s32 $0x8, s18;
	[tilespmem:s23+$0x0] =	vst.add.f32.msk $0xffff, v4  }
0x18c: {  	s17 =	sadd.s32 $0x400, s17;
	s23 =	sshll.u32 s18, $0x4;
	p0 =	slt.u32 s18, $0x7F8;
	[tilespmem:s22+$0x0] =	vst.add.f32.msk $0xffff, v2  }
0x18d: {  	s24 =	sshll.u32 s18, $0x1;
	s22 =	sand.u32 $0x6000, s23;
	s23 =	sand.u32 $0x1C00, s17;
	[tilespmem:s21+$0x0] =	vst.add.f32.msk $0xffff, v3  }
0x18e: {  	s21 =	sor.u32 s23, s22;
	s22 =	sand.u32 $0x380, s24;
	[tilespmem:s20+$0x0] =	vst.add.f32.msk $0xffff, v0  }
0x18f: {  	s24 =	sor.u32 s22, s21;
	[tilespmem:s19+$0x0] =	vst.add.f32.msk $0xffff, v1  }
0x190: {  	s25 =	sor.u32 $0x10, s24;
	s23 =	sor.u32 $0x20, s24;
	s22 =	sor.u32 $0x30, s24;
	v0 =	vld [tilespmem:s24+$0x10070]  }
0x191: {  	s21 =	sor.u32 $0x40, s24;
	s20 =	sor.u32 $0x50, s24;
	s19 =	sor.u32 $0x60, s24;
	v5 =	vld [tilespmem:s24+$0x10000]  }
0x192: {  	v6 =	vld [tilespmem:s24+$0x10010]  }
0x193: {  	v4 =	vld [tilespmem:s24+$0x10020]  }
0x194: {  	s26 =	sor.u32 $0x70, s24;
	v2 =	vld [tilespmem:s24+$0x10030]  }
0x195: {  	[tilespmem:s26+$0x0] =	vst.add.f32.msk $0xffff, v0  }
.Ltmp8:
0x196: {  	v3 =	vld [tilespmem:s24+$0x10040];
	(pc) =	sbr.rel @p0 .LBB2_18-.Ltmp8, $4  }
0x197: {  	v0 =	vld [tilespmem:s24+$0x10050]  }
0x198: {  	v1 =	vld [tilespmem:s24+$0x10060]  }
0x199: {  	[tilespmem:s24+$0x0] =	vst.add.f32.msk $0xffff, v5  }
0x19a: {  	[tilespmem:s25+$0x0] =	vst.add.f32.msk $0xffff, v6  }
0x19b: {  	[tilespmem:s23+$0x0] =	vst.add.f32.msk $0xffff, v4  }
0x19c: {  	[tilespmem:s22+$0x0] =	vst.add.f32.msk $0xffff, v2  }
0x19d: {  	[tilespmem:s21+$0x0] =	vst.add.f32.msk $0xffff, v3  }
0x19e: {  	[tilespmem:s20+$0x0] =	vst.add.f32.msk $0xffff, v0  }
0x19f: {  	[tilespmem:s19+$0x0] =	vst.add.f32.msk $0xffff, v1  }
0x1a0: {  	s17 =	simm.s32 $0x0;
	s18 =	rddreg [dreg:$0x15]  }
0x1a1: {  	[hbm4b:s18+s17] =	stream.linear.scatter [tilespmem:s17], [sflag:$0x3], $0x8000, $0x38;
	[tilespmem:$0x18000] =	vst v63  }
0x1a2: {  	_ =	swait.ge [sflag:s13], $0x8000  }
0x1a3: {  	s24 =	simm.s32 $0x0;
	[sflag:s13] =	ssyncset.done $0x0  }
0x1a4: {  	s26 =	simm.s32 $0x0;
	s23 =	rddreg [dreg:$0x18];
	[sflag:s13] =	ssyncadd.s32 $0xFFFF8000  }
0x1a5: {  	[tilespmem:s17], [sflag:$0x1] =	stream.linear.gather [hbm4b:s23+s17], $0x8000, $0x38;
	[tilespmem:$0x18000] =	vst v63  }
0x1a6: {  	s25 =	sand.u32 $0x1C00, s17;
	s18 =	sand.u32 $0x6000, s24;
	_ =	swait.ge [sflag:s14], $0x8000  }
0x1a7: {  	s20 =	sand.u32 $0x380, s26;
	s18 =	sor.u32 s25, s18;
	[sflag:s14] =	ssyncset.done $0x0  }
0x1a8: {  	s20 =	sor.u32 s20, s18;
	[sflag:s14] =	ssyncadd.s32 $0xFFFF8000  }
0x1a9: {  	v0 =	vld [tilespmem:s20+$0x10070]  }
0x1aa: {  	v5 =	vld [tilespmem:s20+$0x10000]  }
0x1ab: {  	v6 =	vld [tilespmem:s20+$0x10010]  }
0x1ac: {  	v4 =	vld [tilespmem:s20+$0x10020]  }
0x1ad: {  	v1 =	vld [tilespmem:s20+$0x10030]  }
0x1ae: {  	v3 =	vld [tilespmem:s20+$0x10040]  }
0x1af: {  	s18 =	sor.u32 $0x8070, s20;
	v2 =	vld [tilespmem:s20+$0x10060]  }
0x1b0: {  	[tilespmem:s18+$0x0] =	vst.add.f32.msk $0xffff, v0  }
0x1b1: {  	s28 =	sor.u32 $0x8000, s20;
	s24 =	sor.u32 $0x8010, s20;
	v0 =	vld [tilespmem:s20+$0x10050]  }
0x1b2: {  	s22 =	sor.u32 $0x8020, s20;
	s21 =	sor.u32 $0x8040, s20;
	s19 =	sor.u32 $0x8050, s20;
	[tilespmem:s28+$0x0] =	vst.add.f32.msk $0xffff, v5  }
0x1b3: {  	s23 =	sor.u32 $0x8030, s20;
	s18 =	simm.s32 $0x0;
	s20 =	sor.u32 $0x8060, s20;
	[tilespmem:s24+$0x0] =	vst.add.f32.msk $0xffff, v6  }
.LBB2_20:
0x1b4: {  	s18 =	sadd.s32 $0x8, s18;
	[tilespmem:s22+$0x0] =	vst.add.f32.msk $0xffff, v4  }
0x1b5: {  	s17 =	sadd.s32 $0x400, s17;
	s22 =	sshll.u32 s18, $0x4;
	p0 =	slt.u32 s18, $0x7F8;
	[tilespmem:s23+$0x0] =	vst.add.f32.msk $0xffff, v1  }
0x1b6: {  	s23 =	sand.u32 $0x1C00, s17;
	s24 =	sshll.u32 s18, $0x1;
	s22 =	sand.u32 $0x6000, s22;
	[tilespmem:s21+$0x0] =	vst.add.f32.msk $0xffff, v3  }
0x1b7: {  	s21 =	sand.u32 $0x380, s24;
	s22 =	sor.u32 s23, s22;
	[tilespmem:s19+$0x0] =	vst.add.f32.msk $0xffff, v0  }
0x1b8: {  	s24 =	sor.u32 s21, s22;
	[tilespmem:s20+$0x0] =	vst.add.f32.msk $0xffff, v2  }
0x1b9: {  	s25 =	sor.u32 $0x8000, s24;
	s26 =	sor.u32 $0x8010, s24;
	s22 =	sor.u32 $0x8020, s24;
	v0 =	vld [tilespmem:s24+$0x10070]  }
0x1ba: {  	s23 =	sor.u32 $0x8030, s24;
	s21 =	sor.u32 $0x8040, s24;
	s19 =	sor.u32 $0x8050, s24;
	v5 =	vld [tilespmem:s24+$0x10000]  }
0x1bb: {  	s20 =	sor.u32 $0x8060, s24;
	v6 =	vld [tilespmem:s24+$0x10010]  }
0x1bc: {  	v4 =	vld [tilespmem:s24+$0x10020]  }
0x1bd: {  	s28 =	sor.u32 $0x8070, s24;
	v1 =	vld [tilespmem:s24+$0x10030]  }
0x1be: {  	[tilespmem:s28+$0x0] =	vst.add.f32.msk $0xffff, v0  }
.Ltmp9:
0x1bf: {  	v3 =	vld [tilespmem:s24+$0x10040];
	(pc) =	sbr.rel @p0 .LBB2_20-.Ltmp9, $4  }
0x1c0: {  	v0 =	vld [tilespmem:s24+$0x10050]  }
0x1c1: {  	v2 =	vld [tilespmem:s24+$0x10060]  }
0x1c2: {  	[tilespmem:s25+$0x0] =	vst.add.f32.msk $0xffff, v5  }
0x1c3: {  	[tilespmem:s26+$0x0] =	vst.add.f32.msk $0xffff, v6  }
0x1c4: {  	[tilespmem:s22+$0x0] =	vst.add.f32.msk $0xffff, v4  }
0x1c5: {  	[tilespmem:s23+$0x0] =	vst.add.f32.msk $0xffff, v1  }
0x1c6: {  	[tilespmem:s21+$0x0] =	vst.add.f32.msk $0xffff, v3  }
0x1c7: {  	[tilespmem:s19+$0x0] =	vst.add.f32.msk $0xffff, v0  }
0x1c8: {  	[tilespmem:s20+$0x0] =	vst.add.f32.msk $0xffff, v2  }
0x1c9: {  	s17 =	simm.s32 $0x0;
	s18 =	rddreg [dreg:$0x17]  }
0x1ca: {  	[hbm4b:s18+s17] =	stream.linear.scatter [tilespmem:s11], [sflag:$0x4], $0x8000, $0x38;
	[tilespmem:$0x18000] =	vst v63  }
0x1cb: {  	_ =	swait.ge [sflag:s15], $0x8000  }
0x1cc: {  	s24 =	simm.s32 $0x0;
	[sflag:s15] =	ssyncset.done $0x0  }
0x1cd: {  	s26 =	simm.s32 $0x0;
	s23 =	rddreg [dreg:$0x1c];
	[sflag:s15] =	ssyncadd.s32 $0xFFFF8000  }
0x1ce: {  	[tilespmem:s11], [sflag:$0x2] =	stream.linear.gather [hbm4b:s23+s17], $0x8000, $0x38;
	[tilespmem:$0x18000] =	vst v63  }
0x1cf: {  	s25 =	sand.u32 $0x1C00, s17;
	s18 =	sand.u32 $0x6000, s24;
	_ =	swait.ge [sflag:s12], $0x8000  }
0x1d0: {  	s28 =	sand.u32 $0x380, s26;
	s18 =	sor.u32 s25, s18;
	[sflag:s12] =	ssyncset.done $0x0  }
0x1d1: {  	s19 =	sor.u32 s28, s18;
	[sflag:s12] =	ssyncadd.s32 $0xFFFF8000  }
0x1d2: {  	v0 =	vld [tilespmem:s19+$0x10070]  }
0x1d3: {  	v5 =	vld [tilespmem:s19+$0x10000]  }
0x1d4: {  	v6 =	vld [tilespmem:s19+$0x10010]  }
0x1d5: {  	v4 =	vld [tilespmem:s19+$0x10020]  }
0x1d6: {  	v2 =	vld [tilespmem:s19+$0x10030]  }
0x1d7: {  	v3 =	vld [tilespmem:s19+$0x10040]  }
0x1d8: {  	s18 =	sor.u32 $0x70, s19;
	v1 =	vld [tilespmem:s19+$0x10060]  }
0x1d9: {  	[tilespmem:s18+$0x0] =	vst.add.f32.msk $0xffff, v0  }
0x1da: {  	s24 =	sor.u32 $0x10, s19;
	v0 =	vld [tilespmem:s19+$0x10050]  }
0x1db: {  	s22 =	sor.u32 $0x30, s19;
	s21 =	sor.u32 $0x40, s19;
	s20 =	sor.u32 $0x50, s19;
	[tilespmem:s19+$0x0] =	vst.add.f32.msk $0xffff, v5  }
0x1dc: {  	s23 =	sor.u32 $0x20, s19;
	s18 =	simm.s32 $0x0;
	s19 =	sor.u32 $0x60, s19;
	[tilespmem:s24+$0x0] =	vst.add.f32.msk $0xffff, v6  }
.LBB2_22:
0x1dd: {  	s18 =	sadd.s32 $0x8, s18;
	[tilespmem:s23+$0x0] =	vst.add.f32.msk $0xffff, v4  }
0x1de: {  	s17 =	sadd.s32 $0x400, s17;
	s23 =	sshll.u32 s18, $0x4;
	p0 =	slt.u32 s18, $0x7F8;
	[tilespmem:s22+$0x0] =	vst.add.f32.msk $0xffff, v2  }
0x1df: {  	s24 =	sshll.u32 s18, $0x1;
	s22 =	sand.u32 $0x6000, s23;
	s23 =	sand.u32 $0x1C00, s17;
	[tilespmem:s21+$0x0] =	vst.add.f32.msk $0xffff, v3  }
0x1e0: {  	s21 =	sor.u32 s23, s22;
	s22 =	sand.u32 $0x380, s24;
	[tilespmem:s20+$0x0] =	vst.add.f32.msk $0xffff, v0  }
0x1e1: {  	s24 =	sor.u32 s22, s21;
	[tilespmem:s19+$0x0] =	vst.add.f32.msk $0xffff, v1  }
0x1e2: {  	s25 =	sor.u32 $0x10, s24;
	s23 =	sor.u32 $0x20, s24;
	s22 =	sor.u32 $0x30, s24;
	v0 =	vld [tilespmem:s24+$0x10070]  }
0x1e3: {  	s21 =	sor.u32 $0x40, s24;
	s20 =	sor.u32 $0x50, s24;
	s19 =	sor.u32 $0x60, s24;
	v5 =	vld [tilespmem:s24+$0x10000]  }
0x1e4: {  	v6 =	vld [tilespmem:s24+$0x10010]  }
0x1e5: {  	v4 =	vld [tilespmem:s24+$0x10020]  }
0x1e6: {  	s26 =	sor.u32 $0x70, s24;
	v2 =	vld [tilespmem:s24+$0x10030]  }
0x1e7: {  	[tilespmem:s26+$0x0] =	vst.add.f32.msk $0xffff, v0  }
.Ltmp10:
0x1e8: {  	v3 =	vld [tilespmem:s24+$0x10040];
	(pc) =	sbr.rel @p0 .LBB2_22-.Ltmp10, $4  }
0x1e9: {  	v0 =	vld [tilespmem:s24+$0x10050]  }
0x1ea: {  	v1 =	vld [tilespmem:s24+$0x10060]  }
0x1eb: {  	[tilespmem:s24+$0x0] =	vst.add.f32.msk $0xffff, v5  }
0x1ec: {  	[tilespmem:s25+$0x0] =	vst.add.f32.msk $0xffff, v6  }
0x1ed: {  	[tilespmem:s23+$0x0] =	vst.add.f32.msk $0xffff, v4  }
0x1ee: {  	[tilespmem:s22+$0x0] =	vst.add.f32.msk $0xffff, v2  }
0x1ef: {  	[tilespmem:s21+$0x0] =	vst.add.f32.msk $0xffff, v3  }
0x1f0: {  	[tilespmem:s20+$0x0] =	vst.add.f32.msk $0xffff, v0  }
0x1f1: {  	[tilespmem:s19+$0x0] =	vst.add.f32.msk $0xffff, v1  }
0x1f2: {  	s17 =	simm.s32 $0x0;
	s18 =	rddreg [dreg:$0x19]  }
0x1f3: {  	[hbm4b:s18+s17] =	stream.linear.scatter [tilespmem:s17], [sflag:$0x3], $0x8000, $0x38;
	[tilespmem:$0x18000] =	vst v63  }
0x1f4: {  	_ =	swait.ge [sflag:s13], $0x8000  }
0x1f5: {  	[sflag:s13] =	ssyncset.done $0x0  }
0x1f6: {  	s24 =	simm.s32 $0x0;
	s26 =	simm.s32 $0x0;
	[sflag:s13] =	ssyncadd.s32 $0xFFFF8000  }
0x1f7: {  	[tilespmem:s17], [sflag:$0x1] =	stream.linear.gather [hbm4b:s29+s17], $0x8000, $0x38;
	[tilespmem:$0x18000] =	vst v63  }
0x1f8: {  	s25 =	sand.u32 $0x1C00, s17;
	s18 =	sand.u32 $0x6000, s24;
	_ =	swait.ge [sflag:s14], $0x8000  }
0x1f9: {  	s20 =	sand.u32 $0x380, s26;
	s18 =	sor.u32 s25, s18;
	[sflag:s14] =	ssyncset.done $0x0  }
0x1fa: {  	s20 =	sor.u32 s20, s18;
	[sflag:s14] =	ssyncadd.s32 $0xFFFF8000  }
0x1fb: {  	v0 =	vld [tilespmem:s20+$0x10070]  }
0x1fc: {  	v5 =	vld [tilespmem:s20+$0x10000]  }
0x1fd: {  	v6 =	vld [tilespmem:s20+$0x10010]  }
0x1fe: {  	v4 =	vld [tilespmem:s20+$0x10020]  }
0x1ff: {  	v1 =	vld [tilespmem:s20+$0x10030]  }
0x200: {  	v3 =	vld [tilespmem:s20+$0x10040]  }
0x201: {  	s18 =	sor.u32 $0x8070, s20;
	v2 =	vld [tilespmem:s20+$0x10060]  }
0x202: {  	[tilespmem:s18+$0x0] =	vst.add.f32.msk $0xffff, v0  }
0x203: {  	s28 =	sor.u32 $0x8000, s20;
	s24 =	sor.u32 $0x8010, s20;
	v0 =	vld [tilespmem:s20+$0x10050]  }
0x204: {  	s22 =	sor.u32 $0x8020, s20;
	s23 =	sor.u32 $0x8030, s20;
	s21 =	sor.u32 $0x8040, s20;
	[tilespmem:s28+$0x0] =	vst.add.f32.msk $0xffff, v5  }
0x205: {  	s19 =	sor.u32 $0x8050, s20;
	s18 =	simm.s32 $0x0;
	s20 =	sor.u32 $0x8060, s20;
	[tilespmem:s24+$0x0] =	vst.add.f32.msk $0xffff, v6  }
.LBB2_24:
0x206: {  	s18 =	sadd.s32 $0x8, s18;
	[tilespmem:s22+$0x0] =	vst.add.f32.msk $0xffff, v4  }
0x207: {  	s17 =	sadd.s32 $0x400, s17;
	s22 =	sshll.u32 s18, $0x4;
	p0 =	slt.u32 s18, $0x7F8;
	[tilespmem:s23+$0x0] =	vst.add.f32.msk $0xffff, v1  }
0x208: {  	s23 =	sand.u32 $0x1C00, s17;
	s24 =	sshll.u32 s18, $0x1;
	s22 =	sand.u32 $0x6000, s22;
	[tilespmem:s21+$0x0] =	vst.add.f32.msk $0xffff, v3  }
0x209: {  	s21 =	sand.u32 $0x380, s24;
	s22 =	sor.u32 s23, s22;
	[tilespmem:s19+$0x0] =	vst.add.f32.msk $0xffff, v0  }
0x20a: {  	s24 =	sor.u32 s21, s22;
	[tilespmem:s20+$0x0] =	vst.add.f32.msk $0xffff, v2  }
0x20b: {  	s25 =	sor.u32 $0x8000, s24;
	s26 =	sor.u32 $0x8010, s24;
	s22 =	sor.u32 $0x8020, s24;
	v0 =	vld [tilespmem:s24+$0x10070]  }
0x20c: {  	s23 =	sor.u32 $0x8030, s24;
	s21 =	sor.u32 $0x8040, s24;
	s19 =	sor.u32 $0x8050, s24;
	v5 =	vld [tilespmem:s24+$0x10000]  }
0x20d: {  	s20 =	sor.u32 $0x8060, s24;
	v6 =	vld [tilespmem:s24+$0x10010]  }
0x20e: {  	v4 =	vld [tilespmem:s24+$0x10020]  }
0x20f: {  	s28 =	sor.u32 $0x8070, s24;
	v1 =	vld [tilespmem:s24+$0x10030]  }
0x210: {  	[tilespmem:s28+$0x0] =	vst.add.f32.msk $0xffff, v0  }
.Ltmp11:
0x211: {  	v3 =	vld [tilespmem:s24+$0x10040];
	(pc) =	sbr.rel @p0 .LBB2_24-.Ltmp11, $4  }
0x212: {  	v0 =	vld [tilespmem:s24+$0x10050]  }
0x213: {  	v2 =	vld [tilespmem:s24+$0x10060]  }
0x214: {  	[tilespmem:s25+$0x0] =	vst.add.f32.msk $0xffff, v5  }
0x215: {  	[tilespmem:s26+$0x0] =	vst.add.f32.msk $0xffff, v6  }
0x216: {  	[tilespmem:s22+$0x0] =	vst.add.f32.msk $0xffff, v4  }
0x217: {  	[tilespmem:s23+$0x0] =	vst.add.f32.msk $0xffff, v1  }
0x218: {  	[tilespmem:s21+$0x0] =	vst.add.f32.msk $0xffff, v3  }
0x219: {  	[tilespmem:s19+$0x0] =	vst.add.f32.msk $0xffff, v0  }
0x21a: {  	[tilespmem:s20+$0x0] =	vst.add.f32.msk $0xffff, v2  }
0x21b: {  	s17 =	simm.s32 $0x0;
	s18 =	rddreg [dreg:$0x1b]  }
0x21c: {  	[tilespmem:s9], [sflag:$0x5] =	stream.linear.gather [hbm4b:s18+s17], $0x8000, $0x38;
	[tilespmem:$0x18000] =	vst v63  }
0x21d: {  	s23 =	rddreg [dreg:$0x1d]  }
0x21e: {  	[hbm4b:s23+s17] =	stream.linear.scatter [tilespmem:s11], [sflag:$0x4], $0x8000, $0x38;
	[tilespmem:$0x18000] =	vst v63  }
0x21f: {  	_ =	swait.ge [sflag:s10], $0x8000  }
0x220: {  	[sflag:s10] =	ssyncset.done $0x0  }
0x221: {  	[sflag:s10] =	ssyncadd.s32 $0xFFFF8000  }
0x222: {  	_ =	swait.ge [sflag:s15], $0x8000  }
0x223: {  	[sflag:s15] =	ssyncset.done $0x0  }
0x224: {  	s24 =	simm.s32 $0x0;
	s26 =	simm.s32 $0x0;
	[sflag:s15] =	ssyncadd.s32 $0xFFFF8000  }
0x225: {  	[tilespmem:s11], [sflag:$0x2] =	stream.linear.gather [hbm4b:s31+s17], $0x8000, $0x38;
	[tilespmem:$0x18000] =	vst v63  }
0x226: {  	s25 =	sand.u32 $0x1C00, s17;
	s18 =	sand.u32 $0x6000, s24;
	_ =	swait.ge [sflag:s12], $0x8000  }
0x227: {  	s28 =	sand.u32 $0x380, s26;
	s18 =	sor.u32 s25, s18;
	[sflag:s12] =	ssyncset.done $0x0  }
0x228: {  	s19 =	sor.u32 s28, s18;
	[sflag:s12] =	ssyncadd.s32 $0xFFFF8000  }
0x229: {  	v0 =	vld [tilespmem:s19+$0x10070]  }
0x22a: {  	v5 =	vld [tilespmem:s19+$0x10000]  }
0x22b: {  	v6 =	vld [tilespmem:s19+$0x10010]  }
0x22c: {  	v4 =	vld [tilespmem:s19+$0x10020]  }
0x22d: {  	v2 =	vld [tilespmem:s19+$0x10030]  }
0x22e: {  	v3 =	vld [tilespmem:s19+$0x10040]  }
0x22f: {  	s18 =	sor.u32 $0x70, s19;
	v1 =	vld [tilespmem:s19+$0x10060]  }
0x230: {  	[tilespmem:s18+$0x0] =	vst.add.f32.msk $0xffff, v0  }
0x231: {  	s24 =	sor.u32 $0x10, s19;
	v0 =	vld [tilespmem:s19+$0x10050]  }
0x232: {  	s23 =	sor.u32 $0x20, s19;
	s22 =	sor.u32 $0x30, s19;
	s21 =	sor.u32 $0x40, s19;
	[tilespmem:s19+$0x0] =	vst.add.f32.msk $0xffff, v5  }
0x233: {  	s20 =	sor.u32 $0x50, s19;
	s18 =	simm.s32 $0x0;
	s19 =	sor.u32 $0x60, s19;
	[tilespmem:s24+$0x0] =	vst.add.f32.msk $0xffff, v6  }
.LBB2_26:
0x234: {  	s18 =	sadd.s32 $0x8, s18;
	[tilespmem:s23+$0x0] =	vst.add.f32.msk $0xffff, v4  }
0x235: {  	s17 =	sadd.s32 $0x400, s17;
	s23 =	sshll.u32 s18, $0x4;
	p0 =	slt.u32 s18, $0x7F8;
	[tilespmem:s22+$0x0] =	vst.add.f32.msk $0xffff, v2  }
0x236: {  	s24 =	sshll.u32 s18, $0x1;
	s22 =	sand.u32 $0x6000, s23;
	s23 =	sand.u32 $0x1C00, s17;
	[tilespmem:s21+$0x0] =	vst.add.f32.msk $0xffff, v3  }
0x237: {  	s21 =	sor.u32 s23, s22;
	s22 =	sand.u32 $0x380, s24;
	[tilespmem:s20+$0x0] =	vst.add.f32.msk $0xffff, v0  }
0x238: {  	s24 =	sor.u32 s22, s21;
	[tilespmem:s19+$0x0] =	vst.add.f32.msk $0xffff, v1  }
0x239: {  	s25 =	sor.u32 $0x10, s24;
	s23 =	sor.u32 $0x20, s24;
	s22 =	sor.u32 $0x30, s24;
	v0 =	vld [tilespmem:s24+$0x10070]  }
0x23a: {  	s21 =	sor.u32 $0x40, s24;
	s20 =	sor.u32 $0x50, s24;
	s19 =	sor.u32 $0x60, s24;
	v5 =	vld [tilespmem:s24+$0x10000]  }
0x23b: {  	v6 =	vld [tilespmem:s24+$0x10010]  }
0x23c: {  	v4 =	vld [tilespmem:s24+$0x10020]  }
0x23d: {  	s26 =	sor.u32 $0x70, s24;
	v2 =	vld [tilespmem:s24+$0x10030]  }
0x23e: {  	[tilespmem:s26+$0x0] =	vst.add.f32.msk $0xffff, v0  }
.Ltmp12:
0x23f: {  	v3 =	vld [tilespmem:s24+$0x10040];
	(pc) =	sbr.rel @p0 .LBB2_26-.Ltmp12, $4  }
0x240: {  	v0 =	vld [tilespmem:s24+$0x10050]  }
0x241: {  	v1 =	vld [tilespmem:s24+$0x10060]  }
0x242: {  	[tilespmem:s24+$0x0] =	vst.add.f32.msk $0xffff, v5  }
0x243: {  	[tilespmem:s25+$0x0] =	vst.add.f32.msk $0xffff, v6  }
0x244: {  	[tilespmem:s23+$0x0] =	vst.add.f32.msk $0xffff, v4  }
0x245: {  	[tilespmem:s22+$0x0] =	vst.add.f32.msk $0xffff, v2  }
0x246: {  	[tilespmem:s21+$0x0] =	vst.add.f32.msk $0xffff, v3  }
0x247: {  	[tilespmem:s20+$0x0] =	vst.add.f32.msk $0xffff, v0  }
0x248: {  	s17 =	simm.s32 $0x0;
	[tilespmem:s19+$0x0] =	vst.add.f32.msk $0xffff, v1  }
0x249: {  	[hbm4b:s30+s17] =	stream.linear.scatter [tilespmem:s17], [sflag:$0x3], $0x8000, $0x38;
	[tilespmem:$0x18000] =	vst v63  }
0x24a: {  	_ =	swait.ge [sflag:s13], $0x8000  }
0x24b: {  	[sflag:s13] =	ssyncset.done $0x0  }
0x24c: {  	s18 =	simm.s32 $0x0;
	s26 =	simm.s32 $0x0;
	[sflag:s13] =	ssyncadd.s32 $0xFFFF8000  }
0x24d: {  	[tilespmem:s17], [sflag:$0x1] =	stream.linear.gather [hbm4b:s4+s17], $0x8000, $0x38;
	[tilespmem:$0x18000] =	vst v63  }
0x24e: {  	s18 =	sand.u32 $0x6000, s18;
	s25 =	sand.u32 $0x1C00, s17;
	_ =	swait.ge [sflag:s14], $0x8000  }
0x24f: {  	s20 =	sand.u32 $0x380, s26;
	s18 =	sor.u32 s25, s18;
	[sflag:s14] =	ssyncset.done $0x0  }
0x250: {  	s20 =	sor.u32 s20, s18;
	[sflag:s14] =	ssyncadd.s32 $0xFFFF8000  }
0x251: {  	v0 =	vld [tilespmem:s20+$0x10070]  }
0x252: {  	v5 =	vld [tilespmem:s20+$0x10000]  }
0x253: {  	v6 =	vld [tilespmem:s20+$0x10010]  }
0x254: {  	v4 =	vld [tilespmem:s20+$0x10020]  }
0x255: {  	v1 =	vld [tilespmem:s20+$0x10030]  }
0x256: {  	v3 =	vld [tilespmem:s20+$0x10040]  }
0x257: {  	s18 =	sor.u32 $0x8070, s20;
	v2 =	vld [tilespmem:s20+$0x10060]  }
0x258: {  	[tilespmem:s18+$0x0] =	vst.add.f32.msk $0xffff, v0  }
0x259: {  	s28 =	sor.u32 $0x8000, s20;
	s24 =	sor.u32 $0x8010, s20;
	v0 =	vld [tilespmem:s20+$0x10050]  }
0x25a: {  	s22 =	sor.u32 $0x8020, s20;
	s23 =	sor.u32 $0x8030, s20;
	s21 =	sor.u32 $0x8040, s20;
	[tilespmem:s28+$0x0] =	vst.add.f32.msk $0xffff, v5  }
0x25b: {  	s19 =	sor.u32 $0x8050, s20;
	s18 =	simm.s32 $0x0;
	s20 =	sor.u32 $0x8060, s20;
	[tilespmem:s24+$0x0] =	vst.add.f32.msk $0xffff, v6  }
.LBB2_28:
0x25c: {  	s18 =	sadd.s32 $0x8, s18;
	[tilespmem:s22+$0x0] =	vst.add.f32.msk $0xffff, v4  }
0x25d: {  	s17 =	sadd.s32 $0x400, s17;
	s22 =	sshll.u32 s18, $0x4;
	p0 =	slt.u32 s18, $0x7F8;
	[tilespmem:s23+$0x0] =	vst.add.f32.msk $0xffff, v1  }
0x25e: {  	s23 =	sand.u32 $0x1C00, s17;
	s24 =	sshll.u32 s18, $0x1;
	s22 =	sand.u32 $0x6000, s22;
	[tilespmem:s21+$0x0] =	vst.add.f32.msk $0xffff, v3  }
0x25f: {  	s21 =	sand.u32 $0x380, s24;
	s22 =	sor.u32 s23, s22;
	[tilespmem:s19+$0x0] =	vst.add.f32.msk $0xffff, v0  }
0x260: {  	s24 =	sor.u32 s21, s22;
	[tilespmem:s20+$0x0] =	vst.add.f32.msk $0xffff, v2  }
0x261: {  	s25 =	sor.u32 $0x8000, s24;
	s26 =	sor.u32 $0x8010, s24;
	s22 =	sor.u32 $0x8020, s24;
	v0 =	vld [tilespmem:s24+$0x10070]  }
0x262: {  	s23 =	sor.u32 $0x8030, s24;
	s21 =	sor.u32 $0x8040, s24;
	s19 =	sor.u32 $0x8050, s24;
	v5 =	vld [tilespmem:s24+$0x10000]  }
0x263: {  	s20 =	sor.u32 $0x8060, s24;
	v6 =	vld [tilespmem:s24+$0x10010]  }
0x264: {  	v4 =	vld [tilespmem:s24+$0x10020]  }
0x265: {  	s28 =	sor.u32 $0x8070, s24;
	v1 =	vld [tilespmem:s24+$0x10030]  }
0x266: {  	[tilespmem:s28+$0x0] =	vst.add.f32.msk $0xffff, v0  }
.Ltmp13:
0x267: {  	v3 =	vld [tilespmem:s24+$0x10040];
	(pc) =	sbr.rel @p0 .LBB2_28-.Ltmp13, $4  }
0x268: {  	v0 =	vld [tilespmem:s24+$0x10050]  }
0x269: {  	v2 =	vld [tilespmem:s24+$0x10060]  }
0x26a: {  	[tilespmem:s25+$0x0] =	vst.add.f32.msk $0xffff, v5  }
0x26b: {  	[tilespmem:s26+$0x0] =	vst.add.f32.msk $0xffff, v6  }
0x26c: {  	[tilespmem:s22+$0x0] =	vst.add.f32.msk $0xffff, v4  }
0x26d: {  	[tilespmem:s23+$0x0] =	vst.add.f32.msk $0xffff, v1  }
0x26e: {  	[tilespmem:s21+$0x0] =	vst.add.f32.msk $0xffff, v3  }
0x26f: {  	[tilespmem:s19+$0x0] =	vst.add.f32.msk $0xffff, v0  }
0x270: {  	s17 =	simm.s32 $0x0;
	[tilespmem:s20+$0x0] =	vst.add.f32.msk $0xffff, v2  }
0x271: {  	[hbm4b:s0+s17] =	stream.linear.scatter [tilespmem:s11], [sflag:$0x4], $0x8000, $0x38;
	[tilespmem:$0x18000] =	vst v63  }
0x272: {  	_ =	swait.ge [sflag:s15], $0x8000  }
0x273: {  	[sflag:s15] =	ssyncset.done $0x0  }
0x274: {  	s18 =	simm.s32 $0x0;
	s26 =	simm.s32 $0x0;
	[sflag:s15] =	ssyncadd.s32 $0xFFFF8000  }
0x275: {  	[tilespmem:s11], [sflag:$0x2] =	stream.linear.gather [hbm4b:s5+s17], $0x8000, $0x38;
	[tilespmem:$0x18000] =	vst v63  }
0x276: {  	s18 =	sand.u32 $0x6000, s18;
	s25 =	sand.u32 $0x1C00, s17;
	_ =	swait.ge [sflag:s12], $0x8000  }
0x277: {  	s28 =	sand.u32 $0x380, s26;
	s18 =	sor.u32 s25, s18;
	[sflag:s12] =	ssyncset.done $0x0  }
0x278: {  	s19 =	sor.u32 s28, s18;
	[sflag:s12] =	ssyncadd.s32 $0xFFFF8000  }
0x279: {  	v0 =	vld [tilespmem:s19+$0x10070]  }
0x27a: {  	v5 =	vld [tilespmem:s19+$0x10000]  }
0x27b: {  	v6 =	vld [tilespmem:s19+$0x10010]  }
0x27c: {  	v4 =	vld [tilespmem:s19+$0x10020]  }
0x27d: {  	v2 =	vld [tilespmem:s19+$0x10030]  }
0x27e: {  	v3 =	vld [tilespmem:s19+$0x10040]  }
0x27f: {  	s18 =	sor.u32 $0x70, s19;
	v1 =	vld [tilespmem:s19+$0x10060]  }
0x280: {  	[tilespmem:s18+$0x0] =	vst.add.f32.msk $0xffff, v0  }
0x281: {  	s24 =	sor.u32 $0x10, s19;
	v0 =	vld [tilespmem:s19+$0x10050]  }
0x282: {  	s23 =	sor.u32 $0x20, s19;
	s22 =	sor.u32 $0x30, s19;
	s21 =	sor.u32 $0x40, s19;
	[tilespmem:s19+$0x0] =	vst.add.f32.msk $0xffff, v5  }
0x283: {  	s20 =	sor.u32 $0x50, s19;
	s18 =	simm.s32 $0x0;
	s19 =	sor.u32 $0x60, s19;
	[tilespmem:s24+$0x0] =	vst.add.f32.msk $0xffff, v6  }
.LBB2_30:
0x284: {  	s18 =	sadd.s32 $0x8, s18;
	[tilespmem:s23+$0x0] =	vst.add.f32.msk $0xffff, v4  }
0x285: {  	s17 =	sadd.s32 $0x400, s17;
	s23 =	sshll.u32 s18, $0x4;
	p0 =	slt.u32 s18, $0x7F8;
	[tilespmem:s22+$0x0] =	vst.add.f32.msk $0xffff, v2  }
0x286: {  	s24 =	sshll.u32 s18, $0x1;
	s22 =	sand.u32 $0x6000, s23;
	s23 =	sand.u32 $0x1C00, s17;
	[tilespmem:s21+$0x0] =	vst.add.f32.msk $0xffff, v3  }
0x287: {  	s21 =	sor.u32 s23, s22;
	s22 =	sand.u32 $0x380, s24;
	[tilespmem:s20+$0x0] =	vst.add.f32.msk $0xffff, v0  }
0x288: {  	s24 =	sor.u32 s22, s21;
	[tilespmem:s19+$0x0] =	vst.add.f32.msk $0xffff, v1  }
0x289: {  	s25 =	sor.u32 $0x10, s24;
	s23 =	sor.u32 $0x20, s24;
	s22 =	sor.u32 $0x30, s24;
	v0 =	vld [tilespmem:s24+$0x10070]  }
0x28a: {  	s21 =	sor.u32 $0x40, s24;
	s20 =	sor.u32 $0x50, s24;
	s19 =	sor.u32 $0x60, s24;
	v5 =	vld [tilespmem:s24+$0x10000]  }
0x28b: {  	v6 =	vld [tilespmem:s24+$0x10010]  }
0x28c: {  	v4 =	vld [tilespmem:s24+$0x10020]  }
0x28d: {  	s26 =	sor.u32 $0x70, s24;
	v2 =	vld [tilespmem:s24+$0x10030]  }
0x28e: {  	[tilespmem:s26+$0x0] =	vst.add.f32.msk $0xffff, v0  }
.Ltmp14:
0x28f: {  	v3 =	vld [tilespmem:s24+$0x10040];
	(pc) =	sbr.rel @p0 .LBB2_30-.Ltmp14, $4  }
0x290: {  	v0 =	vld [tilespmem:s24+$0x10050]  }
0x291: {  	v1 =	vld [tilespmem:s24+$0x10060]  }
0x292: {  	[tilespmem:s24+$0x0] =	vst.add.f32.msk $0xffff, v5  }
0x293: {  	[tilespmem:s25+$0x0] =	vst.add.f32.msk $0xffff, v6  }
0x294: {  	[tilespmem:s23+$0x0] =	vst.add.f32.msk $0xffff, v4  }
0x295: {  	[tilespmem:s22+$0x0] =	vst.add.f32.msk $0xffff, v2  }
0x296: {  	[tilespmem:s21+$0x0] =	vst.add.f32.msk $0xffff, v3  }
0x297: {  	[tilespmem:s20+$0x0] =	vst.add.f32.msk $0xffff, v0  }
0x298: {  	s17 =	simm.s32 $0x0;
	s18 =	simm.s32 $0x0;
	s26 =	simm.s32 $0x0;
	[tilespmem:s19+$0x0] =	vst.add.f32.msk $0xffff, v1  }
0x299: {  	[hbm4b:s6+s17] =	stream.linear.scatter [tilespmem:s17], [sflag:$0x3], $0x8000, $0x38;
	[tilespmem:$0x18000] =	vst v63  }
0x29a: {  	s18 =	sand.u32 $0x6000, s18;
	s25 =	sand.u32 $0x1C00, s17;
	_ =	swait.ge [sflag:s14], $0x8000  }
0x29b: {  	s20 =	sand.u32 $0x380, s26;
	s18 =	sor.u32 s25, s18;
	[sflag:s14] =	ssyncset.done $0x0  }
0x29c: {  	s20 =	sor.u32 s20, s18;
	[sflag:s14] =	ssyncadd.s32 $0xFFFF8000  }
0x29d: {  	v0 =	vld [tilespmem:s20+$0x10070]  }
0x29e: {  	v5 =	vld [tilespmem:s20+$0x10000]  }
0x29f: {  	v6 =	vld [tilespmem:s20+$0x10010]  }
0x2a0: {  	v4 =	vld [tilespmem:s20+$0x10020]  }
0x2a1: {  	v1 =	vld [tilespmem:s20+$0x10030]  }
0x2a2: {  	v3 =	vld [tilespmem:s20+$0x10040]  }
0x2a3: {  	s18 =	sor.u32 $0x8070, s20;
	v2 =	vld [tilespmem:s20+$0x10060]  }
0x2a4: {  	[tilespmem:s18+$0x0] =	vst.add.f32.msk $0xffff, v0  }
0x2a5: {  	s28 =	sor.u32 $0x8000, s20;
	s24 =	sor.u32 $0x8010, s20;
	v0 =	vld [tilespmem:s20+$0x10050]  }
0x2a6: {  	s22 =	sor.u32 $0x8020, s20;
	s23 =	sor.u32 $0x8030, s20;
	s21 =	sor.u32 $0x8040, s20;
	[tilespmem:s28+$0x0] =	vst.add.f32.msk $0xffff, v5  }
0x2a7: {  	s19 =	sor.u32 $0x8050, s20;
	s18 =	simm.s32 $0x0;
	s20 =	sor.u32 $0x8060, s20;
	[tilespmem:s24+$0x0] =	vst.add.f32.msk $0xffff, v6  }
.LBB2_32:
0x2a8: {  	s18 =	sadd.s32 $0x8, s18;
	[tilespmem:s22+$0x0] =	vst.add.f32.msk $0xffff, v4  }
0x2a9: {  	s17 =	sadd.s32 $0x400, s17;
	s22 =	sshll.u32 s18, $0x4;
	p0 =	slt.u32 s18, $0x7F8;
	[tilespmem:s23+$0x0] =	vst.add.f32.msk $0xffff, v1  }
0x2aa: {  	s23 =	sand.u32 $0x1C00, s17;
	s24 =	sshll.u32 s18, $0x1;
	s22 =	sand.u32 $0x6000, s22;
	[tilespmem:s21+$0x0] =	vst.add.f32.msk $0xffff, v3  }
0x2ab: {  	s21 =	sand.u32 $0x380, s24;
	s22 =	sor.u32 s23, s22;
	[tilespmem:s19+$0x0] =	vst.add.f32.msk $0xffff, v0  }
0x2ac: {  	s24 =	sor.u32 s21, s22;
	[tilespmem:s20+$0x0] =	vst.add.f32.msk $0xffff, v2  }
0x2ad: {  	s25 =	sor.u32 $0x8000, s24;
	s26 =	sor.u32 $0x8010, s24;
	s22 =	sor.u32 $0x8020, s24;
	v0 =	vld [tilespmem:s24+$0x10070]  }
0x2ae: {  	s23 =	sor.u32 $0x8030, s24;
	s21 =	sor.u32 $0x8040, s24;
	s19 =	sor.u32 $0x8050, s24;
	v5 =	vld [tilespmem:s24+$0x10000]  }
0x2af: {  	s20 =	sor.u32 $0x8060, s24;
	v6 =	vld [tilespmem:s24+$0x10010]  }
0x2b0: {  	v4 =	vld [tilespmem:s24+$0x10020]  }
0x2b1: {  	s28 =	sor.u32 $0x8070, s24;
	v1 =	vld [tilespmem:s24+$0x10030]  }
0x2b2: {  	[tilespmem:s28+$0x0] =	vst.add.f32.msk $0xffff, v0  }
.Ltmp15:
0x2b3: {  	v3 =	vld [tilespmem:s24+$0x10040];
	(pc) =	sbr.rel @p0 .LBB2_32-.Ltmp15, $4  }
0x2b4: {  	v0 =	vld [tilespmem:s24+$0x10050]  }
0x2b5: {  	v2 =	vld [tilespmem:s24+$0x10060]  }
0x2b6: {  	[tilespmem:s25+$0x0] =	vst.add.f32.msk $0xffff, v5  }
0x2b7: {  	[tilespmem:s26+$0x0] =	vst.add.f32.msk $0xffff, v6  }
0x2b8: {  	[tilespmem:s22+$0x0] =	vst.add.f32.msk $0xffff, v4  }
0x2b9: {  	[tilespmem:s23+$0x0] =	vst.add.f32.msk $0xffff, v1  }
0x2ba: {  	[tilespmem:s21+$0x0] =	vst.add.f32.msk $0xffff, v3  }
0x2bb: {  	[tilespmem:s19+$0x0] =	vst.add.f32.msk $0xffff, v0  }
0x2bc: {  	s16 =	sadd.s32 $0x1, s16;
	[tilespmem:s20+$0x0] =	vst.add.f32.msk $0xffff, v2  }
0x2bd: {  	[hbm4b:s7+s1] =	stream.linear.scatter [tilespmem:s11], [sflag:$0x4], $0x8000, $0x38;
	[tilespmem:$0x18000] =	vst v63  }
0x2be: {  	p0 =	sne.s32 s16, s8;
	_ =	swait.ge [sflag:s13], $0x8000  }
.Ltmp16:
0x2bf: {  	[sflag:s13] =	ssyncset.done $0x0;
	(pc) =	sbr.rel @p0 .LBB2_1-.Ltmp16, $4  }
0x2c0: {  	[sflag:s13] =	ssyncadd.s32 $0xFFFF8000  }
0x2c1: {  	_ =	swait.ge [sflag:s15], $0x8000  }
0x2c2: {  	[sflag:s15] =	ssyncset.done $0x0  }
0x2c3: {  	[sflag:s15] =	ssyncadd.s32 $0xFFFF8000  }
0x2c4: {  	_ =	sfence.sel $0x180000  }
0x2c5: {  	[bflag:$0x0] =	sbarrier.arrive $0xFFFF  }
0x2c6: {  	_ =	strace $0x90000047  }
0x2c7: {  	s0 =	stileid.u32;
	[bflag:$0x2] =	sbarrier.arrive $0xFFFF  }
0x2c8: {  	p0 =	sne.s32 s0, $0x0;
	s0 =	rddreg [dreg:$0x3]  }
0x2c9: {  	s0 =	sadd.s32 @!p0 $0x100000, s0  }
0x2ca: {  	[sflag:s0] =	ssyncadd.tile.s32 @!p0 $0x1;
	_ =	shalt  }
.Lfunc_end2:
_tile_overlayer_lowered:
.L_overlay_start_2:
0x2cb: {  	(tag) =	ssettag $0x2  }
0x2cc: {  	s0 =	rddreg [dreg:$0x0];
	s2 =	stileid.u32  }
0x2cd: {  	s1 =	rddreg [dreg:$0x1];
	p0 =	sne.s32 s2, $0x0  }
0x2ce: {  	s3 =	rddreg [dreg:$0x2];
	[bflag:$0x3] =	sbarrier.arrive $0xFFFF;
	s2 =	simm.s32 @!p0 $0x1C06  }
0x2cf: {  	[timem:s3], [sflag:s2] =	dma.local @!p0 [hbm:s0], s1  }
0x2d0: {  	s0 =	simm.s32 @!p0 $0x6  }
0x2d1: {  	_ =	swait.ge @!p0 [sflag:s0], s1  }
0x2d2: {  	s1 =	ssub.s32 @!p0 $0x0, s1;
	[sflag:s0] =	ssyncset.done @!p0 $0x0  }
0x2d3: {  	[sflag:s0] =	ssyncadd.s32 @!p0 s1  }
0x2d4: {  	[bflag:$0x3] =	sbarrier.arrive $0xFFFF  }
0x2d5: {  	_ =	shalt  }

</sc_bundles>
